<compile_context>
chip_gen: v7x
topology: tpu7x:2x2x1
jax: 0.10.2.dev20260603
libtpu: 0.0.44.dev20260713+nightly
codegen_flags: <defaults>
</compile_context>

<pallas_src>
import math

import jax
import jax.numpy as jnp
from jax import lax
from jax.experimental import pallas as pl
from jax.experimental.pallas import tpu as pltpu
from jax.experimental.pallas import tpu_sc as plsc

N_EMBD = 768
N_HEAD = 12
HS = N_EMBD // N_HEAD
KSEL = 16
T = 2048

TB = 256
NTB = T // TB


NSUB = 16
CH = T // NSUB
_INT_MIN = -(2 ** 31)


def _merge16(a_s, a_i, b_s, b_i):
    br_s = lax.rev(b_s, (0,))
    br_i = lax.rev(b_i, (0,))
    sel = (a_s > br_s) | ((a_s == br_s) & (a_i < br_i))
    l_s = jnp.where(sel, a_s, br_s)
    l_i = jnp.where(sel, a_i, br_i)
    srt_s, srt_i = plsc.sort_key_val(l_s, l_i, descending=True)
    return srt_s, srt_i


def _sc_scan_body(scores_hbm, k_hbm, v_hbm, m_hbm, snap_hbm, ksnap_hbm,
                  vsnap_hbm, sc_v, m_v, buf_f, buf_i,
                  sums_s_loc, sums_i_loc, pairs_t_loc, krows_v, vrows_v,
                  sum_s_sh, sum_i_sh, pair_i_sh, pair_t_sh, ksem, vsem):
    cid = lax.axis_index("c")
    sid = lax.axis_index("s")

    @pl.when(cid == 0)
    def _():
        lanes = lax.iota(jnp.int32, 16)
        base = pl.multiple_of(sid * CH, CH)
        pltpu.sync_copy(scores_hbm.at[pl.ds(base, CH)], sc_v)

        a_s = jnp.full((16,), -jnp.inf)
        a_i = lanes - 16
        for g in range(CH // 16):
            s_g = sc_v[pl.ds(g * 16, 16)]
            i_g = base + g * 16 + lanes
            s_srt, i_srt = plsc.sort_key_val(s_g, i_g, descending=True)
            a_s, a_i = _merge16(a_s, a_i, s_srt, i_srt)
        buf_f[...] = a_s
        pltpu.sync_copy(buf_f, sum_s_sh.at[pl.ds(pl.multiple_of(sid * 16, 16), 16)])
        buf_i[...] = a_i
        pltpu.sync_copy(buf_i, sum_i_sh.at[pl.ds(pl.multiple_of(sid * 16, 16), 16)])
        plsc.subcore_barrier()
        pltpu.sync_copy(sum_s_sh, sums_s_loc)
        pltpu.sync_copy(sum_i_sh, sums_i_loc)

        def bmerge(c, carry):
            p_s, p_i = carry
            off = pl.multiple_of(c * 16, 16)
            return _merge16(p_s, p_i, sums_s_loc[pl.ds(off, 16)],
                            sums_i_loc[pl.ds(off, 16)])

        p_s, p_i = lax.fori_loop(
            0, sid, bmerge, (jnp.full((16,), -jnp.inf), lanes - 16)
        )

        is_even = sid % 2 == 0

        @pl.when(is_even)
        def _():
            iv = jnp.maximum(p_i, 0)
            pltpu.async_copy(k_hbm.at[iv], krows_v, ksem)
            pltpu.async_copy(v_hbm.at[iv], vrows_v, vsem)
            buf_i[...] = p_i
            pltpu.sync_copy(buf_i, snap_hbm.at[sid // 2])

        for g in range(CH // 16):
            m_v[pl.ds(g * 16, 16)] = jnp.full((16,), T, jnp.int32)

        def step(tl, carry):
            ss, si, pt = carry
            blk = sc_v[pl.ds(pl.multiple_of((tl // 16) * 16, 16), 16)]
            s_t = jnp.min(jnp.where(lanes == (tl % 16), blk, jnp.inf))
            t = base + tl
            mn = jnp.min(ss)
            do_ins = s_t > mn
            evict_idx = jnp.max(jnp.where(ss == mn, si, _INT_MIN))
            lane = (ss == mn) & (si == evict_idx)
            valid = do_ins & (mn > -jnp.inf)
            own = evict_idx >= base
            write_local = jnp.logical_not(do_ins) | (valid & own)
            widx = jnp.where(do_ins, evict_idx - base, tl)
            plsc.store_scatter(
                m_v,
                [jnp.full((16,), widx, jnp.int32)],
                jnp.full((16,), t, jnp.int32),
                mask=(lanes == 0) & write_local,
            )
            cross = valid & jnp.logical_not(own)
            pt = jnp.where(cross & lane, jnp.full((16,), t, jnp.int32), pt)
            ins = do_ins & lane
            ss = jnp.where(ins, jnp.full((16,), s_t), ss)
            si = jnp.where(ins, jnp.full((16,), t, jnp.int32), si)
            return ss, si, pt

        _, _, pair_t = lax.fori_loop(
            0, CH, step, (p_s, p_i, jnp.full((16,), -1, jnp.int32))
        )

        buf_i[...] = p_i
        pltpu.sync_copy(buf_i, pair_i_sh.at[pl.ds(pl.multiple_of(sid * 16, 16), 16)])
        buf_i[...] = pair_t
        pltpu.sync_copy(buf_i, pair_t_sh.at[pl.ds(pl.multiple_of(sid * 16, 16), 16)])
        plsc.subcore_barrier()
        pltpu.sync_copy(pair_i_sh, sums_i_loc)
        pltpu.sync_copy(pair_t_sh, pairs_t_loc)
        for c in range(NSUB):
            iv = sums_i_loc[pl.ds(c * 16, 16)]
            tv = pairs_t_loc[pl.ds(c * 16, 16)]
            mask = (tv >= 0) & (iv >= base) & (iv < base + CH)
            plsc.store_scatter(m_v, [iv - base], tv, mask=mask)
        pltpu.sync_copy(m_v, m_hbm.at[pl.ds(base, CH)])

        @pl.when(is_even)
        def _():
            iv = jnp.maximum(p_i, 0)
            b16 = pl.multiple_of((sid // 2) * 16, 16)
            pltpu.make_async_copy(k_hbm.at[iv], krows_v, ksem).wait()
            pltpu.sync_copy(krows_v, ksnap_hbm.at[pl.ds(b16, 16), :])
            pltpu.make_async_copy(v_hbm.at[iv], vrows_v, vsem).wait()
            pltpu.sync_copy(vrows_v, vsnap_hbm.at[pl.ds(b16, 16), :])


def _sc_scan(scores, k2d, v2d):
    mesh = plsc.VectorSubcoreMesh(core_axis_name="c", subcore_axis_name="s")
    return pl.kernel(
        _sc_scan_body,
        mesh=mesh,
        compiler_params=pltpu.CompilerParams(needs_layout_passes=False),
        out_type=[
            jax.ShapeDtypeStruct((T,), jnp.int32),
            jax.ShapeDtypeStruct((NTB, 16), jnp.int32),
            jax.ShapeDtypeStruct((NTB * 16, N_EMBD), jnp.float32),
            jax.ShapeDtypeStruct((NTB * 16, N_EMBD), jnp.float32),
        ],
        scratch_types=[
            pltpu.VMEM((CH,), jnp.float32),
            pltpu.VMEM((CH,), jnp.int32),
            pltpu.VMEM((16,), jnp.float32),
            pltpu.VMEM((16,), jnp.int32),
            pltpu.VMEM((NSUB * 16,), jnp.float32),
            pltpu.VMEM((NSUB * 16,), jnp.int32),
            pltpu.VMEM((NSUB * 16,), jnp.int32),
            pltpu.VMEM((16, N_EMBD), jnp.float32),
            pltpu.VMEM((16, N_EMBD), jnp.float32),
            pltpu.VMEM_SHARED((NSUB * 16,), jnp.float32),
            pltpu.VMEM_SHARED((NSUB * 16,), jnp.int32),
            pltpu.VMEM_SHARED((NSUB * 16,), jnp.int32),
            pltpu.VMEM_SHARED((NSUB * 16,), jnp.int32),
            pltpu.SemaphoreType.DMA,
            pltpu.SemaphoreType.DMA,
        ],
    )(scores, k2d, v2d)


def _proj_body(x_ref, qw_ref, kw_ref, vw_ref, qb_ref, kb_ref, vb_ref,
               ksw_ref, ksb_ref, q_ref, k_ref, v_ref, s_ref):
    xb = x_ref[...]
    for w_ref, b_ref, o_ref in (
        (qw_ref, qb_ref, q_ref),
        (kw_ref, kb_ref, k_ref),
        (vw_ref, vb_ref, v_ref),
    ):
        o_ref[...] = (
            lax.dot_general(
                xb, w_ref[...], (((1,), (1,)), ((), ())),
                preferred_element_type=jnp.float32,
            )
            + b_ref[...]
        )
    s_ref[...] = (
        lax.dot_general(
            ksw_ref[...], xb, (((1,), (1,)), ((), ())),
            preferred_element_type=jnp.float32,
        )
        + ksb_ref[0, 0]
    )


def _tc_proj(x2d, q_w, k_w, v_w, q_b, k_b, v_b, ks_w, ks_b):
    wspec = pl.BlockSpec((N_EMBD, N_EMBD), lambda i: (0, 0))
    bspec = pl.BlockSpec((1, N_EMBD), lambda i: (0, 0))
    ospec = pl.BlockSpec((TB, N_EMBD), lambda i: (i, 0))
    return pl.pallas_call(
        _proj_body,
        grid=(NTB,),
        in_specs=[
            pl.BlockSpec((TB, N_EMBD), lambda i: (i, 0)),
            wspec, wspec, wspec, bspec, bspec, bspec,
            pl.BlockSpec((1, N_EMBD), lambda i: (0, 0)),
            pl.BlockSpec((1, 1), lambda i: (0, 0), memory_space=pltpu.SMEM),
        ],
        out_specs=[ospec, ospec, ospec,
                   pl.BlockSpec((1, TB), lambda i: (0, i))],
        out_shape=[jax.ShapeDtypeStruct((T, N_EMBD), jnp.float32)] * 3
        + [jax.ShapeDtypeStruct((1, T), jnp.float32)],
    )(x2d, q_w, k_w, v_w, q_b[None, :], k_b[None, :], v_b[None, :],
      ks_w, ks_b[None, :])


def _attn_body(q_ref, kb_ref, vb_ref, ks_ref, vs_ref, m_ref, mb_ref,
               snap_ref, cw_ref, cb_ref, o_ref, y_ref):
    tb = pl.program_id(0)
    scale = 1.0 / math.sqrt(HS)

    snap = snap_ref[0]
    jall = lax.broadcasted_iota(jnp.int32, (T, KSEL), 0)
    onehot = (jall == snap).astype(jnp.float32)
    m_f = m_ref[...].astype(jnp.float32)
    m_snap = lax.dot_general(
        m_f, onehot, (((1,), (0,)), ((), ())),
        preferred_element_type=jnp.float32,
        precision=lax.Precision.HIGHEST,
    )

    t_col = tb * TB + lax.broadcasted_iota(jnp.int32, (TB, 1), 0)
    add1 = jnp.where(
        t_col.astype(jnp.float32) < m_snap, 0.0, -jnp.inf
    )

    t = tb * TB + lax.broadcasted_iota(jnp.int32, (TB, TB), 0)
    j = tb * TB + lax.broadcasted_iota(jnp.int32, (TB, TB), 1)
    active2 = (j <= t) & (t < mb_ref[...])
    tf = t.astype(jnp.float32)
    boost = jnp.where(j == t, jnp.log(jnp.maximum(KSEL - tf, 1.0)), 0.0)
    add2 = jnp.where(active2, boost, -jnp.inf)

    qb = q_ref[...]
    kb = kb_ref[...]
    vb = vb_ref[...]
    ksnap = ks_ref[...]
    vsnap = vs_ref[...]
    for h in range(N_HEAD):
        sl = slice(h * HS, (h + 1) * HS)
        qh = qb[:, sl]
        l1 = lax.dot_general(
            qh, ksnap[:, sl], (((1,), (1,)), ((), ())),
            preferred_element_type=jnp.float32,
        ) * scale + add1
        l2 = lax.dot_general(
            qh, kb[:, sl], (((1,), (1,)), ((), ())),
            preferred_element_type=jnp.float32,
        ) * scale + add2
        mx = jnp.maximum(
            jnp.max(l1, axis=1, keepdims=True),
            jnp.max(l2, axis=1, keepdims=True),
        )
        p1 = jnp.exp(l1 - mx)
        p2 = jnp.exp(l2 - mx)
        s = (
            jnp.sum(p1, axis=1, keepdims=True)
            + jnp.sum(p2, axis=1, keepdims=True)
        )
        y_ref[:, sl] = (
            jnp.dot(p1, vsnap[:, sl], preferred_element_type=jnp.float32)
            + jnp.dot(p2, vb[:, sl], preferred_element_type=jnp.float32)
        ) / s
    o_ref[...] = (
        lax.dot_general(
            y_ref[...], cw_ref[...], (((1,), (1,)), ((), ())),
            preferred_element_type=jnp.float32,
        )
        + cb_ref[...]
    )


def _tc_attn(q2d, k2d, v2d, ksnap, vsnap, m_row, snap, c_w, c_b):
    return pl.pallas_call(
        _attn_body,
        grid=(NTB,),
        in_specs=[
            pl.BlockSpec((TB, N_EMBD), lambda tb: (tb, 0)),
            pl.BlockSpec((TB, N_EMBD), lambda tb: (tb, 0)),
            pl.BlockSpec((TB, N_EMBD), lambda tb: (tb, 0)),
            pl.BlockSpec((KSEL, N_EMBD), lambda tb: (tb, 0)),
            pl.BlockSpec((KSEL, N_EMBD), lambda tb: (tb, 0)),
            pl.BlockSpec((1, T), lambda tb: (0, 0)),
            pl.BlockSpec((1, TB), lambda tb: (0, tb)),
            pl.BlockSpec((1, 1, KSEL), lambda tb: (tb, 0, 0)),
            pl.BlockSpec((N_EMBD, N_EMBD), lambda tb: (0, 0)),
            pl.BlockSpec((1, N_EMBD), lambda tb: (0, 0)),
        ],
        out_specs=pl.BlockSpec((TB, N_EMBD), lambda tb: (tb, 0)),
        out_shape=jax.ShapeDtypeStruct((T, N_EMBD), jnp.float32),
        scratch_shapes=[pltpu.VMEM((TB, N_EMBD), jnp.float32)],
    )(q2d, k2d, v2d, ksnap, vsnap, m_row, m_row, snap[:, None, :],
      c_w, c_b[None, :])


def kernel(x, q_w, q_b, k_w, k_b, v_w, v_b, c_w, c_b, qs_w, qs_b, ks_w, ks_b):
    x2d = x[0]
    q2d, k2d, v2d, scores = _tc_proj(
        x2d, q_w, k_w, v_w, q_b, k_b, v_b, ks_w, ks_b
    )
    m, snap, ksnap, vsnap = _sc_scan(scores.reshape(T), k2d, v2d)
    out = _tc_attn(q2d, k2d, v2d, ksnap, vsnap, m[None, :], snap, c_w, c_b)
    return out[None]

# --- scband reference (transcript-rebuilt; emitter-appended) ---
"""Pipeline reference for scband-graph-attention-73753178407510 (READ-ONLY COPY).

The authoritative reference and input builder live on the scoring server;
editing this copy changes nothing except your own understanding.
"""

import jax, jax.numpy as jnp
import numpy as np
import math

N_EMBD = 768
N_HEAD = 12
K_SPARSE = 16
B = 1
T = 2048


def setup_inputs(seed: int = 0):
    key = jax.random.key(seed)
    ks = jax.random.split(key, 16)

    def w(k, o, i):
        return jax.random.normal(k, (o, i), dtype=jnp.float32) * 0.02

    inp = {}
    inp["x"] = jax.random.normal(ks[0], (B, T, N_EMBD), dtype=jnp.float32)
    inp["q_w"] = w(ks[1], N_EMBD, N_EMBD); inp["q_b"] = jnp.zeros((N_EMBD,), jnp.float32)
    inp["k_w"] = w(ks[2], N_EMBD, N_EMBD); inp["k_b"] = jnp.zeros((N_EMBD,), jnp.float32)
    inp["v_w"] = w(ks[3], N_EMBD, N_EMBD); inp["v_b"] = jnp.zeros((N_EMBD,), jnp.float32)
    inp["c_w"] = w(ks[4], N_EMBD, N_EMBD); inp["c_b"] = jnp.zeros((N_EMBD,), jnp.float32)
    inp["qs_w"] = w(ks[5], 1, N_EMBD); inp["qs_b"] = jnp.zeros((1,), jnp.float32)
    inp["ks_w"] = w(ks[6], 1, N_EMBD); inp["ks_b"] = jnp.zeros((1,), jnp.float32)
    return inp


def reference(x, q_w, q_b, k_w, k_b, v_w, v_b, c_w, c_b, qs_w, qs_b, ks_w, ks_b):
    Bx, Tx, C = x.shape
    nh = N_HEAD
    hs = C // nh
    kval = min(K_SPARSE, Tx)
    q = (x @ q_w.T + q_b).reshape(Bx, Tx, nh, hs).transpose(0, 2, 1, 3)
    k = (x @ k_w.T + k_b).reshape(Bx, Tx, nh, hs).transpose(0, 2, 1, 3)
    v = (x @ v_w.T + v_b).reshape(Bx, Tx, nh, hs).transpose(0, 2, 1, 3)
    causal = jnp.tril(jnp.ones((Tx, Tx), dtype=bool))
    qpos = jnp.arange(Tx).reshape(1, Tx, 1)
    # query-scorer branch (its downstream big matmul attn_logits_b is dead code in the
    # original torch module: it never affects the returned output, so the huge
    # (B, nh, T, k, T) logits tensor is not materialized here; the index computation is kept)
    query_scores = (x @ qs_w.T + qs_b)[..., 0]
    masked_b = jnp.where(causal[None, :, :], query_scores[:, None, :], -jnp.inf)
    _, top_q_idx = jax.lax.top_k(masked_b, kval)
    top_q_idx = jnp.minimum(top_q_idx, qpos)
    # key-scorer branch (live path)
    key_scores = (x @ ks_w.T + ks_b)[..., 0]
    masked_g = jnp.where(causal[None, :, :], key_scores[:, None, :], -jnp.inf)
    _, top_k_idx = jax.lax.top_k(masked_g, kval)
    top_k_idx = jnp.minimum(top_k_idx, qpos)
    idx = jnp.broadcast_to(top_k_idx[:, None, :, :], (Bx, nh, Tx, kval)).reshape(Bx, nh, Tx * kval, 1)
    idx = jnp.broadcast_to(idx, (Bx, nh, Tx * kval, hs))
    sparse_k = jnp.take_along_axis(k, idx, axis=2).reshape(Bx, nh, Tx, kval, hs)
    sparse_v = jnp.take_along_axis(v, idx, axis=2).reshape(Bx, nh, Tx, kval, hs)
    logits = jnp.einsum('bhtd,bhtkd->bhtk', q, sparse_k) * (1.0 / math.sqrt(hs))
    probs = jax.nn.softmax(logits, axis=-1)
    out = jnp.einsum('bhtk,bhtkd->bhtd', probs, sparse_v)
    out = out.transpose(0, 2, 1, 3).reshape(Bx, Tx, C)
    return out @ c_w.T + c_b

if __name__ == "__main__":
    import jax
    _d = setup_inputs()
    print(jax.jit(kernel)(*tuple(_d.values())))

</pallas_src>

<mosaic_0001>
#map = affine_map<(d0, d1) -> (0)>
#map1 = affine_map<(d0, d1) -> (0, 0)>
module attributes {stable_mosaic.version = 14 : i64} {
  func.func @_sc_scan_body(%arg0: i32, %arg1: i32, %arg2: memref<2048xf32, #tpu.memory_space<hbm>>, %arg3: memref<2048x768xf32, #tpu.memory_space<hbm>>, %arg4: memref<2048x768xf32, #tpu.memory_space<hbm>>, %arg5: memref<2048xi32, #tpu.memory_space<hbm>>, %arg6: memref<8x16xi32, #tpu.memory_space<hbm>>, %arg7: memref<128x768xf32, #tpu.memory_space<hbm>>, %arg8: memref<128x768xf32, #tpu.memory_space<hbm>>, %arg9: memref<128xf32, #tpu.memory_space<vmem>>, %arg10: memref<128xi32, #tpu.memory_space<vmem>>, %arg11: memref<16xf32, #tpu.memory_space<vmem>>, %arg12: memref<16xi32, #tpu.memory_space<vmem>>, %arg13: memref<256xf32, #tpu.memory_space<vmem>>, %arg14: memref<256xi32, #tpu.memory_space<vmem>>, %arg15: memref<256xi32, #tpu.memory_space<vmem>>, %arg16: memref<16x768xf32, #tpu.memory_space<vmem>>, %arg17: memref<16x768xf32, #tpu.memory_space<vmem>>, %arg18: memref<256xf32, #tpu.memory_space<vmem_shared>>, %arg19: memref<256xi32, #tpu.memory_space<vmem_shared>>, %arg20: memref<256xi32, #tpu.memory_space<vmem_shared>>, %arg21: memref<256xi32, #tpu.memory_space<vmem_shared>>, %arg22: memref<!tpu.dma_semaphore, #tpu.memory_space<semaphore_mem>>, %arg23: memref<!tpu.dma_semaphore, #tpu.memory_space<semaphore_mem>>) attributes {dimension_semantics = [#tpu.dimension_semantics<core_parallel>, #tpu.dimension_semantics<subcore_parallel>], iteration_bounds = array<i64: 2, 16>, scalar_prefetch = 0 : i64, scratch_operands = 15 : i64, tpu.core_type = #tpu.core_type<sc_vector_subcore>, window_params = [{transform_indices = #map}, {transform_indices = #map1}, {transform_indices = #map1}, {transform_indices = #map}, {transform_indices = #map1}, {transform_indices = #map1}, {transform_indices = #map1}]} {
    %eq3A = arith.constant 0 : i32
    %eq3A_0 = arith.cmpi eq, %arg0, %eq3A : i32
    %convert_element_type3A = arith.extui %eq3A_0 : i1 to i32
    %cond3A = arith.constant 0 : i32
    %cond3A_1 = arith.cmpi ne, %convert_element_type3A, %cond3A : i32
    scf.if %cond3A_1 {
      %iota3A = tpu.iota {dimensions = array<i32: 0>} : vector<16xi32>
      %mul3A = arith.constant 128 : i32
      %mul3A_2 = arith.muli %arg1, %mul3A : i32
      %multiple_of3A = tpu.assume_multiple %mul3A_2, 128 : i32
      "tpu.region"() ({
        %run_scoped3A = tpu.sem_alloc : memref<!tpu.dma_semaphore, #tpu.memory_space<semaphore_mem>>
        %dma_start3A = tpu.memref_slice %arg2[%multiple_of3A] : memref<2048xf32, #tpu.memory_space<hbm>> -> memref<128xf32, #tpu.memory_space<hbm>>
        %dma_start3A_611 = tpu.memref_slice %arg2[%multiple_of3A] : memref<2048xf32, #tpu.memory_space<hbm>> -> memref<128xf32, #tpu.memory_space<hbm>>
        tpu.enqueue_dma source(%dma_start3A_611 : memref<128xf32, #tpu.memory_space<hbm>>) target(%arg9 : memref<128xf32, #tpu.memory_space<vmem>>) target_semaphore(%run_scoped3A : memref<!tpu.dma_semaphore, #tpu.memory_space<semaphore_mem>>)
        %dma_wait3A = tpu.memref_slice %arg2[%multiple_of3A] : memref<2048xf32, #tpu.memory_space<hbm>> -> memref<128xf32, #tpu.memory_space<hbm>>
        %dma_wait3A_612 = tpu.memref_slice %arg2[%multiple_of3A] : memref<2048xf32, #tpu.memory_space<hbm>> -> memref<128xf32, #tpu.memory_space<hbm>>
        tpu.wait_dma2 semaphore(%run_scoped3A : memref<!tpu.dma_semaphore, #tpu.memory_space<semaphore_mem>>) src(%dma_wait3A_612 : memref<128xf32, #tpu.memory_space<hbm>>) dst(%arg9 : memref<128xf32, #tpu.memory_space<vmem>>)
        tpu.yield
      }) : () -> ()
      %broadcast_in_dim3A = arith.constant 0xFF800000 : f32
      %broadcast_in_dim3A_3 = vector.broadcast %broadcast_in_dim3A : f32 to vector<16xf32>
      %sub3A = arith.constant 16 : i32
      %sub3A_4 = vector.broadcast %sub3A : i32 to vector<16xi32>
      %sub3A_5 = arith.subi %iota3A, %sub3A_4 : vector<16xi32>
      %get3A = arith.constant 0 : index
      %get3A_6 = tpu.vector_load %arg9[%get3A] {strides = array<i32>} : memref<128xf32, #tpu.memory_space<vmem>>, vector<16xf32>,
      %add3A = arith.constant 0 : i32
      %add3A_7 = arith.addi %multiple_of3A, %add3A : i32
      %add3A_8 = vector.broadcast %add3A_7 : i32 to vector<16xi32>
      %add3A_9 = arith.addi %add3A_8, %iota3A : vector<16xi32>
      %masked_sort3A = arith.constant dense<true> : vector<16xi1>
      %masked_sort3A_10, %masked_sort3A_11, %masked_sort3A_12 = tpu.sort %get3A_6, %add3A_9 masked %masked_sort3A {descending = true} : (vector<16xf32>, vector<16xi32>, vector<16xi1>) -> (vector<16xi1>, vector<16xf32>, vector<16xi32>)
      %rev3A = arith.constant 15 : i32
      %rev3A_13 = vector.broadcast %rev3A : i32 to vector<16xi32>
      %rev3A_14 = tpu.iota {dimensions = array<i32: 0>} : vector<16xi32>
      %rev3A_15 = arith.subi %rev3A_13, %rev3A_14 : vector<16xi32>
      %rev3A_16 = tpu.dynamic_gather %masked_sort3A_11[%rev3A_15] in [0] : vector<16xf32>, vector<16xi32> -> vector<16xf32>
      %rev3A_17 = arith.constant 15 : i32
      %rev3A_18 = vector.broadcast %rev3A_17 : i32 to vector<16xi32>
      %rev3A_19 = tpu.iota {dimensions = array<i32: 0>} : vector<16xi32>
      %rev3A_20 = arith.subi %rev3A_18, %rev3A_19 : vector<16xi32>
      %rev3A_21 = tpu.dynamic_gather %masked_sort3A_12[%rev3A_20] in [0] : vector<16xi32>, vector<16xi32> -> vector<16xi32>
      %gt3A = arith.cmpf ogt, %broadcast_in_dim3A_3, %rev3A_16 : vector<16xf32>
      %eq3A_22 = arith.cmpf oeq, %broadcast_in_dim3A_3, %rev3A_16 : vector<16xf32>
      %lt3A = arith.cmpi slt, %sub3A_5, %rev3A_21 : vector<16xi32>
      %and3A = arith.andi %eq3A_22, %lt3A : vector<16xi1>
      %or3A = arith.ori %gt3A, %and3A : vector<16xi1>
      %select_n3A = arith.select %or3A, %broadcast_in_dim3A_3, %rev3A_16 : vector<16xi1>, vector<16xf32>
      %select_n3A_23 = arith.select %or3A, %sub3A_5, %rev3A_21 : vector<16xi1>, vector<16xi32>
      %masked_sort3A_24 = arith.constant dense<true> : vector<16xi1>
      %masked_sort3A_25, %masked_sort3A_26, %masked_sort3A_27 = tpu.sort %select_n3A, %select_n3A_23 masked %masked_sort3A_24 {descending = true} : (vector<16xf32>, vector<16xi32>, vector<16xi1>) -> (vector<16xi1>, vector<16xf32>, vector<16xi32>)
      %get3A_28 = arith.constant 16 : index
      %get3A_29 = tpu.vector_load %arg9[%get3A_28] {strides = array<i32>} : memref<128xf32, #tpu.memory_space<vmem>>, vector<16xf32>,
      %add3A_30 = arith.constant 16 : i32
      %add3A_31 = arith.addi %multiple_of3A, %add3A_30 : i32
      %add3A_32 = vector.broadcast %add3A_31 : i32 to vector<16xi32>
      %add3A_33 = arith.addi %add3A_32, %iota3A : vector<16xi32>
      %masked_sort3A_34 = arith.constant dense<true> : vector<16xi1>
      %masked_sort3A_35, %masked_sort3A_36, %masked_sort3A_37 = tpu.sort %get3A_29, %add3A_33 masked %masked_sort3A_34 {descending = true} : (vector<16xf32>, vector<16xi32>, vector<16xi1>) -> (vector<16xi1>, vector<16xf32>, vector<16xi32>)
      %rev3A_38 = arith.constant 15 : i32
      %rev3A_39 = vector.broadcast %rev3A_38 : i32 to vector<16xi32>
      %rev3A_40 = tpu.iota {dimensions = array<i32: 0>} : vector<16xi32>
      %rev3A_41 = arith.subi %rev3A_39, %rev3A_40 : vector<16xi32>
      %rev3A_42 = tpu.dynamic_gather %masked_sort3A_36[%rev3A_41] in [0] : vector<16xf32>, vector<16xi32> -> vector<16xf32>
      %rev3A_43 = arith.constant 15 : i32
      %rev3A_44 = vector.broadcast %rev3A_43 : i32 to vector<16xi32>
      %rev3A_45 = tpu.iota {dimensions = array<i32: 0>} : vector<16xi32>
      %rev3A_46 = arith.subi %rev3A_44, %rev3A_45 : vector<16xi32>
      %rev3A_47 = tpu.dynamic_gather %masked_sort3A_37[%rev3A_46] in [0] : vector<16xi32>, vector<16xi32> -> vector<16xi32>
      %gt3A_48 = arith.cmpf ogt, %masked_sort3A_26, %rev3A_42 : vector<16xf32>
      %eq3A_49 = arith.cmpf oeq, %masked_sort3A_26, %rev3A_42 : vector<16xf32>
      %lt3A_50 = arith.cmpi slt, %masked_sort3A_27, %rev3A_47 : vector<16xi32>
      %and3A_51 = arith.andi %eq3A_49, %lt3A_50 : vector<16xi1>
      %or3A_52 = arith.ori %gt3A_48, %and3A_51 : vector<16xi1>
      %select_n3A_53 = arith.select %or3A_52, %masked_sort3A_26, %rev3A_42 : vector<16xi1>, vector<16xf32>
      %select_n3A_54 = arith.select %or3A_52, %masked_sort3A_27, %rev3A_47 : vector<16xi1>, vector<16xi32>
      %masked_sort3A_55 = arith.constant dense<true> : vector<16xi1>
      %masked_sort3A_56, %masked_sort3A_57, %masked_sort3A_58 = tpu.sort %select_n3A_53, %select_n3A_54 masked %masked_sort3A_55 {descending = true} : (vector<16xf32>, vector<16xi32>, vector<16xi1>) -> (vector<16xi1>, vector<16xf32>, vector<16xi32>)
      %get3A_59 = arith.constant 32 : index
      %get3A_60 = tpu.vector_load %arg9[%get3A_59] {strides = array<i32>} : memref<128xf32, #tpu.memory_space<vmem>>, vector<16xf32>,
      %add3A_61 = arith.constant 32 : i32
      %add3A_62 = arith.addi %multiple_of3A, %add3A_61 : i32
      %add3A_63 = vector.broadcast %add3A_62 : i32 to vector<16xi32>
      %add3A_64 = arith.addi %add3A_63, %iota3A : vector<16xi32>
      %masked_sort3A_65 = arith.constant dense<true> : vector<16xi1>
      %masked_sort3A_66, %masked_sort3A_67, %masked_sort3A_68 = tpu.sort %get3A_60, %add3A_64 masked %masked_sort3A_65 {descending = true} : (vector<16xf32>, vector<16xi32>, vector<16xi1>) -> (vector<16xi1>, vector<16xf32>, vector<16xi32>)
      %rev3A_69 = arith.constant 15 : i32
      %rev3A_70 = vector.broadcast %rev3A_69 : i32 to vector<16xi32>
      %rev3A_71 = tpu.iota {dimensions = array<i32: 0>} : vector<16xi32>
      %rev3A_72 = arith.subi %rev3A_70, %rev3A_71 : vector<16xi32>
      %rev3A_73 = tpu.dynamic_gather %masked_sort3A_67[%rev3A_72] in [0] : vector<16xf32>, vector<16xi32> -> vector<16xf32>
      %rev3A_74 = arith.constant 15 : i32
      %rev3A_75 = vector.broadcast %rev3A_74 : i32 to vector<16xi32>
      %rev3A_76 = tpu.iota {dimensions = array<i32: 0>} : vector<16xi32>
      %rev3A_77 = arith.subi %rev3A_75, %rev3A_76 : vector<16xi32>
      %rev3A_78 = tpu.dynamic_gather %masked_sort3A_68[%rev3A_77] in [0] : vector<16xi32>, vector<16xi32> -> vector<16xi32>
      %gt3A_79 = arith.cmpf ogt, %masked_sort3A_57, %rev3A_73 : vector<16xf32>
      %eq3A_80 = arith.cmpf oeq, %masked_sort3A_57, %rev3A_73 : vector<16xf32>
      %lt3A_81 = arith.cmpi slt, %masked_sort3A_58, %rev3A_78 : vector<16xi32>
      %and3A_82 = arith.andi %eq3A_80, %lt3A_81 : vector<16xi1>
      %or3A_83 = arith.ori %gt3A_79, %and3A_82 : vector<16xi1>
      %select_n3A_84 = arith.select %or3A_83, %masked_sort3A_57, %rev3A_73 : vector<16xi1>, vector<16xf32>
      %select_n3A_85 = arith.select %or3A_83, %masked_sort3A_58, %rev3A_78 : vector<16xi1>, vector<16xi32>
      %masked_sort3A_86 = arith.constant dense<true> : vector<16xi1>
      %masked_sort3A_87, %masked_sort3A_88, %masked_sort3A_89 = tpu.sort %select_n3A_84, %select_n3A_85 masked %masked_sort3A_86 {descending = true} : (vector<16xf32>, vector<16xi32>, vector<16xi1>) -> (vector<16xi1>, vector<16xf32>, vector<16xi32>)
      %get3A_90 = arith.constant 48 : index
      %get3A_91 = tpu.vector_load %arg9[%get3A_90] {strides = array<i32>} : memref<128xf32, #tpu.memory_space<vmem>>, vector<16xf32>,
      %add3A_92 = arith.constant 48 : i32
      %add3A_93 = arith.addi %multiple_of3A, %add3A_92 : i32
      %add3A_94 = vector.broadcast %add3A_93 : i32 to vector<16xi32>
      %add3A_95 = arith.addi %add3A_94, %iota3A : vector<16xi32>
      %masked_sort3A_96 = arith.constant dense<true> : vector<16xi1>
      %masked_sort3A_97, %masked_sort3A_98, %masked_sort3A_99 = tpu.sort %get3A_91, %add3A_95 masked %masked_sort3A_96 {descending = true} : (vector<16xf32>, vector<16xi32>, vector<16xi1>) -> (vector<16xi1>, vector<16xf32>, vector<16xi32>)
      %rev3A_100 = arith.constant 15 : i32
      %rev3A_101 = vector.broadcast %rev3A_100 : i32 to vector<16xi32>
      %rev3A_102 = tpu.iota {dimensions = array<i32: 0>} : vector<16xi32>
      %rev3A_103 = arith.subi %rev3A_101, %rev3A_102 : vector<16xi32>
      %rev3A_104 = tpu.dynamic_gather %masked_sort3A_98[%rev3A_103] in [0] : vector<16xf32>, vector<16xi32> -> vector<16xf32>
      %rev3A_105 = arith.constant 15 : i32
      %rev3A_106 = vector.broadcast %rev3A_105 : i32 to vector<16xi32>
      %rev3A_107 = tpu.iota {dimensions = array<i32: 0>} : vector<16xi32>
      %rev3A_108 = arith.subi %rev3A_106, %rev3A_107 : vector<16xi32>
      %rev3A_109 = tpu.dynamic_gather %masked_sort3A_99[%rev3A_108] in [0] : vector<16xi32>, vector<16xi32> -> vector<16xi32>
      %gt3A_110 = arith.cmpf ogt, %masked_sort3A_88, %rev3A_104 : vector<16xf32>
      %eq3A_111 = arith.cmpf oeq, %masked_sort3A_88, %rev3A_104 : vector<16xf32>
      %lt3A_112 = arith.cmpi slt, %masked_sort3A_89, %rev3A_109 : vector<16xi32>
      %and3A_113 = arith.andi %eq3A_111, %lt3A_112 : vector<16xi1>
      %or3A_114 = arith.ori %gt3A_110, %and3A_113 : vector<16xi1>
      %select_n3A_115 = arith.select %or3A_114, %masked_sort3A_88, %rev3A_104 : vector<16xi1>, vector<16xf32>
      %select_n3A_116 = arith.select %or3A_114, %masked_sort3A_89, %rev3A_109 : vector<16xi1>, vector<16xi32>
      %masked_sort3A_117 = arith.constant dense<true> : vector<16xi1>
      %masked_sort3A_118, %masked_sort3A_119, %masked_sort3A_120 = tpu.sort %select_n3A_115, %select_n3A_116 masked %masked_sort3A_117 {descending = true} : (vector<16xf32>, vector<16xi32>, vector<16xi1>) -> (vector<16xi1>, vector<16xf32>, vector<16xi32>)
      %get3A_121 = arith.constant 64 : index
      %get3A_122 = tpu.vector_load %arg9[%get3A_121] {strides = array<i32>} : memref<128xf32, #tpu.memory_space<vmem>>, vector<16xf32>,
      %add3A_123 = arith.constant 64 : i32
      %add3A_124 = arith.addi %multiple_of3A, %add3A_123 : i32
      %add3A_125 = vector.broadcast %add3A_124 : i32 to vector<16xi32>
      %add3A_126 = arith.addi %add3A_125, %iota3A : vector<16xi32>
      %masked_sort3A_127 = arith.constant dense<true> : vector<16xi1>
      %masked_sort3A_128, %masked_sort3A_129, %masked_sort3A_130 = tpu.sort %get3A_122, %add3A_126 masked %masked_sort3A_127 {descending = true} : (vector<16xf32>, vector<16xi32>, vector<16xi1>) -> (vector<16xi1>, vector<16xf32>, vector<16xi32>)
      %rev3A_131 = arith.constant 15 : i32
      %rev3A_132 = vector.broadcast %rev3A_131 : i32 to vector<16xi32>
      %rev3A_133 = tpu.iota {dimensions = array<i32: 0>} : vector<16xi32>
      %rev3A_134 = arith.subi %rev3A_132, %rev3A_133 : vector<16xi32>
      %rev3A_135 = tpu.dynamic_gather %masked_sort3A_129[%rev3A_134] in [0] : vector<16xf32>, vector<16xi32> -> vector<16xf32>
      %rev3A_136 = arith.constant 15 : i32
      %rev3A_137 = vector.broadcast %rev3A_136 : i32 to vector<16xi32>
      %rev3A_138 = tpu.iota {dimensions = array<i32: 0>} : vector<16xi32>
      %rev3A_139 = arith.subi %rev3A_137, %rev3A_138 : vector<16xi32>
      %rev3A_140 = tpu.dynamic_gather %masked_sort3A_130[%rev3A_139] in [0] : vector<16xi32>, vector<16xi32> -> vector<16xi32>
      %gt3A_141 = arith.cmpf ogt, %masked_sort3A_119, %rev3A_135 : vector<16xf32>
      %eq3A_142 = arith.cmpf oeq, %masked_sort3A_119, %rev3A_135 : vector<16xf32>
      %lt3A_143 = arith.cmpi slt, %masked_sort3A_120, %rev3A_140 : vector<16xi32>
      %and3A_144 = arith.andi %eq3A_142, %lt3A_143 : vector<16xi1>
      %or3A_145 = arith.ori %gt3A_141, %and3A_144 : vector<16xi1>
      %select_n3A_146 = arith.select %or3A_145, %masked_sort3A_119, %rev3A_135 : vector<16xi1>, vector<16xf32>
      %select_n3A_147 = arith.select %or3A_145, %masked_sort3A_120, %rev3A_140 : vector<16xi1>, vector<16xi32>
      %masked_sort3A_148 = arith.constant dense<true> : vector<16xi1>
      %masked_sort3A_149, %masked_sort3A_150, %masked_sort3A_151 = tpu.sort %select_n3A_146, %select_n3A_147 masked %masked_sort3A_148 {descending = true} : (vector<16xf32>, vector<16xi32>, vector<16xi1>) -> (vector<16xi1>, vector<16xf32>, vector<16xi32>)
      %get3A_152 = arith.constant 80 : index
      %get3A_153 = tpu.vector_load %arg9[%get3A_152] {strides = array<i32>} : memref<128xf32, #tpu.memory_space<vmem>>, vector<16xf32>,
      %add3A_154 = arith.constant 80 : i32
      %add3A_155 = arith.addi %multiple_of3A, %add3A_154 : i32
      %add3A_156 = vector.broadcast %add3A_155 : i32 to vector<16xi32>
      %add3A_157 = arith.addi %add3A_156, %iota3A : vector<16xi32>
      %masked_sort3A_158 = arith.constant dense<true> : vector<16xi1>
      %masked_sort3A_159, %masked_sort3A_160, %masked_sort3A_161 = tpu.sort %get3A_153, %add3A_157 masked %masked_sort3A_158 {descending = true} : (vector<16xf32>, vector<16xi32>, vector<16xi1>) -> (vector<16xi1>, vector<16xf32>, vector<16xi32>)
      %rev3A_162 = arith.constant 15 : i32
      %rev3A_163 = vector.broadcast %rev3A_162 : i32 to vector<16xi32>
      %rev3A_164 = tpu.iota {dimensions = array<i32: 0>} : vector<16xi32>
      %rev3A_165 = arith.subi %rev3A_163, %rev3A_164 : vector<16xi32>
      %rev3A_166 = tpu.dynamic_gather %masked_sort3A_160[%rev3A_165] in [0] : vector<16xf32>, vector<16xi32> -> vector<16xf32>
      %rev3A_167 = arith.constant 15 : i32
      %rev3A_168 = vector.broadcast %rev3A_167 : i32 to vector<16xi32>
      %rev3A_169 = tpu.iota {dimensions = array<i32: 0>} : vector<16xi32>
      %rev3A_170 = arith.subi %rev3A_168, %rev3A_169 : vector<16xi32>
      %rev3A_171 = tpu.dynamic_gather %masked_sort3A_161[%rev3A_170] in [0] : vector<16xi32>, vector<16xi32> -> vector<16xi32>
      %gt3A_172 = arith.cmpf ogt, %masked_sort3A_150, %rev3A_166 : vector<16xf32>
      %eq3A_173 = arith.cmpf oeq, %masked_sort3A_150, %rev3A_166 : vector<16xf32>
      %lt3A_174 = arith.cmpi slt, %masked_sort3A_151, %rev3A_171 : vector<16xi32>
      %and3A_175 = arith.andi %eq3A_173, %lt3A_174 : vector<16xi1>
      %or3A_176 = arith.ori %gt3A_172, %and3A_175 : vector<16xi1>
      %select_n3A_177 = arith.select %or3A_176, %masked_sort3A_150, %rev3A_166 : vector<16xi1>, vector<16xf32>
      %select_n3A_178 = arith.select %or3A_176, %masked_sort3A_151, %rev3A_171 : vector<16xi1>, vector<16xi32>
      %masked_sort3A_179 = arith.constant dense<true> : vector<16xi1>
      %masked_sort3A_180, %masked_sort3A_181, %masked_sort3A_182 = tpu.sort %select_n3A_177, %select_n3A_178 masked %masked_sort3A_179 {descending = true} : (vector<16xf32>, vector<16xi32>, vector<16xi1>) -> (vector<16xi1>, vector<16xf32>, vector<16xi32>)
      %get3A_183 = arith.constant 96 : index
      %get3A_184 = tpu.vector_load %arg9[%get3A_183] {strides = array<i32>} : memref<128xf32, #tpu.memory_space<vmem>>, vector<16xf32>,
      %add3A_185 = arith.constant 96 : i32
      %add3A_186 = arith.addi %multiple_of3A, %add3A_185 : i32
      %add3A_187 = vector.broadcast %add3A_186 : i32 to vector<16xi32>
      %add3A_188 = arith.addi %add3A_187, %iota3A : vector<16xi32>
      %masked_sort3A_189 = arith.constant dense<true> : vector<16xi1>
      %masked_sort3A_190, %masked_sort3A_191, %masked_sort3A_192 = tpu.sort %get3A_184, %add3A_188 masked %masked_sort3A_189 {descending = true} : (vector<16xf32>, vector<16xi32>, vector<16xi1>) -> (vector<16xi1>, vector<16xf32>, vector<16xi32>)
      %rev3A_193 = arith.constant 15 : i32
      %rev3A_194 = vector.broadcast %rev3A_193 : i32 to vector<16xi32>
      %rev3A_195 = tpu.iota {dimensions = array<i32: 0>} : vector<16xi32>
      %rev3A_196 = arith.subi %rev3A_194, %rev3A_195 : vector<16xi32>
      %rev3A_197 = tpu.dynamic_gather %masked_sort3A_191[%rev3A_196] in [0] : vector<16xf32>, vector<16xi32> -> vector<16xf32>
      %rev3A_198 = arith.constant 15 : i32
      %rev3A_199 = vector.broadcast %rev3A_198 : i32 to vector<16xi32>
      %rev3A_200 = tpu.iota {dimensions = array<i32: 0>} : vector<16xi32>
      %rev3A_201 = arith.subi %rev3A_199, %rev3A_200 : vector<16xi32>
      %rev3A_202 = tpu.dynamic_gather %masked_sort3A_192[%rev3A_201] in [0] : vector<16xi32>, vector<16xi32> -> vector<16xi32>
      %gt3A_203 = arith.cmpf ogt, %masked_sort3A_181, %rev3A_197 : vector<16xf32>
      %eq3A_204 = arith.cmpf oeq, %masked_sort3A_181, %rev3A_197 : vector<16xf32>
      %lt3A_205 = arith.cmpi slt, %masked_sort3A_182, %rev3A_202 : vector<16xi32>
      %and3A_206 = arith.andi %eq3A_204, %lt3A_205 : vector<16xi1>
      %or3A_207 = arith.ori %gt3A_203, %and3A_206 : vector<16xi1>
      %select_n3A_208 = arith.select %or3A_207, %masked_sort3A_181, %rev3A_197 : vector<16xi1>, vector<16xf32>
      %select_n3A_209 = arith.select %or3A_207, %masked_sort3A_182, %rev3A_202 : vector<16xi1>, vector<16xi32>
      %masked_sort3A_210 = arith.constant dense<true> : vector<16xi1>
      %masked_sort3A_211, %masked_sort3A_212, %masked_sort3A_213 = tpu.sort %select_n3A_208, %select_n3A_209 masked %masked_sort3A_210 {descending = true} : (vector<16xf32>, vector<16xi32>, vector<16xi1>) -> (vector<16xi1>, vector<16xf32>, vector<16xi32>)
      %get3A_214 = arith.constant 112 : index
      %get3A_215 = tpu.vector_load %arg9[%get3A_214] {strides = array<i32>} : memref<128xf32, #tpu.memory_space<vmem>>, vector<16xf32>,
      %add3A_216 = arith.constant 112 : i32
      %add3A_217 = arith.addi %multiple_of3A, %add3A_216 : i32
      %add3A_218 = vector.broadcast %add3A_217 : i32 to vector<16xi32>
      %add3A_219 = arith.addi %add3A_218, %iota3A : vector<16xi32>
      %masked_sort3A_220 = arith.constant dense<true> : vector<16xi1>
      %masked_sort3A_221, %masked_sort3A_222, %masked_sort3A_223 = tpu.sort %get3A_215, %add3A_219 masked %masked_sort3A_220 {descending = true} : (vector<16xf32>, vector<16xi32>, vector<16xi1>) -> (vector<16xi1>, vector<16xf32>, vector<16xi32>)
      %rev3A_224 = arith.constant 15 : i32
      %rev3A_225 = vector.broadcast %rev3A_224 : i32 to vector<16xi32>
      %rev3A_226 = tpu.iota {dimensions = array<i32: 0>} : vector<16xi32>
      %rev3A_227 = arith.subi %rev3A_225, %rev3A_226 : vector<16xi32>
      %rev3A_228 = tpu.dynamic_gather %masked_sort3A_222[%rev3A_227] in [0] : vector<16xf32>, vector<16xi32> -> vector<16xf32>
      %rev3A_229 = arith.constant 15 : i32
      %rev3A_230 = vector.broadcast %rev3A_229 : i32 to vector<16xi32>
      %rev3A_231 = tpu.iota {dimensions = array<i32: 0>} : vector<16xi32>
      %rev3A_232 = arith.subi %rev3A_230, %rev3A_231 : vector<16xi32>
      %rev3A_233 = tpu.dynamic_gather %masked_sort3A_223[%rev3A_232] in [0] : vector<16xi32>, vector<16xi32> -> vector<16xi32>
      %gt3A_234 = arith.cmpf ogt, %masked_sort3A_212, %rev3A_228 : vector<16xf32>
      %eq3A_235 = arith.cmpf oeq, %masked_sort3A_212, %rev3A_228 : vector<16xf32>
      %lt3A_236 = arith.cmpi slt, %masked_sort3A_213, %rev3A_233 : vector<16xi32>
      %and3A_237 = arith.andi %eq3A_235, %lt3A_236 : vector<16xi1>
      %or3A_238 = arith.ori %gt3A_234, %and3A_237 : vector<16xi1>
      %select_n3A_239 = arith.select %or3A_238, %masked_sort3A_212, %rev3A_228 : vector<16xi1>, vector<16xf32>
      %select_n3A_240 = arith.select %or3A_238, %masked_sort3A_213, %rev3A_233 : vector<16xi1>, vector<16xi32>
      %masked_sort3A_241 = arith.constant dense<true> : vector<16xi1>
      %masked_sort3A_242, %masked_sort3A_243, %masked_sort3A_244 = tpu.sort %select_n3A_239, %select_n3A_240 masked %masked_sort3A_241 {descending = true} : (vector<16xf32>, vector<16xi32>, vector<16xi1>) -> (vector<16xi1>, vector<16xf32>, vector<16xi32>)
      %swap3A = arith.constant 0 : index
      %swap3A_245 = tpu.vector_load %arg11[%swap3A] {strides = array<i32>} : memref<16xf32, #tpu.memory_space<vmem>>, vector<16xf32>,
      tpu.vector_store %arg11[%swap3A], %masked_sort3A_243 {strides = array<i32>} : memref<16xf32, #tpu.memory_space<vmem>>, vector<16xf32>,
      %mul3A_246 = arith.constant 16 : i32
      %mul3A_247 = arith.muli %arg1, %mul3A_246 : i32
      %multiple_of3A_248 = tpu.assume_multiple %mul3A_247, 16 : i32
      "tpu.region"() ({
        %run_scoped3A = tpu.sem_alloc : memref<!tpu.dma_semaphore, #tpu.memory_space<semaphore_mem>>
        %dma_start3A = tpu.memref_slice %arg18[%multiple_of3A_248] : memref<256xf32, #tpu.memory_space<vmem_shared>> -> memref<16xf32, #tpu.memory_space<vmem_shared>>
        %dma_start3A_611 = tpu.memref_slice %arg18[%multiple_of3A_248] : memref<256xf32, #tpu.memory_space<vmem_shared>> -> memref<16xf32, #tpu.memory_space<vmem_shared>>
        tpu.enqueue_dma source(%arg11 : memref<16xf32, #tpu.memory_space<vmem>>) target(%dma_start3A_611 : memref<16xf32, #tpu.memory_space<vmem_shared>>) target_semaphore(%run_scoped3A : memref<!tpu.dma_semaphore, #tpu.memory_space<semaphore_mem>>)
        %dma_wait3A = tpu.memref_slice %arg18[%multiple_of3A_248] : memref<256xf32, #tpu.memory_space<vmem_shared>> -> memref<16xf32, #tpu.memory_space<vmem_shared>>
        %dma_wait3A_612 = tpu.memref_slice %arg18[%multiple_of3A_248] : memref<256xf32, #tpu.memory_space<vmem_shared>> -> memref<16xf32, #tpu.memory_space<vmem_shared>>
        tpu.wait_dma2 semaphore(%run_scoped3A : memref<!tpu.dma_semaphore, #tpu.memory_space<semaphore_mem>>) src(%arg11 : memref<16xf32, #tpu.memory_space<vmem>>) dst(%dma_wait3A_612 : memref<16xf32, #tpu.memory_space<vmem_shared>>)
        tpu.yield
      }) : () -> ()
      %swap3A_249 = arith.constant 0 : index
      %swap3A_250 = tpu.vector_load %arg12[%swap3A_249] {strides = array<i32>} : memref<16xi32, #tpu.memory_space<vmem>>, vector<16xi32>,
      tpu.vector_store %arg12[%swap3A_249], %masked_sort3A_244 {strides = array<i32>} : memref<16xi32, #tpu.memory_space<vmem>>, vector<16xi32>,
      %mul3A_251 = arith.constant 16 : i32
      %mul3A_252 = arith.muli %arg1, %mul3A_251 : i32
      %multiple_of3A_253 = tpu.assume_multiple %mul3A_252, 16 : i32
      "tpu.region"() ({
        %run_scoped3A = tpu.sem_alloc : memref<!tpu.dma_semaphore, #tpu.memory_space<semaphore_mem>>
        %dma_start3A = tpu.memref_slice %arg19[%multiple_of3A_253] : memref<256xi32, #tpu.memory_space<vmem_shared>> -> memref<16xi32, #tpu.memory_space<vmem_shared>>
        %dma_start3A_611 = tpu.memref_slice %arg19[%multiple_of3A_253] : memref<256xi32, #tpu.memory_space<vmem_shared>> -> memref<16xi32, #tpu.memory_space<vmem_shared>>
        tpu.enqueue_dma source(%arg12 : memref<16xi32, #tpu.memory_space<vmem>>) target(%dma_start3A_611 : memref<16xi32, #tpu.memory_space<vmem_shared>>) target_semaphore(%run_scoped3A : memref<!tpu.dma_semaphore, #tpu.memory_space<semaphore_mem>>)
        %dma_wait3A = tpu.memref_slice %arg19[%multiple_of3A_253] : memref<256xi32, #tpu.memory_space<vmem_shared>> -> memref<16xi32, #tpu.memory_space<vmem_shared>>
        %dma_wait3A_612 = tpu.memref_slice %arg19[%multiple_of3A_253] : memref<256xi32, #tpu.memory_space<vmem_shared>> -> memref<16xi32, #tpu.memory_space<vmem_shared>>
        tpu.wait_dma2 semaphore(%run_scoped3A : memref<!tpu.dma_semaphore, #tpu.memory_space<semaphore_mem>>) src(%arg12 : memref<16xi32, #tpu.memory_space<vmem>>) dst(%dma_wait3A_612 : memref<16xi32, #tpu.memory_space<vmem_shared>>)
        tpu.yield
      }) : () -> ()
      %barrier3A = arith.constant 0 : index
      tpu.barrier barrier_id(%barrier3A)
      "tpu.region"() ({
        %run_scoped3A = tpu.sem_alloc : memref<!tpu.dma_semaphore, #tpu.memory_space<semaphore_mem>>
        tpu.enqueue_dma source(%arg18 : memref<256xf32, #tpu.memory_space<vmem_shared>>) target(%arg13 : memref<256xf32, #tpu.memory_space<vmem>>) target_semaphore(%run_scoped3A : memref<!tpu.dma_semaphore, #tpu.memory_space<semaphore_mem>>)
        tpu.wait_dma2 semaphore(%run_scoped3A : memref<!tpu.dma_semaphore, #tpu.memory_space<semaphore_mem>>) src(%arg18 : memref<256xf32, #tpu.memory_space<vmem_shared>>) dst(%arg13 : memref<256xf32, #tpu.memory_space<vmem>>)
        tpu.yield
      }) : () -> ()
      "tpu.region"() ({
        %run_scoped3A = tpu.sem_alloc : memref<!tpu.dma_semaphore, #tpu.memory_space<semaphore_mem>>
        tpu.enqueue_dma source(%arg19 : memref<256xi32, #tpu.memory_space<vmem_shared>>) target(%arg14 : memref<256xi32, #tpu.memory_space<vmem>>) target_semaphore(%run_scoped3A : memref<!tpu.dma_semaphore, #tpu.memory_space<semaphore_mem>>)
        tpu.wait_dma2 semaphore(%run_scoped3A : memref<!tpu.dma_semaphore, #tpu.memory_space<semaphore_mem>>) src(%arg19 : memref<256xi32, #tpu.memory_space<vmem_shared>>) dst(%arg14 : memref<256xi32, #tpu.memory_space<vmem>>)
        tpu.yield
      }) : () -> ()
      %broadcast_in_dim3A_254 = arith.constant 0xFF800000 : f32
      %broadcast_in_dim3A_255 = vector.broadcast %broadcast_in_dim3A_254 : f32 to vector<16xf32>
      %sub3A_256 = arith.constant 16 : i32
      %sub3A_257 = vector.broadcast %sub3A_256 : i32 to vector<16xi32>
      %sub3A_258 = arith.subi %iota3A, %sub3A_257 : vector<16xi32>
      %while3A = arith.constant 0 : i32
      %while3A_259 = arith.subi %arg1, %while3A : i32
      %while3A_260 = arith.addi %while3A, %while3A_259 : i32
      %while3A_261 = arith.constant 1 : i32
      %while3A_262 = arith.divsi %while3A_259, %while3A_261 : i32
      %while3A_263 = arith.muli %while3A_262, %while3A_261 : i32
      %while3A_264 = arith.addi %while3A, %while3A_263 : i32
      %while3A_265 = arith.constant 1 : i32
      %while3A_266:2 = scf.for %while3A_611 = %while3A to %while3A_264 step %while3A_265 iter_args(%while3A_612 = %broadcast_in_dim3A_255, %while3A_613 = %sub3A_258) -> (vector<16xf32>, vector<16xi32>)  : i32 {
        %mul3A_614 = arith.constant 16 : i32
        %mul3A_615 = arith.muli %while3A_611, %mul3A_614 : i32
        %multiple_of3A_616 = tpu.assume_multiple %mul3A_615, 16 : i32
        %get3A_617 = arith.index_cast %multiple_of3A_616 : i32 to index
        %get3A_618 = tpu.vector_load %arg13[%get3A_617] {strides = array<i32>} : memref<256xf32, #tpu.memory_space<vmem>>, vector<16xf32>,
        %get3A_619 = arith.index_cast %multiple_of3A_616 : i32 to index
        %get3A_620 = tpu.vector_load %arg14[%get3A_619] {strides = array<i32>} : memref<256xi32, #tpu.memory_space<vmem>>, vector<16xi32>,
        %rev3A_621 = arith.constant 15 : i32
        %rev3A_622 = vector.broadcast %rev3A_621 : i32 to vector<16xi32>
        %rev3A_623 = tpu.iota {dimensions = array<i32: 0>} : vector<16xi32>
        %rev3A_624 = arith.subi %rev3A_622, %rev3A_623 : vector<16xi32>
        %rev3A_625 = tpu.dynamic_gather %get3A_618[%rev3A_624] in [0] : vector<16xf32>, vector<16xi32> -> vector<16xf32>
        %rev3A_626 = arith.constant 15 : i32
        %rev3A_627 = vector.broadcast %rev3A_626 : i32 to vector<16xi32>
        %rev3A_628 = tpu.iota {dimensions = array<i32: 0>} : vector<16xi32>
        %rev3A_629 = arith.subi %rev3A_627, %rev3A_628 : vector<16xi32>
        %rev3A_630 = tpu.dynamic_gather %get3A_620[%rev3A_629] in [0] : vector<16xi32>, vector<16xi32> -> vector<16xi32>
        %gt3A_631 = arith.cmpf ogt, %while3A_612, %rev3A_625 : vector<16xf32>
        %eq3A_632 = arith.cmpf oeq, %while3A_612, %rev3A_625 : vector<16xf32>
        %lt3A_633 = arith.cmpi slt, %while3A_613, %rev3A_630 : vector<16xi32>
        %and3A_634 = arith.andi %eq3A_632, %lt3A_633 : vector<16xi1>
        %or3A_635 = arith.ori %gt3A_631, %and3A_634 : vector<16xi1>
        %select_n3A_636 = arith.select %or3A_635, %while3A_612, %rev3A_625 : vector<16xi1>, vector<16xf32>
        %select_n3A_637 = arith.select %or3A_635, %while3A_613, %rev3A_630 : vector<16xi1>, vector<16xi32>
        %masked_sort3A_638 = arith.constant dense<true> : vector<16xi1>
        %masked_sort3A_639, %masked_sort3A_640, %masked_sort3A_641 = tpu.sort %select_n3A_636, %select_n3A_637 masked %masked_sort3A_638 {descending = true} : (vector<16xf32>, vector<16xi32>, vector<16xi1>) -> (vector<16xi1>, vector<16xf32>, vector<16xi32>)
        scf.yield %masked_sort3A_640, %masked_sort3A_641 : vector<16xf32>, vector<16xi32>
      }
      %while3A_267 = arith.constant 1 : i32
      %while3A_268:2 = scf.for %while3A_611 = %while3A_264 to %while3A_260 step %while3A_267 iter_args(%while3A_612 = %while3A_266#0, %while3A_613 = %while3A_266#1) -> (vector<16xf32>, vector<16xi32>)  : i32 {
        %mul3A_614 = arith.constant 16 : i32
        %mul3A_615 = arith.muli %while3A_611, %mul3A_614 : i32
        %multiple_of3A_616 = tpu.assume_multiple %mul3A_615, 16 : i32
        %get3A_617 = arith.index_cast %multiple_of3A_616 : i32 to index
        %get3A_618 = tpu.vector_load %arg13[%get3A_617] {strides = array<i32>} : memref<256xf32, #tpu.memory_space<vmem>>, vector<16xf32>,
        %get3A_619 = arith.index_cast %multiple_of3A_616 : i32 to index
        %get3A_620 = tpu.vector_load %arg14[%get3A_619] {strides = array<i32>} : memref<256xi32, #tpu.memory_space<vmem>>, vector<16xi32>,
        %rev3A_621 = arith.constant 15 : i32
        %rev3A_622 = vector.broadcast %rev3A_621 : i32 to vector<16xi32>
        %rev3A_623 = tpu.iota {dimensions = array<i32: 0>} : vector<16xi32>
        %rev3A_624 = arith.subi %rev3A_622, %rev3A_623 : vector<16xi32>
        %rev3A_625 = tpu.dynamic_gather %get3A_618[%rev3A_624] in [0] : vector<16xf32>, vector<16xi32> -> vector<16xf32>
        %rev3A_626 = arith.constant 15 : i32
        %rev3A_627 = vector.broadcast %rev3A_626 : i32 to vector<16xi32>
        %rev3A_628 = tpu.iota {dimensions = array<i32: 0>} : vector<16xi32>
        %rev3A_629 = arith.subi %rev3A_627, %rev3A_628 : vector<16xi32>
        %rev3A_630 = tpu.dynamic_gather %get3A_620[%rev3A_629] in [0] : vector<16xi32>, vector<16xi32> -> vector<16xi32>
        %gt3A_631 = arith.cmpf ogt, %while3A_612, %rev3A_625 : vector<16xf32>
        %eq3A_632 = arith.cmpf oeq, %while3A_612, %rev3A_625 : vector<16xf32>
        %lt3A_633 = arith.cmpi slt, %while3A_613, %rev3A_630 : vector<16xi32>
        %and3A_634 = arith.andi %eq3A_632, %lt3A_633 : vector<16xi1>
        %or3A_635 = arith.ori %gt3A_631, %and3A_634 : vector<16xi1>
        %select_n3A_636 = arith.select %or3A_635, %while3A_612, %rev3A_625 : vector<16xi1>, vector<16xf32>
        %select_n3A_637 = arith.select %or3A_635, %while3A_613, %rev3A_630 : vector<16xi1>, vector<16xi32>
        %masked_sort3A_638 = arith.constant dense<true> : vector<16xi1>
        %masked_sort3A_639, %masked_sort3A_640, %masked_sort3A_641 = tpu.sort %select_n3A_636, %select_n3A_637 masked %masked_sort3A_638 {descending = true} : (vector<16xf32>, vector<16xi32>, vector<16xi1>) -> (vector<16xi1>, vector<16xf32>, vector<16xi32>)
        scf.yield %masked_sort3A_640, %masked_sort3A_641 : vector<16xf32>, vector<16xi32>
      }
      %jit3A = arith.constant 2 : i32
      %eq3A_269 = arith.constant 0 : i32
      %eq3A_270 = arith.cmpi eq, %jit3A, %eq3A_269 : i32
      %jit3A_271 = arith.constant 1 : i32
      %select_n3A_272 = arith.select %eq3A_270, %jit3A_271, %jit3A : i32
      %rem3A = arith.remsi %arg1, %select_n3A_272 : i32
      %ne3A = arith.constant 0 : i32
      %ne3A_273 = arith.cmpi ne, %rem3A, %ne3A : i32
      %lt3A_274 = arith.constant 0 : i32
      %lt3A_275 = arith.cmpi slt, %rem3A, %lt3A_274 : i32
      %lt3A_276 = arith.constant 0 : i32
      %lt3A_277 = arith.cmpi slt, %select_n3A_272, %lt3A_276 : i32
      %ne3A_278 = arith.xori %lt3A_275, %lt3A_277 : i1
      %and3A_279 = arith.andi %ne3A_278, %ne3A_273 : i1
      %add3A_280 = arith.addi %rem3A, %select_n3A_272 : i32
      %select_n3A_281 = arith.select %and3A_279, %add3A_280, %rem3A : i32
      %eq3A_282 = arith.constant 0 : i32
      %eq3A_283 = arith.cmpi eq, %select_n3A_281, %eq3A_282 : i32
      %convert_element_type3A_284 = arith.extui %eq3A_283 : i1 to i32
      %cond3A_285 = arith.constant 0 : i32
      %cond3A_286 = arith.cmpi ne, %convert_element_type3A_284, %cond3A_285 : i32
      scf.if %cond3A_286 {
        %max3A = arith.constant 0 : i32
        %max3A_611 = vector.broadcast %max3A : i32 to vector<16xi32>
        %max3A_612 = arith.maxsi %while3A_268#1, %max3A_611 : vector<16xi32>
        %dma_start3A = arith.constant 0 : i32
        %dma_start3A_613 = arith.constant 0 : i32
        %dma_start3A_614 = tpu.memref_slice %arg3[%dma_start3A, %dma_start3A_613] : memref<2048x768xf32, #tpu.memory_space<hbm>> -> memref<2048x768xf32, #tpu.memory_space<hbm>>
        tpu.enqueue_indirect_dma source(%dma_start3A_614 : memref<2048x768xf32, #tpu.memory_space<hbm>>) target(%arg16 : memref<16x768xf32, #tpu.memory_space<vmem>>) offsets(%max3A_612 : vector<16xi32>) semaphore(%arg22 : memref<!tpu.dma_semaphore, #tpu.memory_space<semaphore_mem>>)
        %dma_start3A_615 = arith.constant 0 : i32
        %dma_start3A_616 = arith.constant 0 : i32
        %dma_start3A_617 = tpu.memref_slice %arg4[%dma_start3A_615, %dma_start3A_616] : memref<2048x768xf32, #tpu.memory_space<hbm>> -> memref<2048x768xf32, #tpu.memory_space<hbm>>
        tpu.enqueue_indirect_dma source(%dma_start3A_617 : memref<2048x768xf32, #tpu.memory_space<hbm>>) target(%arg17 : memref<16x768xf32, #tpu.memory_space<vmem>>) offsets(%max3A_612 : vector<16xi32>) semaphore(%arg23 : memref<!tpu.dma_semaphore, #tpu.memory_space<semaphore_mem>>)
        %swap3A_618 = arith.constant 0 : index
        %swap3A_619 = tpu.vector_load %arg12[%swap3A_618] {strides = array<i32>} : memref<16xi32, #tpu.memory_space<vmem>>, vector<16xi32>,
        tpu.vector_store %arg12[%swap3A_618], %while3A_268#1 {strides = array<i32>} : memref<16xi32, #tpu.memory_space<vmem>>, vector<16xi32>,
        %jit3A_620 = arith.constant 2 : i32
        %div3A = arith.divsi %arg1, %jit3A_620 : i32
        %sign3A = arith.constant 0 : i32
        %sign3A_621 = arith.cmpi sgt, %arg1, %sign3A : i32
        %sign3A_622 = arith.extui %sign3A_621 : i1 to i32
        %sign3A_623 = arith.constant 0 : i32
        %sign3A_624 = arith.cmpi slt, %arg1, %sign3A_623 : i32
        %sign3A_625 = arith.extui %sign3A_624 : i1 to i32
        %sign3A_626 = arith.subi %sign3A_622, %sign3A_625 : i32
        %sign3A_627 = arith.constant 0 : i32
        %sign3A_628 = arith.cmpi sgt, %jit3A_620, %sign3A_627 : i32
        %sign3A_629 = arith.extui %sign3A_628 : i1 to i32
        %sign3A_630 = arith.constant 0 : i32
        %sign3A_631 = arith.cmpi slt, %jit3A_620, %sign3A_630 : i32
        %sign3A_632 = arith.extui %sign3A_631 : i1 to i32
        %sign3A_633 = arith.subi %sign3A_629, %sign3A_632 : i32
        %ne3A_634 = arith.cmpi ne, %sign3A_626, %sign3A_633 : i32
        %rem3A_635 = arith.remsi %arg1, %jit3A_620 : i32
        %ne3A_636 = arith.constant 0 : i32
        %ne3A_637 = arith.cmpi ne, %rem3A_635, %ne3A_636 : i32
        %and3A_638 = arith.andi %ne3A_634, %ne3A_637 : i1
        %sub3A_639 = arith.constant 1 : i32
        %sub3A_640 = arith.subi %div3A, %sub3A_639 : i32
        %select_n3A_641 = arith.select %and3A_638, %sub3A_640, %div3A : i32
        "tpu.region"() ({
          %run_scoped3A = tpu.sem_alloc : memref<!tpu.dma_semaphore, #tpu.memory_space<semaphore_mem>>
          %dma_start3A_642 = arith.constant 0 : i32
          %dma_start3A_643 = tpu.memref_slice %arg6[%select_n3A_641, %dma_start3A_642] : memref<8x16xi32, #tpu.memory_space<hbm>> -> memref<1x16xi32, #tpu.memory_space<hbm>>
          %dma_start3A_644 = tpu.memref_squeeze %dma_start3A_643 : memref<1x16xi32, #tpu.memory_space<hbm>> -> memref<16xi32, #tpu.memory_space<hbm>>
          %dma_start3A_645 = arith.constant 0 : i32
          %dma_start3A_646 = tpu.memref_slice %arg6[%select_n3A_641, %dma_start3A_645] : memref<8x16xi32, #tpu.memory_space<hbm>> -> memref<1x16xi32, #tpu.memory_space<hbm>>
          %dma_start3A_647 = tpu.memref_squeeze %dma_start3A_646 : memref<1x16xi32, #tpu.memory_space<hbm>> -> memref<16xi32, #tpu.memory_space<hbm>>
          tpu.enqueue_dma source(%arg12 : memref<16xi32, #tpu.memory_space<vmem>>) target(%dma_start3A_647 : memref<16xi32, #tpu.memory_space<hbm>>) target_semaphore(%run_scoped3A : memref<!tpu.dma_semaphore, #tpu.memory_space<semaphore_mem>>)
          %dma_wait3A = arith.constant 0 : i32
          %dma_wait3A_648 = tpu.memref_slice %arg6[%select_n3A_641, %dma_wait3A] : memref<8x16xi32, #tpu.memory_space<hbm>> -> memref<1x16xi32, #tpu.memory_space<hbm>>
          %dma_wait3A_649 = tpu.memref_squeeze %dma_wait3A_648 : memref<1x16xi32, #tpu.memory_space<hbm>> -> memref<16xi32, #tpu.memory_space<hbm>>
          %dma_wait3A_650 = arith.constant 0 : i32
          %dma_wait3A_651 = tpu.memref_slice %arg6[%select_n3A_641, %dma_wait3A_650] : memref<8x16xi32, #tpu.memory_space<hbm>> -> memref<1x16xi32, #tpu.memory_space<hbm>>
          %dma_wait3A_652 = tpu.memref_squeeze %dma_wait3A_651 : memref<1x16xi32, #tpu.memory_space<hbm>> -> memref<16xi32, #tpu.memory_space<hbm>>
          tpu.wait_dma2 semaphore(%run_scoped3A : memref<!tpu.dma_semaphore, #tpu.memory_space<semaphore_mem>>) src(%arg12 : memref<16xi32, #tpu.memory_space<vmem>>) dst(%dma_wait3A_652 : memref<16xi32, #tpu.memory_space<hbm>>)
          tpu.yield
        }) : () -> ()
      } else {
      }
      %broadcast_in_dim3A_287 = arith.constant 2048 : i32
      %broadcast_in_dim3A_288 = vector.broadcast %broadcast_in_dim3A_287 : i32 to vector<16xi32>
      %swap3A_289 = arith.constant 0 : index
      %swap3A_290 = tpu.vector_load %arg10[%swap3A_289] {strides = array<i32>} : memref<128xi32, #tpu.memory_space<vmem>>, vector<16xi32>,
      tpu.vector_store %arg10[%swap3A_289], %broadcast_in_dim3A_288 {strides = array<i32>} : memref<128xi32, #tpu.memory_space<vmem>>, vector<16xi32>,
      %broadcast_in_dim3A_291 = arith.constant 2048 : i32
      %broadcast_in_dim3A_292 = vector.broadcast %broadcast_in_dim3A_291 : i32 to vector<16xi32>
      %swap3A_293 = arith.constant 16 : index
      %swap3A_294 = tpu.vector_load %arg10[%swap3A_293] {strides = array<i32>} : memref<128xi32, #tpu.memory_space<vmem>>, vector<16xi32>,
      tpu.vector_store %arg10[%swap3A_293], %broadcast_in_dim3A_292 {strides = array<i32>} : memref<128xi32, #tpu.memory_space<vmem>>, vector<16xi32>,
      %broadcast_in_dim3A_295 = arith.constant 2048 : i32
      %broadcast_in_dim3A_296 = vector.broadcast %broadcast_in_dim3A_295 : i32 to vector<16xi32>
      %swap3A_297 = arith.constant 32 : index
      %swap3A_298 = tpu.vector_load %arg10[%swap3A_297] {strides = array<i32>} : memref<128xi32, #tpu.memory_space<vmem>>, vector<16xi32>,
      tpu.vector_store %arg10[%swap3A_297], %broadcast_in_dim3A_296 {strides = array<i32>} : memref<128xi32, #tpu.memory_space<vmem>>, vector<16xi32>,
      %broadcast_in_dim3A_299 = arith.constant 2048 : i32
      %broadcast_in_dim3A_300 = vector.broadcast %broadcast_in_dim3A_299 : i32 to vector<16xi32>
      %swap3A_301 = arith.constant 48 : index
      %swap3A_302 = tpu.vector_load %arg10[%swap3A_301] {strides = array<i32>} : memref<128xi32, #tpu.memory_space<vmem>>, vector<16xi32>,
      tpu.vector_store %arg10[%swap3A_301], %broadcast_in_dim3A_300 {strides = array<i32>} : memref<128xi32, #tpu.memory_space<vmem>>, vector<16xi32>,
      %broadcast_in_dim3A_303 = arith.constant 2048 : i32
      %broadcast_in_dim3A_304 = vector.broadcast %broadcast_in_dim3A_303 : i32 to vector<16xi32>
      %swap3A_305 = arith.constant 64 : index
      %swap3A_306 = tpu.vector_load %arg10[%swap3A_305] {strides = array<i32>} : memref<128xi32, #tpu.memory_space<vmem>>, vector<16xi32>,
      tpu.vector_store %arg10[%swap3A_305], %broadcast_in_dim3A_304 {strides = array<i32>} : memref<128xi32, #tpu.memory_space<vmem>>, vector<16xi32>,
      %broadcast_in_dim3A_307 = arith.constant 2048 : i32
      %broadcast_in_dim3A_308 = vector.broadcast %broadcast_in_dim3A_307 : i32 to vector<16xi32>
      %swap3A_309 = arith.constant 80 : index
      %swap3A_310 = tpu.vector_load %arg10[%swap3A_309] {strides = array<i32>} : memref<128xi32, #tpu.memory_space<vmem>>, vector<16xi32>,
      tpu.vector_store %arg10[%swap3A_309], %broadcast_in_dim3A_308 {strides = array<i32>} : memref<128xi32, #tpu.memory_space<vmem>>, vector<16xi32>,
      %broadcast_in_dim3A_311 = arith.constant 2048 : i32
      %broadcast_in_dim3A_312 = vector.broadcast %broadcast_in_dim3A_311 : i32 to vector<16xi32>
      %swap3A_313 = arith.constant 96 : index
      %swap3A_314 = tpu.vector_load %arg10[%swap3A_313] {strides = array<i32>} : memref<128xi32, #tpu.memory_space<vmem>>, vector<16xi32>,
      tpu.vector_store %arg10[%swap3A_313], %broadcast_in_dim3A_312 {strides = array<i32>} : memref<128xi32, #tpu.memory_space<vmem>>, vector<16xi32>,
      %broadcast_in_dim3A_315 = arith.constant 2048 : i32
      %broadcast_in_dim3A_316 = vector.broadcast %broadcast_in_dim3A_315 : i32 to vector<16xi32>
      %swap3A_317 = arith.constant 112 : index
      %swap3A_318 = tpu.vector_load %arg10[%swap3A_317] {strides = array<i32>} : memref<128xi32, #tpu.memory_space<vmem>>, vector<16xi32>,
      tpu.vector_store %arg10[%swap3A_317], %broadcast_in_dim3A_316 {strides = array<i32>} : memref<128xi32, #tpu.memory_space<vmem>>, vector<16xi32>,
      %broadcast_in_dim3A_319 = arith.constant -1 : i32
      %broadcast_in_dim3A_320 = vector.broadcast %broadcast_in_dim3A_319 : i32 to vector<16xi32>
      %scan3A = arith.constant 0 : i32
      %scan3A_321 = arith.constant 128 : i32
      %scan3A_322 = arith.addi %scan3A, %scan3A_321 : i32
      %scan3A_323 = arith.constant 1 : i32
      %scan3A_324:3 = scf.for %scan3A_611 = %scan3A to %scan3A_322 step %scan3A_323 iter_args(%scan3A_612 = %while3A_268#0, %scan3A_613 = %while3A_268#1, %scan3A_614 = %broadcast_in_dim3A_320) -> (vector<16xf32>, vector<16xi32>, vector<16xi32>)  : i32 {
        %jit3A_615 = arith.constant 16 : i32
        %div3A = arith.divsi %scan3A_611, %jit3A_615 : i32
        %sign3A = arith.constant 0 : i32
        %sign3A_616 = arith.cmpi sgt, %scan3A_611, %sign3A : i32
        %sign3A_617 = arith.extui %sign3A_616 : i1 to i32
        %sign3A_618 = arith.constant 0 : i32
        %sign3A_619 = arith.cmpi slt, %scan3A_611, %sign3A_618 : i32
        %sign3A_620 = arith.extui %sign3A_619 : i1 to i32
        %sign3A_621 = arith.subi %sign3A_617, %sign3A_620 : i32
        %sign3A_622 = arith.constant 0 : i32
        %sign3A_623 = arith.cmpi sgt, %jit3A_615, %sign3A_622 : i32
        %sign3A_624 = arith.extui %sign3A_623 : i1 to i32
        %sign3A_625 = arith.constant 0 : i32
        %sign3A_626 = arith.cmpi slt, %jit3A_615, %sign3A_625 : i32
        %sign3A_627 = arith.extui %sign3A_626 : i1 to i32
        %sign3A_628 = arith.subi %sign3A_624, %sign3A_627 : i32
        %ne3A_629 = arith.cmpi ne, %sign3A_621, %sign3A_628 : i32
        %rem3A_630 = arith.remsi %scan3A_611, %jit3A_615 : i32
        %ne3A_631 = arith.constant 0 : i32
        %ne3A_632 = arith.cmpi ne, %rem3A_630, %ne3A_631 : i32
        %and3A_633 = arith.andi %ne3A_629, %ne3A_632 : i1
        %sub3A_634 = arith.constant 1 : i32
        %sub3A_635 = arith.subi %div3A, %sub3A_634 : i32
        %select_n3A_636 = arith.select %and3A_633, %sub3A_635, %div3A : i32
        %mul3A_637 = arith.constant 16 : i32
        %mul3A_638 = arith.muli %select_n3A_636, %mul3A_637 : i32
        %multiple_of3A_639 = tpu.assume_multiple %mul3A_638, 16 : i32
        %get3A_640 = arith.index_cast %multiple_of3A_639 : i32 to index
        %get3A_641 = tpu.vector_load %arg9[%get3A_640] {strides = array<i32>} : memref<128xf32, #tpu.memory_space<vmem>>, vector<16xf32>,
        %jit3A_642 = arith.constant 16 : i32
        %eq3A_643 = arith.constant 0 : i32
        %eq3A_644 = arith.cmpi eq, %jit3A_642, %eq3A_643 : i32
        %jit3A_645 = arith.constant 1 : i32
        %select_n3A_646 = arith.select %eq3A_644, %jit3A_645, %jit3A_642 : i32
        %rem3A_647 = arith.remsi %scan3A_611, %select_n3A_646 : i32
        %ne3A_648 = arith.constant 0 : i32
        %ne3A_649 = arith.cmpi ne, %rem3A_647, %ne3A_648 : i32
        %lt3A_650 = arith.constant 0 : i32
        %lt3A_651 = arith.cmpi slt, %rem3A_647, %lt3A_650 : i32
        %lt3A_652 = arith.constant 0 : i32
        %lt3A_653 = arith.cmpi slt, %select_n3A_646, %lt3A_652 : i32
        %ne3A_654 = arith.xori %lt3A_651, %lt3A_653 : i1
        %and3A_655 = arith.andi %ne3A_654, %ne3A_649 : i1
        %add3A_656 = arith.addi %rem3A_647, %select_n3A_646 : i32
        %select_n3A_657 = arith.select %and3A_655, %add3A_656, %rem3A_647 : i32
        %eq3A_658 = vector.broadcast %select_n3A_657 : i32 to vector<16xi32>
        %eq3A_659 = arith.cmpi eq, %iota3A, %eq3A_658 : vector<16xi32>
        %jit3A_660 = arith.constant 0x7F800000 : f32
        %broadcast_in_dim3A_661 = vector.broadcast %jit3A_660 : f32 to vector<16xf32>
        %select_n3A_662 = arith.select %eq3A_659, %get3A_641, %broadcast_in_dim3A_661 : vector<16xi1>, vector<16xf32>
        %reduce_min3A = arith.constant true
        %reduce_min3A_663 = vector.broadcast %reduce_min3A : i1 to vector<16xi1>
        %reduce_min3A_664 = tpu.scan <min>, %select_n3A_662 masked %reduce_min3A_663 : vector<16xf32>, vector<16xi1> -> vector<16xf32>
        %reduce_min3A_665 = vector.extract %reduce_min3A_664[15] : f32 from vector<16xf32>
        %add3A_666 = arith.addi %multiple_of3A, %scan3A_611 : i32
        %reduce_min3A_667 = arith.constant true
        %reduce_min3A_668 = vector.broadcast %reduce_min3A_667 : i1 to vector<16xi1>
        %reduce_min3A_669 = tpu.scan <min>, %scan3A_612 masked %reduce_min3A_668 : vector<16xf32>, vector<16xi1> -> vector<16xf32>
        %reduce_min3A_670 = vector.extract %reduce_min3A_669[15] : f32 from vector<16xf32>
        %gt3A_671 = arith.cmpf ogt, %reduce_min3A_665, %reduce_min3A_670 : f32
        %eq3A_672 = vector.broadcast %reduce_min3A_670 : f32 to vector<16xf32>
        %eq3A_673 = arith.cmpf oeq, %scan3A_612, %eq3A_672 : vector<16xf32>
        %jit3A_674 = arith.constant -2147483648 : i32
        %broadcast_in_dim3A_675 = vector.broadcast %jit3A_674 : i32 to vector<16xi32>
        %select_n3A_676 = arith.select %eq3A_673, %scan3A_613, %broadcast_in_dim3A_675 : vector<16xi1>, vector<16xi32>
        %reduce_max3A = arith.constant true
        %reduce_max3A_677 = vector.broadcast %reduce_max3A : i1 to vector<16xi1>
        %reduce_max3A_678 = arith.constant -2147483648 : i32
        %reduce_max3A_679 = vector.broadcast %reduce_max3A_678 : i32 to vector<16xi32>
        %reduce_max3A_680 = arith.xori %select_n3A_676, %reduce_max3A_679 : vector<16xi32>
        %reduce_max3A_681 = tpu.scan <max>, %reduce_max3A_680 masked %reduce_max3A_677 : vector<16xi32>, vector<16xi1> -> vector<16xi32>
        %reduce_max3A_682 = arith.xori %reduce_max3A_681, %reduce_max3A_679 : vector<16xi32>
        %reduce_max3A_683 = vector.extract %reduce_max3A_682[15] : i32 from vector<16xi32>
        %eq3A_684 = vector.broadcast %reduce_min3A_670 : f32 to vector<16xf32>
        %eq3A_685 = arith.cmpf oeq, %scan3A_612, %eq3A_684 : vector<16xf32>
        %eq3A_686 = vector.broadcast %reduce_max3A_683 : i32 to vector<16xi32>
        %eq3A_687 = arith.cmpi eq, %scan3A_613, %eq3A_686 : vector<16xi32>
        %and3A_688 = arith.andi %eq3A_685, %eq3A_687 : vector<16xi1>
        %gt3A_689 = arith.constant 0xFF800000 : f32
        %gt3A_690 = arith.cmpf ogt, %reduce_min3A_670, %gt3A_689 : f32
        %and3A_691 = arith.andi %gt3A_671, %gt3A_690 : i1
        %ge3A_692 = arith.cmpi sge, %reduce_max3A_683, %multiple_of3A : i32
        %not3A = arith.constant true
        %not3A_693 = arith.xori %gt3A_671, %not3A : i1
        %and3A_694 = arith.andi %and3A_691, %ge3A_692 : i1
        %or3A_695 = arith.ori %not3A_693, %and3A_694 : i1
        %sub3A_696 = arith.subi %reduce_max3A_683, %multiple_of3A : i32
        %select_n3A_697 = arith.select %gt3A_671, %sub3A_696, %scan3A_611 : i32
        %broadcast_in_dim3A_698 = vector.broadcast %select_n3A_697 : i32 to vector<16xi32>
        %broadcast_in_dim3A_699 = vector.broadcast %add3A_666 : i32 to vector<16xi32>
        %eq3A_700 = arith.constant 0 : i32
        %eq3A_701 = vector.broadcast %eq3A_700 : i32 to vector<16xi32>
        %eq3A_702 = arith.cmpi eq, %iota3A, %eq3A_701 : vector<16xi32>
        %and3A_703 = vector.broadcast %or3A_695 : i1 to vector<16xi1>
        %and3A_704 = arith.andi %eq3A_702, %and3A_703 : vector<16xi1>
        tpu.vector_store_idx %arg10[%broadcast_in_dim3A_698], %broadcast_in_dim3A_699 masked %and3A_704 : memref<128xi32, #tpu.memory_space<vmem>>[vector<16xi32>], vector<16xi32>, vector<16xi1>
        %not3A_705 = arith.constant true
        %not3A_706 = arith.xori %ge3A_692, %not3A_705 : i1
        %and3A_707 = arith.andi %and3A_691, %not3A_706 : i1
        %and3A_708 = vector.broadcast %and3A_707 : i1 to vector<16xi1>
        %and3A_709 = arith.andi %and3A_708, %and3A_688 : vector<16xi1>
        %broadcast_in_dim3A_710 = vector.broadcast %add3A_666 : i32 to vector<16xi32>
        %select_n3A_711 = arith.select %and3A_709, %broadcast_in_dim3A_710, %scan3A_614 : vector<16xi1>, vector<16xi32>
        %and3A_712 = vector.broadcast %gt3A_671 : i1 to vector<16xi1>
        %and3A_713 = arith.andi %and3A_712, %and3A_688 : vector<16xi1>
        %broadcast_in_dim3A_714 = vector.broadcast %reduce_min3A_665 : f32 to vector<16xf32>
        %select_n3A_715 = arith.select %and3A_713, %broadcast_in_dim3A_714, %scan3A_612 : vector<16xi1>, vector<16xf32>
        %broadcast_in_dim3A_716 = vector.broadcast %add3A_666 : i32 to vector<16xi32>
        %select_n3A_717 = arith.select %and3A_713, %broadcast_in_dim3A_716, %scan3A_613 : vector<16xi1>, vector<16xi32>
        scf.yield %select_n3A_715, %select_n3A_717, %select_n3A_711 : vector<16xf32>, vector<16xi32>, vector<16xi32>
      }
      %scan3A_325 = arith.constant 128 : i32
      %swap3A_326 = arith.constant 0 : index
      %swap3A_327 = tpu.vector_load %arg12[%swap3A_326] {strides = array<i32>} : memref<16xi32, #tpu.memory_space<vmem>>, vector<16xi32>,
      tpu.vector_store %arg12[%swap3A_326], %while3A_268#1 {strides = array<i32>} : memref<16xi32, #tpu.memory_space<vmem>>, vector<16xi32>,
      %mul3A_328 = arith.constant 16 : i32
      %mul3A_329 = arith.muli %arg1, %mul3A_328 : i32
      %multiple_of3A_330 = tpu.assume_multiple %mul3A_329, 16 : i32
      "tpu.region"() ({
        %run_scoped3A = tpu.sem_alloc : memref<!tpu.dma_semaphore, #tpu.memory_space<semaphore_mem>>
        %dma_start3A = tpu.memref_slice %arg20[%multiple_of3A_330] : memref<256xi32, #tpu.memory_space<vmem_shared>> -> memref<16xi32, #tpu.memory_space<vmem_shared>>
        %dma_start3A_611 = tpu.memref_slice %arg20[%multiple_of3A_330] : memref<256xi32, #tpu.memory_space<vmem_shared>> -> memref<16xi32, #tpu.memory_space<vmem_shared>>
        tpu.enqueue_dma source(%arg12 : memref<16xi32, #tpu.memory_space<vmem>>) target(%dma_start3A_611 : memref<16xi32, #tpu.memory_space<vmem_shared>>) target_semaphore(%run_scoped3A : memref<!tpu.dma_semaphore, #tpu.memory_space<semaphore_mem>>)
        %dma_wait3A = tpu.memref_slice %arg20[%multiple_of3A_330] : memref<256xi32, #tpu.memory_space<vmem_shared>> -> memref<16xi32, #tpu.memory_space<vmem_shared>>
        %dma_wait3A_612 = tpu.memref_slice %arg20[%multiple_of3A_330] : memref<256xi32, #tpu.memory_space<vmem_shared>> -> memref<16xi32, #tpu.memory_space<vmem_shared>>
        tpu.wait_dma2 semaphore(%run_scoped3A : memref<!tpu.dma_semaphore, #tpu.memory_space<semaphore_mem>>) src(%arg12 : memref<16xi32, #tpu.memory_space<vmem>>) dst(%dma_wait3A_612 : memref<16xi32, #tpu.memory_space<vmem_shared>>)
        tpu.yield
      }) : () -> ()
      %swap3A_331 = arith.constant 0 : index
      %swap3A_332 = tpu.vector_load %arg12[%swap3A_331] {strides = array<i32>} : memref<16xi32, #tpu.memory_space<vmem>>, vector<16xi32>,
      tpu.vector_store %arg12[%swap3A_331], %scan3A_324#2 {strides = array<i32>} : memref<16xi32, #tpu.memory_space<vmem>>, vector<16xi32>,
      %mul3A_333 = arith.constant 16 : i32
      %mul3A_334 = arith.muli %arg1, %mul3A_333 : i32
      %multiple_of3A_335 = tpu.assume_multiple %mul3A_334, 16 : i32
      "tpu.region"() ({
        %run_scoped3A = tpu.sem_alloc : memref<!tpu.dma_semaphore, #tpu.memory_space<semaphore_mem>>
        %dma_start3A = tpu.memref_slice %arg21[%multiple_of3A_335] : memref<256xi32, #tpu.memory_space<vmem_shared>> -> memref<16xi32, #tpu.memory_space<vmem_shared>>
        %dma_start3A_611 = tpu.memref_slice %arg21[%multiple_of3A_335] : memref<256xi32, #tpu.memory_space<vmem_shared>> -> memref<16xi32, #tpu.memory_space<vmem_shared>>
        tpu.enqueue_dma source(%arg12 : memref<16xi32, #tpu.memory_space<vmem>>) target(%dma_start3A_611 : memref<16xi32, #tpu.memory_space<vmem_shared>>) target_semaphore(%run_scoped3A : memref<!tpu.dma_semaphore, #tpu.memory_space<semaphore_mem>>)
        %dma_wait3A = tpu.memref_slice %arg21[%multiple_of3A_335] : memref<256xi32, #tpu.memory_space<vmem_shared>> -> memref<16xi32, #tpu.memory_space<vmem_shared>>
        %dma_wait3A_612 = tpu.memref_slice %arg21[%multiple_of3A_335] : memref<256xi32, #tpu.memory_space<vmem_shared>> -> memref<16xi32, #tpu.memory_space<vmem_shared>>
        tpu.wait_dma2 semaphore(%run_scoped3A : memref<!tpu.dma_semaphore, #tpu.memory_space<semaphore_mem>>) src(%arg12 : memref<16xi32, #tpu.memory_space<vmem>>) dst(%dma_wait3A_612 : memref<16xi32, #tpu.memory_space<vmem_shared>>)
        tpu.yield
      }) : () -> ()
      %barrier3A_336 = arith.constant 0 : index
      tpu.barrier barrier_id(%barrier3A_336)
      "tpu.region"() ({
        %run_scoped3A = tpu.sem_alloc : memref<!tpu.dma_semaphore, #tpu.memory_space<semaphore_mem>>
        tpu.enqueue_dma source(%arg20 : memref<256xi32, #tpu.memory_space<vmem_shared>>) target(%arg14 : memref<256xi32, #tpu.memory_space<vmem>>) target_semaphore(%run_scoped3A : memref<!tpu.dma_semaphore, #tpu.memory_space<semaphore_mem>>)
        tpu.wait_dma2 semaphore(%run_scoped3A : memref<!tpu.dma_semaphore, #tpu.memory_space<semaphore_mem>>) src(%arg20 : memref<256xi32, #tpu.memory_space<vmem_shared>>) dst(%arg14 : memref<256xi32, #tpu.memory_space<vmem>>)
        tpu.yield
      }) : () -> ()
      "tpu.region"() ({
        %run_scoped3A = tpu.sem_alloc : memref<!tpu.dma_semaphore, #tpu.memory_space<semaphore_mem>>
        tpu.enqueue_dma source(%arg21 : memref<256xi32, #tpu.memory_space<vmem_shared>>) target(%arg15 : memref<256xi32, #tpu.memory_space<vmem>>) target_semaphore(%run_scoped3A : memref<!tpu.dma_semaphore, #tpu.memory_space<semaphore_mem>>)
        tpu.wait_dma2 semaphore(%run_scoped3A : memref<!tpu.dma_semaphore, #tpu.memory_space<semaphore_mem>>) src(%arg21 : memref<256xi32, #tpu.memory_space<vmem_shared>>) dst(%arg15 : memref<256xi32, #tpu.memory_space<vmem>>)
        tpu.yield
      }) : () -> ()
      %get3A_337 = arith.constant 0 : index
      %get3A_338 = tpu.vector_load %arg14[%get3A_337] {strides = array<i32>} : memref<256xi32, #tpu.memory_space<vmem>>, vector<16xi32>,
      %get3A_339 = arith.constant 0 : index
      %get3A_340 = tpu.vector_load %arg15[%get3A_339] {strides = array<i32>} : memref<256xi32, #tpu.memory_space<vmem>>, vector<16xi32>,
      %ge3A = arith.constant 0 : i32
      %ge3A_341 = vector.broadcast %ge3A : i32 to vector<16xi32>
      %ge3A_342 = arith.cmpi sge, %get3A_340, %ge3A_341 : vector<16xi32>
      %ge3A_343 = vector.broadcast %multiple_of3A : i32 to vector<16xi32>
      %ge3A_344 = arith.cmpi sge, %get3A_338, %ge3A_343 : vector<16xi32>
      %and3A_345 = arith.andi %ge3A_342, %ge3A_344 : vector<16xi1>
      %add3A_346 = arith.constant 128 : i32
      %add3A_347 = arith.addi %multiple_of3A, %add3A_346 : i32
      %lt3A_348 = vector.broadcast %add3A_347 : i32 to vector<16xi32>
      %lt3A_349 = arith.cmpi slt, %get3A_338, %lt3A_348 : vector<16xi32>
      %and3A_350 = arith.andi %and3A_345, %lt3A_349 : vector<16xi1>
      %sub3A_351 = vector.broadcast %multiple_of3A : i32 to vector<16xi32>
      %sub3A_352 = arith.subi %get3A_338, %sub3A_351 : vector<16xi32>
      tpu.vector_store_idx %arg10[%sub3A_352], %get3A_340 masked %and3A_350 : memref<128xi32, #tpu.memory_space<vmem>>[vector<16xi32>], vector<16xi32>, vector<16xi1>
      %get3A_353 = arith.constant 16 : index
      %get3A_354 = tpu.vector_load %arg14[%get3A_353] {strides = array<i32>} : memref<256xi32, #tpu.memory_space<vmem>>, vector<16xi32>,
      %get3A_355 = arith.constant 16 : index
      %get3A_356 = tpu.vector_load %arg15[%get3A_355] {strides = array<i32>} : memref<256xi32, #tpu.memory_space<vmem>>, vector<16xi32>,
      %ge3A_357 = arith.constant 0 : i32
      %ge3A_358 = vector.broadcast %ge3A_357 : i32 to vector<16xi32>
      %ge3A_359 = arith.cmpi sge, %get3A_356, %ge3A_358 : vector<16xi32>
      %ge3A_360 = vector.broadcast %multiple_of3A : i32 to vector<16xi32>
      %ge3A_361 = arith.cmpi sge, %get3A_354, %ge3A_360 : vector<16xi32>
      %and3A_362 = arith.andi %ge3A_359, %ge3A_361 : vector<16xi1>
      %add3A_363 = arith.constant 128 : i32
      %add3A_364 = arith.addi %multiple_of3A, %add3A_363 : i32
      %lt3A_365 = vector.broadcast %add3A_364 : i32 to vector<16xi32>
      %lt3A_366 = arith.cmpi slt, %get3A_354, %lt3A_365 : vector<16xi32>
      %and3A_367 = arith.andi %and3A_362, %lt3A_366 : vector<16xi1>
      %sub3A_368 = vector.broadcast %multiple_of3A : i32 to vector<16xi32>
      %sub3A_369 = arith.subi %get3A_354, %sub3A_368 : vector<16xi32>
      tpu.vector_store_idx %arg10[%sub3A_369], %get3A_356 masked %and3A_367 : memref<128xi32, #tpu.memory_space<vmem>>[vector<16xi32>], vector<16xi32>, vector<16xi1>
      %get3A_370 = arith.constant 32 : index
      %get3A_371 = tpu.vector_load %arg14[%get3A_370] {strides = array<i32>} : memref<256xi32, #tpu.memory_space<vmem>>, vector<16xi32>,
      %get3A_372 = arith.constant 32 : index
      %get3A_373 = tpu.vector_load %arg15[%get3A_372] {strides = array<i32>} : memref<256xi32, #tpu.memory_space<vmem>>, vector<16xi32>,
      %ge3A_374 = arith.constant 0 : i32
      %ge3A_375 = vector.broadcast %ge3A_374 : i32 to vector<16xi32>
      %ge3A_376 = arith.cmpi sge, %get3A_373, %ge3A_375 : vector<16xi32>
      %ge3A_377 = vector.broadcast %multiple_of3A : i32 to vector<16xi32>
      %ge3A_378 = arith.cmpi sge, %get3A_371, %ge3A_377 : vector<16xi32>
      %and3A_379 = arith.andi %ge3A_376, %ge3A_378 : vector<16xi1>
      %add3A_380 = arith.constant 128 : i32
      %add3A_381 = arith.addi %multiple_of3A, %add3A_380 : i32
      %lt3A_382 = vector.broadcast %add3A_381 : i32 to vector<16xi32>
      %lt3A_383 = arith.cmpi slt, %get3A_371, %lt3A_382 : vector<16xi32>
      %and3A_384 = arith.andi %and3A_379, %lt3A_383 : vector<16xi1>
      %sub3A_385 = vector.broadcast %multiple_of3A : i32 to vector<16xi32>
      %sub3A_386 = arith.subi %get3A_371, %sub3A_385 : vector<16xi32>
      tpu.vector_store_idx %arg10[%sub3A_386], %get3A_373 masked %and3A_384 : memref<128xi32, #tpu.memory_space<vmem>>[vector<16xi32>], vector<16xi32>, vector<16xi1>
      %get3A_387 = arith.constant 48 : index
      %get3A_388 = tpu.vector_load %arg14[%get3A_387] {strides = array<i32>} : memref<256xi32, #tpu.memory_space<vmem>>, vector<16xi32>,
      %get3A_389 = arith.constant 48 : index
      %get3A_390 = tpu.vector_load %arg15[%get3A_389] {strides = array<i32>} : memref<256xi32, #tpu.memory_space<vmem>>, vector<16xi32>,
      %ge3A_391 = arith.constant 0 : i32
      %ge3A_392 = vector.broadcast %ge3A_391 : i32 to vector<16xi32>
      %ge3A_393 = arith.cmpi sge, %get3A_390, %ge3A_392 : vector<16xi32>
      %ge3A_394 = vector.broadcast %multiple_of3A : i32 to vector<16xi32>
      %ge3A_395 = arith.cmpi sge, %get3A_388, %ge3A_394 : vector<16xi32>
      %and3A_396 = arith.andi %ge3A_393, %ge3A_395 : vector<16xi1>
      %add3A_397 = arith.constant 128 : i32
      %add3A_398 = arith.addi %multiple_of3A, %add3A_397 : i32
      %lt3A_399 = vector.broadcast %add3A_398 : i32 to vector<16xi32>
      %lt3A_400 = arith.cmpi slt, %get3A_388, %lt3A_399 : vector<16xi32>
      %and3A_401 = arith.andi %and3A_396, %lt3A_400 : vector<16xi1>
      %sub3A_402 = vector.broadcast %multiple_of3A : i32 to vector<16xi32>
      %sub3A_403 = arith.subi %get3A_388, %sub3A_402 : vector<16xi32>
      tpu.vector_store_idx %arg10[%sub3A_403], %get3A_390 masked %and3A_401 : memref<128xi32, #tpu.memory_space<vmem>>[vector<16xi32>], vector<16xi32>, vector<16xi1>
      %get3A_404 = arith.constant 64 : index
      %get3A_405 = tpu.vector_load %arg14[%get3A_404] {strides = array<i32>} : memref<256xi32, #tpu.memory_space<vmem>>, vector<16xi32>,
      %get3A_406 = arith.constant 64 : index
      %get3A_407 = tpu.vector_load %arg15[%get3A_406] {strides = array<i32>} : memref<256xi32, #tpu.memory_space<vmem>>, vector<16xi32>,
      %ge3A_408 = arith.constant 0 : i32
      %ge3A_409 = vector.broadcast %ge3A_408 : i32 to vector<16xi32>
      %ge3A_410 = arith.cmpi sge, %get3A_407, %ge3A_409 : vector<16xi32>
      %ge3A_411 = vector.broadcast %multiple_of3A : i32 to vector<16xi32>
      %ge3A_412 = arith.cmpi sge, %get3A_405, %ge3A_411 : vector<16xi32>
      %and3A_413 = arith.andi %ge3A_410, %ge3A_412 : vector<16xi1>
      %add3A_414 = arith.constant 128 : i32
      %add3A_415 = arith.addi %multiple_of3A, %add3A_414 : i32
      %lt3A_416 = vector.broadcast %add3A_415 : i32 to vector<16xi32>
      %lt3A_417 = arith.cmpi slt, %get3A_405, %lt3A_416 : vector<16xi32>
      %and3A_418 = arith.andi %and3A_413, %lt3A_417 : vector<16xi1>
      %sub3A_419 = vector.broadcast %multiple_of3A : i32 to vector<16xi32>
      %sub3A_420 = arith.subi %get3A_405, %sub3A_419 : vector<16xi32>
      tpu.vector_store_idx %arg10[%sub3A_420], %get3A_407 masked %and3A_418 : memref<128xi32, #tpu.memory_space<vmem>>[vector<16xi32>], vector<16xi32>, vector<16xi1>
      %get3A_421 = arith.constant 80 : index
      %get3A_422 = tpu.vector_load %arg14[%get3A_421] {strides = array<i32>} : memref<256xi32, #tpu.memory_space<vmem>>, vector<16xi32>,
      %get3A_423 = arith.constant 80 : index
      %get3A_424 = tpu.vector_load %arg15[%get3A_423] {strides = array<i32>} : memref<256xi32, #tpu.memory_space<vmem>>, vector<16xi32>,
      %ge3A_425 = arith.constant 0 : i32
      %ge3A_426 = vector.broadcast %ge3A_425 : i32 to vector<16xi32>
      %ge3A_427 = arith.cmpi sge, %get3A_424, %ge3A_426 : vector<16xi32>
      %ge3A_428 = vector.broadcast %multiple_of3A : i32 to vector<16xi32>
      %ge3A_429 = arith.cmpi sge, %get3A_422, %ge3A_428 : vector<16xi32>
      %and3A_430 = arith.andi %ge3A_427, %ge3A_429 : vector<16xi1>
      %add3A_431 = arith.constant 128 : i32
      %add3A_432 = arith.addi %multiple_of3A, %add3A_431 : i32
      %lt3A_433 = vector.broadcast %add3A_432 : i32 to vector<16xi32>
      %lt3A_434 = arith.cmpi slt, %get3A_422, %lt3A_433 : vector<16xi32>
      %and3A_435 = arith.andi %and3A_430, %lt3A_434 : vector<16xi1>
      %sub3A_436 = vector.broadcast %multiple_of3A : i32 to vector<16xi32>
      %sub3A_437 = arith.subi %get3A_422, %sub3A_436 : vector<16xi32>
      tpu.vector_store_idx %arg10[%sub3A_437], %get3A_424 masked %and3A_435 : memref<128xi32, #tpu.memory_space<vmem>>[vector<16xi32>], vector<16xi32>, vector<16xi1>
      %get3A_438 = arith.constant 96 : index
      %get3A_439 = tpu.vector_load %arg14[%get3A_438] {strides = array<i32>} : memref<256xi32, #tpu.memory_space<vmem>>, vector<16xi32>,
      %get3A_440 = arith.constant 96 : index
      %get3A_441 = tpu.vector_load %arg15[%get3A_440] {strides = array<i32>} : memref<256xi32, #tpu.memory_space<vmem>>, vector<16xi32>,
      %ge3A_442 = arith.constant 0 : i32
      %ge3A_443 = vector.broadcast %ge3A_442 : i32 to vector<16xi32>
      %ge3A_444 = arith.cmpi sge, %get3A_441, %ge3A_443 : vector<16xi32>
      %ge3A_445 = vector.broadcast %multiple_of3A : i32 to vector<16xi32>
      %ge3A_446 = arith.cmpi sge, %get3A_439, %ge3A_445 : vector<16xi32>
      %and3A_447 = arith.andi %ge3A_444, %ge3A_446 : vector<16xi1>
      %add3A_448 = arith.constant 128 : i32
      %add3A_449 = arith.addi %multiple_of3A, %add3A_448 : i32
      %lt3A_450 = vector.broadcast %add3A_449 : i32 to vector<16xi32>
      %lt3A_451 = arith.cmpi slt, %get3A_439, %lt3A_450 : vector<16xi32>
      %and3A_452 = arith.andi %and3A_447, %lt3A_451 : vector<16xi1>
      %sub3A_453 = vector.broadcast %multiple_of3A : i32 to vector<16xi32>
      %sub3A_454 = arith.subi %get3A_439, %sub3A_453 : vector<16xi32>
      tpu.vector_store_idx %arg10[%sub3A_454], %get3A_441 masked %and3A_452 : memref<128xi32, #tpu.memory_space<vmem>>[vector<16xi32>], vector<16xi32>, vector<16xi1>
      %get3A_455 = arith.constant 112 : index
      %get3A_456 = tpu.vector_load %arg14[%get3A_455] {strides = array<i32>} : memref<256xi32, #tpu.memory_space<vmem>>, vector<16xi32>,
      %get3A_457 = arith.constant 112 : index
      %get3A_458 = tpu.vector_load %arg15[%get3A_457] {strides = array<i32>} : memref<256xi32, #tpu.memory_space<vmem>>, vector<16xi32>,
      %ge3A_459 = arith.constant 0 : i32
      %ge3A_460 = vector.broadcast %ge3A_459 : i32 to vector<16xi32>
      %ge3A_461 = arith.cmpi sge, %get3A_458, %ge3A_460 : vector<16xi32>
      %ge3A_462 = vector.broadcast %multiple_of3A : i32 to vector<16xi32>
      %ge3A_463 = arith.cmpi sge, %get3A_456, %ge3A_462 : vector<16xi32>
      %and3A_464 = arith.andi %ge3A_461, %ge3A_463 : vector<16xi1>
      %add3A_465 = arith.constant 128 : i32
      %add3A_466 = arith.addi %multiple_of3A, %add3A_465 : i32
      %lt3A_467 = vector.broadcast %add3A_466 : i32 to vector<16xi32>
      %lt3A_468 = arith.cmpi slt, %get3A_456, %lt3A_467 : vector<16xi32>
      %and3A_469 = arith.andi %and3A_464, %lt3A_468 : vector<16xi1>
      %sub3A_470 = vector.broadcast %multiple_of3A : i32 to vector<16xi32>
      %sub3A_471 = arith.subi %get3A_456, %sub3A_470 : vector<16xi32>
      tpu.vector_store_idx %arg10[%sub3A_471], %get3A_458 masked %and3A_469 : memref<128xi32, #tpu.memory_space<vmem>>[vector<16xi32>], vector<16xi32>, vector<16xi1>
      %get3A_472 = arith.constant 128 : index
      %get3A_473 = tpu.vector_load %arg14[%get3A_472] {strides = array<i32>} : memref<256xi32, #tpu.memory_space<vmem>>, vector<16xi32>,
      %get3A_474 = arith.constant 128 : index
      %get3A_475 = tpu.vector_load %arg15[%get3A_474] {strides = array<i32>} : memref<256xi32, #tpu.memory_space<vmem>>, vector<16xi32>,
      %ge3A_476 = arith.constant 0 : i32
      %ge3A_477 = vector.broadcast %ge3A_476 : i32 to vector<16xi32>
      %ge3A_478 = arith.cmpi sge, %get3A_475, %ge3A_477 : vector<16xi32>
      %ge3A_479 = vector.broadcast %multiple_of3A : i32 to vector<16xi32>
      %ge3A_480 = arith.cmpi sge, %get3A_473, %ge3A_479 : vector<16xi32>
      %and3A_481 = arith.andi %ge3A_478, %ge3A_480 : vector<16xi1>
      %add3A_482 = arith.constant 128 : i32
      %add3A_483 = arith.addi %multiple_of3A, %add3A_482 : i32
      %lt3A_484 = vector.broadcast %add3A_483 : i32 to vector<16xi32>
      %lt3A_485 = arith.cmpi slt, %get3A_473, %lt3A_484 : vector<16xi32>
      %and3A_486 = arith.andi %and3A_481, %lt3A_485 : vector<16xi1>
      %sub3A_487 = vector.broadcast %multiple_of3A : i32 to vector<16xi32>
      %sub3A_488 = arith.subi %get3A_473, %sub3A_487 : vector<16xi32>
      tpu.vector_store_idx %arg10[%sub3A_488], %get3A_475 masked %and3A_486 : memref<128xi32, #tpu.memory_space<vmem>>[vector<16xi32>], vector<16xi32>, vector<16xi1>
      %get3A_489 = arith.constant 144 : index
      %get3A_490 = tpu.vector_load %arg14[%get3A_489] {strides = array<i32>} : memref<256xi32, #tpu.memory_space<vmem>>, vector<16xi32>,
      %get3A_491 = arith.constant 144 : index
      %get3A_492 = tpu.vector_load %arg15[%get3A_491] {strides = array<i32>} : memref<256xi32, #tpu.memory_space<vmem>>, vector<16xi32>,
      %ge3A_493 = arith.constant 0 : i32
      %ge3A_494 = vector.broadcast %ge3A_493 : i32 to vector<16xi32>
      %ge3A_495 = arith.cmpi sge, %get3A_492, %ge3A_494 : vector<16xi32>
      %ge3A_496 = vector.broadcast %multiple_of3A : i32 to vector<16xi32>
      %ge3A_497 = arith.cmpi sge, %get3A_490, %ge3A_496 : vector<16xi32>
      %and3A_498 = arith.andi %ge3A_495, %ge3A_497 : vector<16xi1>
      %add3A_499 = arith.constant 128 : i32
      %add3A_500 = arith.addi %multiple_of3A, %add3A_499 : i32
      %lt3A_501 = vector.broadcast %add3A_500 : i32 to vector<16xi32>
      %lt3A_502 = arith.cmpi slt, %get3A_490, %lt3A_501 : vector<16xi32>
      %and3A_503 = arith.andi %and3A_498, %lt3A_502 : vector<16xi1>
      %sub3A_504 = vector.broadcast %multiple_of3A : i32 to vector<16xi32>
      %sub3A_505 = arith.subi %get3A_490, %sub3A_504 : vector<16xi32>
      tpu.vector_store_idx %arg10[%sub3A_505], %get3A_492 masked %and3A_503 : memref<128xi32, #tpu.memory_space<vmem>>[vector<16xi32>], vector<16xi32>, vector<16xi1>
      %get3A_506 = arith.constant 160 : index
      %get3A_507 = tpu.vector_load %arg14[%get3A_506] {strides = array<i32>} : memref<256xi32, #tpu.memory_space<vmem>>, vector<16xi32>,
      %get3A_508 = arith.constant 160 : index
      %get3A_509 = tpu.vector_load %arg15[%get3A_508] {strides = array<i32>} : memref<256xi32, #tpu.memory_space<vmem>>, vector<16xi32>,
      %ge3A_510 = arith.constant 0 : i32
      %ge3A_511 = vector.broadcast %ge3A_510 : i32 to vector<16xi32>
      %ge3A_512 = arith.cmpi sge, %get3A_509, %ge3A_511 : vector<16xi32>
      %ge3A_513 = vector.broadcast %multiple_of3A : i32 to vector<16xi32>
      %ge3A_514 = arith.cmpi sge, %get3A_507, %ge3A_513 : vector<16xi32>
      %and3A_515 = arith.andi %ge3A_512, %ge3A_514 : vector<16xi1>
      %add3A_516 = arith.constant 128 : i32
      %add3A_517 = arith.addi %multiple_of3A, %add3A_516 : i32
      %lt3A_518 = vector.broadcast %add3A_517 : i32 to vector<16xi32>
      %lt3A_519 = arith.cmpi slt, %get3A_507, %lt3A_518 : vector<16xi32>
      %and3A_520 = arith.andi %and3A_515, %lt3A_519 : vector<16xi1>
      %sub3A_521 = vector.broadcast %multiple_of3A : i32 to vector<16xi32>
      %sub3A_522 = arith.subi %get3A_507, %sub3A_521 : vector<16xi32>
      tpu.vector_store_idx %arg10[%sub3A_522], %get3A_509 masked %and3A_520 : memref<128xi32, #tpu.memory_space<vmem>>[vector<16xi32>], vector<16xi32>, vector<16xi1>
      %get3A_523 = arith.constant 176 : index
      %get3A_524 = tpu.vector_load %arg14[%get3A_523] {strides = array<i32>} : memref<256xi32, #tpu.memory_space<vmem>>, vector<16xi32>,
      %get3A_525 = arith.constant 176 : index
      %get3A_526 = tpu.vector_load %arg15[%get3A_525] {strides = array<i32>} : memref<256xi32, #tpu.memory_space<vmem>>, vector<16xi32>,
      %ge3A_527 = arith.constant 0 : i32
      %ge3A_528 = vector.broadcast %ge3A_527 : i32 to vector<16xi32>
      %ge3A_529 = arith.cmpi sge, %get3A_526, %ge3A_528 : vector<16xi32>
      %ge3A_530 = vector.broadcast %multiple_of3A : i32 to vector<16xi32>
      %ge3A_531 = arith.cmpi sge, %get3A_524, %ge3A_530 : vector<16xi32>
      %and3A_532 = arith.andi %ge3A_529, %ge3A_531 : vector<16xi1>
      %add3A_533 = arith.constant 128 : i32
      %add3A_534 = arith.addi %multiple_of3A, %add3A_533 : i32
      %lt3A_535 = vector.broadcast %add3A_534 : i32 to vector<16xi32>
      %lt3A_536 = arith.cmpi slt, %get3A_524, %lt3A_535 : vector<16xi32>
      %and3A_537 = arith.andi %and3A_532, %lt3A_536 : vector<16xi1>
      %sub3A_538 = vector.broadcast %multiple_of3A : i32 to vector<16xi32>
      %sub3A_539 = arith.subi %get3A_524, %sub3A_538 : vector<16xi32>
      tpu.vector_store_idx %arg10[%sub3A_539], %get3A_526 masked %and3A_537 : memref<128xi32, #tpu.memory_space<vmem>>[vector<16xi32>], vector<16xi32>, vector<16xi1>
      %get3A_540 = arith.constant 192 : index
      %get3A_541 = tpu.vector_load %arg14[%get3A_540] {strides = array<i32>} : memref<256xi32, #tpu.memory_space<vmem>>, vector<16xi32>,
      %get3A_542 = arith.constant 192 : index
      %get3A_543 = tpu.vector_load %arg15[%get3A_542] {strides = array<i32>} : memref<256xi32, #tpu.memory_space<vmem>>, vector<16xi32>,
      %ge3A_544 = arith.constant 0 : i32
      %ge3A_545 = vector.broadcast %ge3A_544 : i32 to vector<16xi32>
      %ge3A_546 = arith.cmpi sge, %get3A_543, %ge3A_545 : vector<16xi32>
      %ge3A_547 = vector.broadcast %multiple_of3A : i32 to vector<16xi32>
      %ge3A_548 = arith.cmpi sge, %get3A_541, %ge3A_547 : vector<16xi32>
      %and3A_549 = arith.andi %ge3A_546, %ge3A_548 : vector<16xi1>
      %add3A_550 = arith.constant 128 : i32
      %add3A_551 = arith.addi %multiple_of3A, %add3A_550 : i32
      %lt3A_552 = vector.broadcast %add3A_551 : i32 to vector<16xi32>
      %lt3A_553 = arith.cmpi slt, %get3A_541, %lt3A_552 : vector<16xi32>
      %and3A_554 = arith.andi %and3A_549, %lt3A_553 : vector<16xi1>
      %sub3A_555 = vector.broadcast %multiple_of3A : i32 to vector<16xi32>
      %sub3A_556 = arith.subi %get3A_541, %sub3A_555 : vector<16xi32>
      tpu.vector_store_idx %arg10[%sub3A_556], %get3A_543 masked %and3A_554 : memref<128xi32, #tpu.memory_space<vmem>>[vector<16xi32>], vector<16xi32>, vector<16xi1>
      %get3A_557 = arith.constant 208 : index
      %get3A_558 = tpu.vector_load %arg14[%get3A_557] {strides = array<i32>} : memref<256xi32, #tpu.memory_space<vmem>>, vector<16xi32>,
      %get3A_559 = arith.constant 208 : index
      %get3A_560 = tpu.vector_load %arg15[%get3A_559] {strides = array<i32>} : memref<256xi32, #tpu.memory_space<vmem>>, vector<16xi32>,
      %ge3A_561 = arith.constant 0 : i32
      %ge3A_562 = vector.broadcast %ge3A_561 : i32 to vector<16xi32>
      %ge3A_563 = arith.cmpi sge, %get3A_560, %ge3A_562 : vector<16xi32>
      %ge3A_564 = vector.broadcast %multiple_of3A : i32 to vector<16xi32>
      %ge3A_565 = arith.cmpi sge, %get3A_558, %ge3A_564 : vector<16xi32>
      %and3A_566 = arith.andi %ge3A_563, %ge3A_565 : vector<16xi1>
      %add3A_567 = arith.constant 128 : i32
      %add3A_568 = arith.addi %multiple_of3A, %add3A_567 : i32
      %lt3A_569 = vector.broadcast %add3A_568 : i32 to vector<16xi32>
      %lt3A_570 = arith.cmpi slt, %get3A_558, %lt3A_569 : vector<16xi32>
      %and3A_571 = arith.andi %and3A_566, %lt3A_570 : vector<16xi1>
      %sub3A_572 = vector.broadcast %multiple_of3A : i32 to vector<16xi32>
      %sub3A_573 = arith.subi %get3A_558, %sub3A_572 : vector<16xi32>
      tpu.vector_store_idx %arg10[%sub3A_573], %get3A_560 masked %and3A_571 : memref<128xi32, #tpu.memory_space<vmem>>[vector<16xi32>], vector<16xi32>, vector<16xi1>
      %get3A_574 = arith.constant 224 : index
      %get3A_575 = tpu.vector_load %arg14[%get3A_574] {strides = array<i32>} : memref<256xi32, #tpu.memory_space<vmem>>, vector<16xi32>,
      %get3A_576 = arith.constant 224 : index
      %get3A_577 = tpu.vector_load %arg15[%get3A_576] {strides = array<i32>} : memref<256xi32, #tpu.memory_space<vmem>>, vector<16xi32>,
      %ge3A_578 = arith.constant 0 : i32
      %ge3A_579 = vector.broadcast %ge3A_578 : i32 to vector<16xi32>
      %ge3A_580 = arith.cmpi sge, %get3A_577, %ge3A_579 : vector<16xi32>
      %ge3A_581 = vector.broadcast %multiple_of3A : i32 to vector<16xi32>
      %ge3A_582 = arith.cmpi sge, %get3A_575, %ge3A_581 : vector<16xi32>
      %and3A_583 = arith.andi %ge3A_580, %ge3A_582 : vector<16xi1>
      %add3A_584 = arith.constant 128 : i32
      %add3A_585 = arith.addi %multiple_of3A, %add3A_584 : i32
      %lt3A_586 = vector.broadcast %add3A_585 : i32 to vector<16xi32>
      %lt3A_587 = arith.cmpi slt, %get3A_575, %lt3A_586 : vector<16xi32>
      %and3A_588 = arith.andi %and3A_583, %lt3A_587 : vector<16xi1>
      %sub3A_589 = vector.broadcast %multiple_of3A : i32 to vector<16xi32>
      %sub3A_590 = arith.subi %get3A_575, %sub3A_589 : vector<16xi32>
      tpu.vector_store_idx %arg10[%sub3A_590], %get3A_577 masked %and3A_588 : memref<128xi32, #tpu.memory_space<vmem>>[vector<16xi32>], vector<16xi32>, vector<16xi1>
      %get3A_591 = arith.constant 240 : index
      %get3A_592 = tpu.vector_load %arg14[%get3A_591] {strides = array<i32>} : memref<256xi32, #tpu.memory_space<vmem>>, vector<16xi32>,
      %get3A_593 = arith.constant 240 : index
      %get3A_594 = tpu.vector_load %arg15[%get3A_593] {strides = array<i32>} : memref<256xi32, #tpu.memory_space<vmem>>, vector<16xi32>,
      %ge3A_595 = arith.constant 0 : i32
      %ge3A_596 = vector.broadcast %ge3A_595 : i32 to vector<16xi32>
      %ge3A_597 = arith.cmpi sge, %get3A_594, %ge3A_596 : vector<16xi32>
      %ge3A_598 = vector.broadcast %multiple_of3A : i32 to vector<16xi32>
      %ge3A_599 = arith.cmpi sge, %get3A_592, %ge3A_598 : vector<16xi32>
      %and3A_600 = arith.andi %ge3A_597, %ge3A_599 : vector<16xi1>
      %add3A_601 = arith.constant 128 : i32
      %add3A_602 = arith.addi %multiple_of3A, %add3A_601 : i32
      %lt3A_603 = vector.broadcast %add3A_602 : i32 to vector<16xi32>
      %lt3A_604 = arith.cmpi slt, %get3A_592, %lt3A_603 : vector<16xi32>
      %and3A_605 = arith.andi %and3A_600, %lt3A_604 : vector<16xi1>
      %sub3A_606 = vector.broadcast %multiple_of3A : i32 to vector<16xi32>
      %sub3A_607 = arith.subi %get3A_592, %sub3A_606 : vector<16xi32>
      tpu.vector_store_idx %arg10[%sub3A_607], %get3A_594 masked %and3A_605 : memref<128xi32, #tpu.memory_space<vmem>>[vector<16xi32>], vector<16xi32>, vector<16xi1>
      "tpu.region"() ({
        %run_scoped3A = tpu.sem_alloc : memref<!tpu.dma_semaphore, #tpu.memory_space<semaphore_mem>>
        %dma_start3A = tpu.memref_slice %arg5[%multiple_of3A] : memref<2048xi32, #tpu.memory_space<hbm>> -> memref<128xi32, #tpu.memory_space<hbm>>
        %dma_start3A_611 = tpu.memref_slice %arg5[%multiple_of3A] : memref<2048xi32, #tpu.memory_space<hbm>> -> memref<128xi32, #tpu.memory_space<hbm>>
        tpu.enqueue_dma source(%arg10 : memref<128xi32, #tpu.memory_space<vmem>>) target(%dma_start3A_611 : memref<128xi32, #tpu.memory_space<hbm>>) target_semaphore(%run_scoped3A : memref<!tpu.dma_semaphore, #tpu.memory_space<semaphore_mem>>)
        %dma_wait3A = tpu.memref_slice %arg5[%multiple_of3A] : memref<2048xi32, #tpu.memory_space<hbm>> -> memref<128xi32, #tpu.memory_space<hbm>>
        %dma_wait3A_612 = tpu.memref_slice %arg5[%multiple_of3A] : memref<2048xi32, #tpu.memory_space<hbm>> -> memref<128xi32, #tpu.memory_space<hbm>>
        tpu.wait_dma2 semaphore(%run_scoped3A : memref<!tpu.dma_semaphore, #tpu.memory_space<semaphore_mem>>) src(%arg10 : memref<128xi32, #tpu.memory_space<vmem>>) dst(%dma_wait3A_612 : memref<128xi32, #tpu.memory_space<hbm>>)
        tpu.yield
      }) : () -> ()
      %convert_element_type3A_608 = arith.extui %eq3A_283 : i1 to i32
      %cond3A_609 = arith.constant 0 : i32
      %cond3A_610 = arith.cmpi ne, %convert_element_type3A_608, %cond3A_609 : i32
      scf.if %cond3A_610 {
        %max3A = arith.constant 0 : i32
        %max3A_611 = vector.broadcast %max3A : i32 to vector<16xi32>
        %max3A_612 = arith.maxsi %while3A_268#1, %max3A_611 : vector<16xi32>
        %jit3A_613 = arith.constant 2 : i32
        %div3A = arith.divsi %arg1, %jit3A_613 : i32
        %sign3A = arith.constant 0 : i32
        %sign3A_614 = arith.cmpi sgt, %arg1, %sign3A : i32
        %sign3A_615 = arith.extui %sign3A_614 : i1 to i32
        %sign3A_616 = arith.constant 0 : i32
        %sign3A_617 = arith.cmpi slt, %arg1, %sign3A_616 : i32
        %sign3A_618 = arith.extui %sign3A_617 : i1 to i32
        %sign3A_619 = arith.subi %sign3A_615, %sign3A_618 : i32
        %sign3A_620 = arith.constant 0 : i32
        %sign3A_621 = arith.cmpi sgt, %jit3A_613, %sign3A_620 : i32
        %sign3A_622 = arith.extui %sign3A_621 : i1 to i32
        %sign3A_623 = arith.constant 0 : i32
        %sign3A_624 = arith.cmpi slt, %jit3A_613, %sign3A_623 : i32
        %sign3A_625 = arith.extui %sign3A_624 : i1 to i32
        %sign3A_626 = arith.subi %sign3A_622, %sign3A_625 : i32
        %ne3A_627 = arith.cmpi ne, %sign3A_619, %sign3A_626 : i32
        %rem3A_628 = arith.remsi %arg1, %jit3A_613 : i32
        %ne3A_629 = arith.constant 0 : i32
        %ne3A_630 = arith.cmpi ne, %rem3A_628, %ne3A_629 : i32
        %and3A_631 = arith.andi %ne3A_627, %ne3A_630 : i1
        %sub3A_632 = arith.constant 1 : i32
        %sub3A_633 = arith.subi %div3A, %sub3A_632 : i32
        %select_n3A_634 = arith.select %and3A_631, %sub3A_633, %div3A : i32
        %mul3A_635 = arith.constant 16 : i32
        %mul3A_636 = arith.muli %select_n3A_634, %mul3A_635 : i32
        %multiple_of3A_637 = tpu.assume_multiple %mul3A_636, 16 : i32
        %dma_wait3A = arith.constant 0 : i32
        %dma_wait3A_638 = arith.constant 0 : i32
        %dma_wait3A_639 = tpu.memref_slice %arg3[%dma_wait3A, %dma_wait3A_638] : memref<2048x768xf32, #tpu.memory_space<hbm>> -> memref<2048x768xf32, #tpu.memory_space<hbm>>
        tpu.wait_indirect_dma semaphore(%arg22 : memref<!tpu.dma_semaphore, #tpu.memory_space<semaphore_mem>>) src(%dma_wait3A_639 : memref<2048x768xf32, #tpu.memory_space<hbm>>) dst(%arg16 : memref<16x768xf32, #tpu.memory_space<vmem>>)
        "tpu.region"() ({
          %run_scoped3A = tpu.sem_alloc : memref<!tpu.dma_semaphore, #tpu.memory_space<semaphore_mem>>
          %dma_start3A = arith.constant 0 : i32
          %dma_start3A_643 = tpu.memref_slice %arg7[%multiple_of3A_637, %dma_start3A] : memref<128x768xf32, #tpu.memory_space<hbm>> -> memref<16x768xf32, #tpu.memory_space<hbm>>
          %dma_start3A_644 = arith.constant 0 : i32
          %dma_start3A_645 = tpu.memref_slice %arg7[%multiple_of3A_637, %dma_start3A_644] : memref<128x768xf32, #tpu.memory_space<hbm>> -> memref<16x768xf32, #tpu.memory_space<hbm>>
          tpu.enqueue_dma source(%arg16 : memref<16x768xf32, #tpu.memory_space<vmem>>) target(%dma_start3A_645 : memref<16x768xf32, #tpu.memory_space<hbm>>) target_semaphore(%run_scoped3A : memref<!tpu.dma_semaphore, #tpu.memory_space<semaphore_mem>>)
          %dma_wait3A_646 = arith.constant 0 : i32
          %dma_wait3A_647 = tpu.memref_slice %arg7[%multiple_of3A_637, %dma_wait3A_646] : memref<128x768xf32, #tpu.memory_space<hbm>> -> memref<16x768xf32, #tpu.memory_space<hbm>>
          %dma_wait3A_648 = arith.constant 0 : i32
          %dma_wait3A_649 = tpu.memref_slice %arg7[%multiple_of3A_637, %dma_wait3A_648] : memref<128x768xf32, #tpu.memory_space<hbm>> -> memref<16x768xf32, #tpu.memory_space<hbm>>
          tpu.wait_dma2 semaphore(%run_scoped3A : memref<!tpu.dma_semaphore, #tpu.memory_space<semaphore_mem>>) src(%arg16 : memref<16x768xf32, #tpu.memory_space<vmem>>) dst(%dma_wait3A_649 : memref<16x768xf32, #tpu.memory_space<hbm>>)
          tpu.yield
        }) : () -> ()
        %dma_wait3A_640 = arith.constant 0 : i32
        %dma_wait3A_641 = arith.constant 0 : i32
        %dma_wait3A_642 = tpu.memref_slice %arg4[%dma_wait3A_640, %dma_wait3A_641] : memref<2048x768xf32, #tpu.memory_space<hbm>> -> memref<2048x768xf32, #tpu.memory_space<hbm>>
        tpu.wait_indirect_dma semaphore(%arg23 : memref<!tpu.dma_semaphore, #tpu.memory_space<semaphore_mem>>) src(%dma_wait3A_642 : memref<2048x768xf32, #tpu.memory_space<hbm>>) dst(%arg17 : memref<16x768xf32, #tpu.memory_space<vmem>>)
        "tpu.region"() ({
          %run_scoped3A = tpu.sem_alloc : memref<!tpu.dma_semaphore, #tpu.memory_space<semaphore_mem>>
          %dma_start3A = arith.constant 0 : i32
          %dma_start3A_643 = tpu.memref_slice %arg8[%multiple_of3A_637, %dma_start3A] : memref<128x768xf32, #tpu.memory_space<hbm>> -> memref<16x768xf32, #tpu.memory_space<hbm>>
          %dma_start3A_644 = arith.constant 0 : i32
          %dma_start3A_645 = tpu.memref_slice %arg8[%multiple_of3A_637, %dma_start3A_644] : memref<128x768xf32, #tpu.memory_space<hbm>> -> memref<16x768xf32, #tpu.memory_space<hbm>>
          tpu.enqueue_dma source(%arg17 : memref<16x768xf32, #tpu.memory_space<vmem>>) target(%dma_start3A_645 : memref<16x768xf32, #tpu.memory_space<hbm>>) target_semaphore(%run_scoped3A : memref<!tpu.dma_semaphore, #tpu.memory_space<semaphore_mem>>)
          %dma_wait3A_646 = arith.constant 0 : i32
          %dma_wait3A_647 = tpu.memref_slice %arg8[%multiple_of3A_637, %dma_wait3A_646] : memref<128x768xf32, #tpu.memory_space<hbm>> -> memref<16x768xf32, #tpu.memory_space<hbm>>
          %dma_wait3A_648 = arith.constant 0 : i32
          %dma_wait3A_649 = tpu.memref_slice %arg8[%multiple_of3A_637, %dma_wait3A_648] : memref<128x768xf32, #tpu.memory_space<hbm>> -> memref<16x768xf32, #tpu.memory_space<hbm>>
          tpu.wait_dma2 semaphore(%run_scoped3A : memref<!tpu.dma_semaphore, #tpu.memory_space<semaphore_mem>>) src(%arg17 : memref<16x768xf32, #tpu.memory_space<vmem>>) dst(%dma_wait3A_649 : memref<16x768xf32, #tpu.memory_space<hbm>>)
          tpu.yield
        }) : () -> ()
      } else {
      }
    } else {
    }
    return
  }
}

module attributes {stable_mosaic.version = 14 : i64} {
  func.func @_proj_body(%arg0: i32, %arg1: memref<256x768xf32, #tpu.memory_space<vmem>>, %arg2: memref<768x768xf32, #tpu.memory_space<vmem>>, %arg3: memref<768x768xf32, #tpu.memory_space<vmem>>, %arg4: memref<768x768xf32, #tpu.memory_space<vmem>>, %arg5: memref<1x768xf32, #tpu.memory_space<vmem>>, %arg6: memref<1x768xf32, #tpu.memory_space<vmem>>, %arg7: memref<1x768xf32, #tpu.memory_space<vmem>>, %arg8: memref<1x768xf32, #tpu.memory_space<vmem>>, %arg9: memref<1x1xf32, #tpu.memory_space<smem>>, %arg10: memref<256x768xf32, #tpu.memory_space<vmem>>, %arg11: memref<256x768xf32, #tpu.memory_space<vmem>>, %arg12: memref<256x768xf32, #tpu.memory_space<vmem>>, %arg13: memref<1x256xf32, #tpu.memory_space<vmem>>) attributes {dimension_semantics = [#tpu.dimension_semantics<arbitrary>], iteration_bounds = array<i64: 8>, scalar_prefetch = 0 : i64, scratch_operands = 0 : i64, tpu.core_type = #tpu.core_type<tc>, window_params = [{transform_indices = @transform_0, window_bounds = array<i64: 256, 768>}, {pipeline_mode = #tpu.pipeline_mode<synchronous>, transform_indices = @transform_1, window_bounds = array<i64: 768, 768>}, {pipeline_mode = #tpu.pipeline_mode<synchronous>, transform_indices = @transform_2, window_bounds = array<i64: 768, 768>}, {pipeline_mode = #tpu.pipeline_mode<synchronous>, transform_indices = @transform_3, window_bounds = array<i64: 768, 768>}, {pipeline_mode = #tpu.pipeline_mode<synchronous>, transform_indices = @transform_4, window_bounds = array<i64: 1, 768>}, {pipeline_mode = #tpu.pipeline_mode<synchronous>, transform_indices = @transform_5, window_bounds = array<i64: 1, 768>}, {pipeline_mode = #tpu.pipeline_mode<synchronous>, transform_indices = @transform_6, window_bounds = array<i64: 1, 768>}, {pipeline_mode = #tpu.pipeline_mode<synchronous>, transform_indices = @transform_7, window_bounds = array<i64: 1, 768>}, {transform_indices = @transform_8, window_bounds = array<i64: 1, 1>}, {transform_indices = @transform_9, window_bounds = array<i64: 256, 768>}, {transform_indices = @transform_10, window_bounds = array<i64: 256, 768>}, {transform_indices = @transform_11, window_bounds = array<i64: 256, 768>}, {transform_indices = @transform_12, window_bounds = array<i64: 1, 256>}]} {
    %get3A = arith.constant 0 : index
    %get3A_0 = arith.constant 0 : index
    %get3A_1 = vector.load %arg1[%get3A, %get3A_0] : memref<256x768xf32, #tpu.memory_space<vmem>>, vector<256x768xf32>
    %get3A_2 = arith.constant 0 : index
    %get3A_3 = arith.constant 0 : index
    %get3A_4 = vector.load %arg2[%get3A_2, %get3A_3] : memref<768x768xf32, #tpu.memory_space<vmem>>, vector<768x768xf32>
    %dot_general3A = arith.constant dense<0.000000e+00> : vector<256x768xf32>
    %dot_general3A_5 = tpu.matmul %get3A_1, %get3A_4, %dot_general3A {dimension_numbers = #tpu.dot_dimension_numbers<[1], [1], [0], [0], [0, 0, 1, 0], [], []>, transpose_lhs_hint = false} : vector<256x768xf32>, vector<768x768xf32>, vector<256x768xf32> -> vector<256x768xf32>
    %get3A_6 = arith.constant 0 : index
    %get3A_7 = arith.constant 0 : index
    %get3A_8 = vector.load %arg5[%get3A_6, %get3A_7] : memref<1x768xf32, #tpu.memory_space<vmem>>, vector<1x768xf32>
    %add3A = vector.broadcast %get3A_8 : vector<1x768xf32> to vector<256x768xf32>
    %add3A_9 = arith.addf %dot_general3A_5, %add3A : vector<256x768xf32>
    %swap3A = arith.constant 0 : index
    %swap3A_10 = arith.constant 0 : index
    %swap3A_11 = vector.load %arg10[%swap3A, %swap3A_10] : memref<256x768xf32, #tpu.memory_space<vmem>>, vector<256x768xf32>
    tpu.vector_store %arg10[%swap3A, %swap3A_10], %add3A_9 {strides = array<i32>} : memref<256x768xf32, #tpu.memory_space<vmem>>, vector<256x768xf32>,
    %get3A_12 = arith.constant 0 : index
    %get3A_13 = arith.constant 0 : index
    %get3A_14 = vector.load %arg3[%get3A_12, %get3A_13] : memref<768x768xf32, #tpu.memory_space<vmem>>, vector<768x768xf32>
    %dot_general3A_15 = arith.constant dense<0.000000e+00> : vector<256x768xf32>
    %dot_general3A_16 = tpu.matmul %get3A_1, %get3A_14, %dot_general3A_15 {dimension_numbers = #tpu.dot_dimension_numbers<[1], [1], [0], [0], [0, 0, 1, 0], [], []>, transpose_lhs_hint = false} : vector<256x768xf32>, vector<768x768xf32>, vector<256x768xf32> -> vector<256x768xf32>
    %get3A_17 = arith.constant 0 : index
    %get3A_18 = arith.constant 0 : index
    %get3A_19 = vector.load %arg6[%get3A_17, %get3A_18] : memref<1x768xf32, #tpu.memory_space<vmem>>, vector<1x768xf32>
    %add3A_20 = vector.broadcast %get3A_19 : vector<1x768xf32> to vector<256x768xf32>
    %add3A_21 = arith.addf %dot_general3A_16, %add3A_20 : vector<256x768xf32>
    %swap3A_22 = arith.constant 0 : index
    %swap3A_23 = arith.constant 0 : index
    %swap3A_24 = vector.load %arg11[%swap3A_22, %swap3A_23] : memref<256x768xf32, #tpu.memory_space<vmem>>, vector<256x768xf32>
    tpu.vector_store %arg11[%swap3A_22, %swap3A_23], %add3A_21 {strides = array<i32>} : memref<256x768xf32, #tpu.memory_space<vmem>>, vector<256x768xf32>,
    %get3A_25 = arith.constant 0 : index
    %get3A_26 = arith.constant 0 : index
    %get3A_27 = vector.load %arg4[%get3A_25, %get3A_26] : memref<768x768xf32, #tpu.memory_space<vmem>>, vector<768x768xf32>
    %dot_general3A_28 = arith.constant dense<0.000000e+00> : vector<256x768xf32>
    %dot_general3A_29 = tpu.matmul %get3A_1, %get3A_27, %dot_general3A_28 {dimension_numbers = #tpu.dot_dimension_numbers<[1], [1], [0], [0], [0, 0, 1, 0], [], []>, transpose_lhs_hint = false} : vector<256x768xf32>, vector<768x768xf32>, vector<256x768xf32> -> vector<256x768xf32>
    %get3A_30 = arith.constant 0 : index
    %get3A_31 = arith.constant 0 : index
    %get3A_32 = vector.load %arg7[%get3A_30, %get3A_31] : memref<1x768xf32, #tpu.memory_space<vmem>>, vector<1x768xf32>
    %add3A_33 = vector.broadcast %get3A_32 : vector<1x768xf32> to vector<256x768xf32>
    %add3A_34 = arith.addf %dot_general3A_29, %add3A_33 : vector<256x768xf32>
    %swap3A_35 = arith.constant 0 : index
    %swap3A_36 = arith.constant 0 : index
    %swap3A_37 = vector.load %arg12[%swap3A_35, %swap3A_36] : memref<256x768xf32, #tpu.memory_space<vmem>>, vector<256x768xf32>
    tpu.vector_store %arg12[%swap3A_35, %swap3A_36], %add3A_34 {strides = array<i32>} : memref<256x768xf32, #tpu.memory_space<vmem>>, vector<256x768xf32>,
    %get3A_38 = arith.constant 0 : index
    %get3A_39 = arith.constant 0 : index
    %get3A_40 = vector.load %arg8[%get3A_38, %get3A_39] : memref<1x768xf32, #tpu.memory_space<vmem>>, vector<1x768xf32>
    %dot_general3A_41 = arith.constant dense<0.000000e+00> : vector<1x256xf32>
    %dot_general3A_42 = tpu.matmul %get3A_40, %get3A_1, %dot_general3A_41 {dimension_numbers = #tpu.dot_dimension_numbers<[1], [1], [0], [0], [0, 0, 1, 0], [], []>, transpose_lhs_hint = false} : vector<1x768xf32>, vector<256x768xf32>, vector<1x256xf32> -> vector<1x256xf32>
    %get3A_43 = arith.constant 0 : index
    %get3A_44 = arith.constant 0 : index
    %get3A_45 = memref.load %arg9[%get3A_43, %get3A_44] : memref<1x1xf32, #tpu.memory_space<smem>>
    %add3A_46 = vector.broadcast %get3A_45 : f32 to vector<1x256xf32>
    %add3A_47 = arith.addf %dot_general3A_42, %add3A_46 : vector<1x256xf32>
    %swap3A_48 = arith.constant 0 : index
    %swap3A_49 = arith.constant 0 : index
    %swap3A_50 = vector.load %arg13[%swap3A_48, %swap3A_49] : memref<1x256xf32, #tpu.memory_space<vmem>>, vector<1x256xf32>
    tpu.vector_store %arg13[%swap3A_48, %swap3A_49], %add3A_47 {strides = array<i32>} : memref<1x256xf32, #tpu.memory_space<vmem>>, vector<1x256xf32>,
    return
  }
  func.func @transform_0(%arg0: i32) -> (i32, i32) {
    %c0_i32 = arith.constant 0 : i32
    %c0_i32_0 = arith.constant 0 : i32
    return %arg0, %c0_i32 : i32, i32
  }
  func.func @transform_1(%arg0: i32) -> (i32, i32) {
    %c0_i32 = arith.constant 0 : i32
    %c0_i32_0 = arith.constant 0 : i32
    %c0_i32_1 = arith.constant 0 : i32
    return %c0_i32, %c0_i32_0 : i32, i32
  }
  func.func @transform_2(%arg0: i32) -> (i32, i32) {
    %c0_i32 = arith.constant 0 : i32
    %c0_i32_0 = arith.constant 0 : i32
    %c0_i32_1 = arith.constant 0 : i32
    return %c0_i32, %c0_i32_0 : i32, i32
  }
  func.func @transform_3(%arg0: i32) -> (i32, i32) {
    %c0_i32 = arith.constant 0 : i32
    %c0_i32_0 = arith.constant 0 : i32
    %c0_i32_1 = arith.constant 0 : i32
    return %c0_i32, %c0_i32_0 : i32, i32
  }
  func.func @transform_4(%arg0: i32) -> (i32, i32) {
    %c0_i32 = arith.constant 0 : i32
    %c0_i32_0 = arith.constant 0 : i32
    %c0_i32_1 = arith.constant 0 : i32
    return %c0_i32, %c0_i32_0 : i32, i32
  }
  func.func @transform_5(%arg0: i32) -> (i32, i32) {
    %c0_i32 = arith.constant 0 : i32
    %c0_i32_0 = arith.constant 0 : i32
    %c0_i32_1 = arith.constant 0 : i32
    return %c0_i32, %c0_i32_0 : i32, i32
  }
  func.func @transform_6(%arg0: i32) -> (i32, i32) {
    %c0_i32 = arith.constant 0 : i32
    %c0_i32_0 = arith.constant 0 : i32
    %c0_i32_1 = arith.constant 0 : i32
    return %c0_i32, %c0_i32_0 : i32, i32
  }
  func.func @transform_7(%arg0: i32) -> (i32, i32) {
    %c0_i32 = arith.constant 0 : i32
    %c0_i32_0 = arith.constant 0 : i32
    %c0_i32_1 = arith.constant 0 : i32
    return %c0_i32, %c0_i32_0 : i32, i32
  }
  func.func @transform_8(%arg0: i32) -> (i32, i32) {
    %c0_i32 = arith.constant 0 : i32
    %c0_i32_0 = arith.constant 0 : i32
    %c0_i32_1 = arith.constant 0 : i32
    return %c0_i32, %c0_i32_0 : i32, i32
  }
  func.func @transform_9(%arg0: i32) -> (i32, i32) {
    %c0_i32 = arith.constant 0 : i32
    %c0_i32_0 = arith.constant 0 : i32
    return %arg0, %c0_i32 : i32, i32
  }
  func.func @transform_10(%arg0: i32) -> (i32, i32) {
    %c0_i32 = arith.constant 0 : i32
    %c0_i32_0 = arith.constant 0 : i32
    return %arg0, %c0_i32 : i32, i32
  }
  func.func @transform_11(%arg0: i32) -> (i32, i32) {
    %c0_i32 = arith.constant 0 : i32
    %c0_i32_0 = arith.constant 0 : i32
    return %arg0, %c0_i32 : i32, i32
  }
  func.func @transform_12(%arg0: i32) -> (i32, i32) {
    %c0_i32 = arith.constant 0 : i32
    %c0_i32_0 = arith.constant 0 : i32
    return %c0_i32, %arg0 : i32, i32
  }
}

module attributes {stable_mosaic.version = 14 : i64} {
  func.func @_attn_body(%arg0: i32, %arg1: memref<256x768xf32, #tpu.memory_space<vmem>>, %arg2: memref<256x768xf32, #tpu.memory_space<vmem>>, %arg3: memref<256x768xf32, #tpu.memory_space<vmem>>, %arg4: memref<16x768xf32, #tpu.memory_space<vmem>>, %arg5: memref<16x768xf32, #tpu.memory_space<vmem>>, %arg6: memref<1x2048xi32, #tpu.memory_space<vmem>>, %arg7: memref<1x256xi32, #tpu.memory_space<vmem>>, %arg8: memref<1x1x16xi32, #tpu.memory_space<vmem>>, %arg9: memref<768x768xf32, #tpu.memory_space<vmem>>, %arg10: memref<1x768xf32, #tpu.memory_space<vmem>>, %arg11: memref<256x768xf32, #tpu.memory_space<vmem>>, %arg12: memref<256x768xf32, #tpu.memory_space<vmem>>) attributes {dimension_semantics = [#tpu.dimension_semantics<arbitrary>], iteration_bounds = array<i64: 8>, scalar_prefetch = 0 : i64, scratch_operands = 1 : i64, tpu.core_type = #tpu.core_type<tc>, window_params = [{transform_indices = @transform_0, window_bounds = array<i64: 256, 768>}, {transform_indices = @transform_1, window_bounds = array<i64: 256, 768>}, {transform_indices = @transform_2, window_bounds = array<i64: 256, 768>}, {transform_indices = @transform_3, window_bounds = array<i64: 16, 768>}, {transform_indices = @transform_4, window_bounds = array<i64: 16, 768>}, {pipeline_mode = #tpu.pipeline_mode<synchronous>, transform_indices = @transform_5, window_bounds = array<i64: 1, 2048>}, {transform_indices = @transform_6, window_bounds = array<i64: 1, 256>}, {transform_indices = @transform_7, window_bounds = array<i64: 1, 1, 16>}, {pipeline_mode = #tpu.pipeline_mode<synchronous>, transform_indices = @transform_8, window_bounds = array<i64: 768, 768>}, {pipeline_mode = #tpu.pipeline_mode<synchronous>, transform_indices = @transform_9, window_bounds = array<i64: 1, 768>}, {transform_indices = @transform_10, window_bounds = array<i64: 256, 768>}]} {
    %get3A = arith.constant 0 : index
    %get3A_0 = arith.constant 0 : index
    %get3A_1 = arith.constant 0 : index
    %get3A_2 = vector.load %arg8[%get3A, %get3A_0, %get3A_1] : memref<1x1x16xi32, #tpu.memory_space<vmem>>, vector<1x1x16xi32>
    %get3A_3 = vector.shape_cast %get3A_2 : vector<1x1x16xi32> to vector<1x16xi32>
    %iota3A = tpu.iota {dimensions = array<i32: 0>} : vector<2048x16xi32>
    %eq3A = vector.broadcast %get3A_3 : vector<1x16xi32> to vector<2048x16xi32>
    %eq3A_4 = arith.cmpi eq, %iota3A, %eq3A : vector<2048x16xi32>
    %convert_element_type3A = arith.extui %eq3A_4 : vector<2048x16xi1> to vector<2048x16xi32>
    %convert_element_type3A_5 = arith.sitofp %convert_element_type3A : vector<2048x16xi32> to vector<2048x16xf32>
    %get3A_6 = arith.constant 0 : index
    %get3A_7 = arith.constant 0 : index
    %get3A_8 = vector.load %arg6[%get3A_6, %get3A_7] : memref<1x2048xi32, #tpu.memory_space<vmem>>, vector<1x2048xi32>
    %convert_element_type3A_9 = arith.sitofp %get3A_8 : vector<1x2048xi32> to vector<1x2048xf32>
    %dot_general3A = arith.constant dense<0.000000e+00> : vector<1x16xf32>
    %dot_general3A_10 = tpu.matmul %convert_element_type3A_9, %convert_element_type3A_5, %dot_general3A {dimension_numbers = #tpu.dot_dimension_numbers<[1], [0], [0], [1], [0, 0, 1, 1], [], []>, precision = #tpu.contract_precision<fp32>, transpose_lhs_hint = false} : vector<1x2048xf32>, vector<2048x16xf32>, vector<1x16xf32> -> vector<1x16xf32>
    %mul3A = arith.constant 256 : i32
    %mul3A_11 = arith.muli %arg0, %mul3A : i32
    %iota3A_12 = tpu.iota {dimensions = array<i32: 0>} : vector<256x1xi32>
    %add3A = vector.broadcast %mul3A_11 : i32 to vector<256x1xi32>
    %add3A_13 = arith.addi %add3A, %iota3A_12 : vector<256x1xi32>
    %convert_element_type3A_14 = arith.sitofp %add3A_13 : vector<256x1xi32> to vector<256x1xf32>
    %lt3A = vector.broadcast %convert_element_type3A_14 : vector<256x1xf32> to vector<256x16xf32>
    %lt3A_15 = vector.broadcast %dot_general3A_10 : vector<1x16xf32> to vector<256x16xf32>
    %lt3A_16 = arith.cmpf olt, %lt3A, %lt3A_15 : vector<256x16xf32>
    %jit3A = arith.constant 0.000000e+00 : f32
    %jit3A_17 = arith.constant 0xFF800000 : f32
    %broadcast_in_dim3A = vector.broadcast %jit3A : f32 to vector<256x16xf32>
    %broadcast_in_dim3A_18 = vector.broadcast %jit3A_17 : f32 to vector<256x16xf32>
    %select_n3A = arith.select %lt3A_16, %broadcast_in_dim3A, %broadcast_in_dim3A_18 : vector<256x16xi1>, vector<256x16xf32>
    %mul3A_19 = arith.constant 256 : i32
    %mul3A_20 = arith.muli %arg0, %mul3A_19 : i32
    %iota3A_21 = tpu.iota {dimensions = array<i32: 0>} : vector<256x256xi32>
    %add3A_22 = vector.broadcast %mul3A_20 : i32 to vector<256x256xi32>
    %add3A_23 = arith.addi %add3A_22, %iota3A_21 : vector<256x256xi32>
    %mul3A_24 = arith.constant 256 : i32
    %mul3A_25 = arith.muli %arg0, %mul3A_24 : i32
    %iota3A_26 = tpu.iota {dimensions = array<i32: 1>} : vector<256x256xi32>
    %add3A_27 = vector.broadcast %mul3A_25 : i32 to vector<256x256xi32>
    %add3A_28 = arith.addi %add3A_27, %iota3A_26 : vector<256x256xi32>
    %le3A = arith.cmpi sle, %add3A_28, %add3A_23 : vector<256x256xi32>
    %get3A_29 = arith.constant 0 : index
    %get3A_30 = arith.constant 0 : index
    %get3A_31 = vector.load %arg7[%get3A_29, %get3A_30] : memref<1x256xi32, #tpu.memory_space<vmem>>, vector<1x256xi32>
    %lt3A_32 = vector.broadcast %get3A_31 : vector<1x256xi32> to vector<256x256xi32>
    %lt3A_33 = arith.cmpi slt, %add3A_23, %lt3A_32 : vector<256x256xi32>
    %and3A = arith.andi %le3A, %lt3A_33 : vector<256x256xi1>
    %convert_element_type3A_34 = arith.sitofp %add3A_23 : vector<256x256xi32> to vector<256x256xf32>
    %eq3A_35 = arith.cmpi eq, %add3A_28, %add3A_23 : vector<256x256xi32>
    %sub3A = arith.constant 1.600000e+01 : f32
    %sub3A_36 = vector.broadcast %sub3A : f32 to vector<256x256xf32>
    %sub3A_37 = arith.subf %sub3A_36, %convert_element_type3A_34 : vector<256x256xf32>
    %max3A = arith.constant 1.000000e+00 : f32
    %max3A_38 = vector.broadcast %max3A : f32 to vector<256x256xf32>
    %max3A_39 = arith.maximumf %sub3A_37, %max3A_38 : vector<256x256xf32>
    %log3A = math.log %max3A_39 : vector<256x256xf32>
    %jit3A_40 = arith.constant 0.000000e+00 : f32
    %broadcast_in_dim3A_41 = vector.broadcast %jit3A_40 : f32 to vector<256x256xf32>
    %select_n3A_42 = arith.select %eq3A_35, %log3A, %broadcast_in_dim3A_41 : vector<256x256xi1>, vector<256x256xf32>
    %jit3A_43 = arith.constant 0xFF800000 : f32
    %broadcast_in_dim3A_44 = vector.broadcast %jit3A_43 : f32 to vector<256x256xf32>
    %select_n3A_45 = arith.select %and3A, %select_n3A_42, %broadcast_in_dim3A_44 : vector<256x256xi1>, vector<256x256xf32>
    %get3A_46 = arith.constant 0 : index
    %get3A_47 = arith.constant 0 : index
    %get3A_48 = vector.load %arg1[%get3A_46, %get3A_47] : memref<256x768xf32, #tpu.memory_space<vmem>>, vector<256x768xf32>
    %get3A_49 = arith.constant 0 : index
    %get3A_50 = arith.constant 0 : index
    %get3A_51 = vector.load %arg2[%get3A_49, %get3A_50] : memref<256x768xf32, #tpu.memory_space<vmem>>, vector<256x768xf32>
    %get3A_52 = arith.constant 0 : index
    %get3A_53 = arith.constant 0 : index
    %get3A_54 = vector.load %arg3[%get3A_52, %get3A_53] : memref<256x768xf32, #tpu.memory_space<vmem>>, vector<256x768xf32>
    %get3A_55 = arith.constant 0 : index
    %get3A_56 = arith.constant 0 : index
    %get3A_57 = vector.load %arg4[%get3A_55, %get3A_56] : memref<16x768xf32, #tpu.memory_space<vmem>>, vector<16x768xf32>
    %get3A_58 = arith.constant 0 : index
    %get3A_59 = arith.constant 0 : index
    %get3A_60 = vector.load %arg5[%get3A_58, %get3A_59] : memref<16x768xf32, #tpu.memory_space<vmem>>, vector<16x768xf32>
    %slice3A = vector.extract_strided_slice %get3A_48 {offsets = [0, 0], sizes = [256, 64], strides = [1, 1]} : vector<256x768xf32> to vector<256x64xf32>
    %slice3A_61 = vector.extract_strided_slice %get3A_57 {offsets = [0, 0], sizes = [16, 64], strides = [1, 1]} : vector<16x768xf32> to vector<16x64xf32>
    %dot_general3A_62 = arith.constant dense<0.000000e+00> : vector<256x16xf32>
    %dot_general3A_63 = tpu.matmul %slice3A, %slice3A_61, %dot_general3A_62 {dimension_numbers = #tpu.dot_dimension_numbers<[1], [1], [0], [0], [0, 0, 1, 0], [], []>, transpose_lhs_hint = false} : vector<256x64xf32>, vector<16x64xf32>, vector<256x16xf32> -> vector<256x16xf32>
    %mul3A_64 = arith.constant 1.250000e-01 : f32
    %mul3A_65 = vector.broadcast %mul3A_64 : f32 to vector<256x16xf32>
    %mul3A_66 = arith.mulf %dot_general3A_63, %mul3A_65 : vector<256x16xf32>
    %add3A_67 = arith.addf %mul3A_66, %select_n3A : vector<256x16xf32>
    %slice3A_68 = vector.extract_strided_slice %get3A_51 {offsets = [0, 0], sizes = [256, 64], strides = [1, 1]} : vector<256x768xf32> to vector<256x64xf32>
    %dot_general3A_69 = arith.constant dense<0.000000e+00> : vector<256x256xf32>
    %dot_general3A_70 = tpu.matmul %slice3A, %slice3A_68, %dot_general3A_69 {dimension_numbers = #tpu.dot_dimension_numbers<[1], [1], [0], [0], [0, 0, 1, 0], [], []>, transpose_lhs_hint = false} : vector<256x64xf32>, vector<256x64xf32>, vector<256x256xf32> -> vector<256x256xf32>
    %mul3A_71 = arith.constant 1.250000e-01 : f32
    %mul3A_72 = vector.broadcast %mul3A_71 : f32 to vector<256x256xf32>
    %mul3A_73 = arith.mulf %dot_general3A_70, %mul3A_72 : vector<256x256xf32>
    %add3A_74 = arith.addf %mul3A_73, %select_n3A_45 : vector<256x256xf32>
    %reduce_max3A = arith.constant dense<0xFF800000> : vector<256xf32>
    %reduce_max3A_75 = vector.multi_reduction <maximumf>, %add3A_67, %reduce_max3A [1] : vector<256x16xf32> to vector<256xf32>
    %broadcast_in_dim3A_76 = vector.shape_cast %reduce_max3A_75 : vector<256xf32> to vector<256x1xf32>
    %reduce_max3A_77 = arith.constant dense<0xFF800000> : vector<256xf32>
    %reduce_max3A_78 = vector.multi_reduction <maximumf>, %add3A_74, %reduce_max3A_77 [1] : vector<256x256xf32> to vector<256xf32>
    %broadcast_in_dim3A_79 = vector.shape_cast %reduce_max3A_78 : vector<256xf32> to vector<256x1xf32>
    %max3A_80 = arith.maximumf %broadcast_in_dim3A_76, %broadcast_in_dim3A_79 : vector<256x1xf32>
    %sub3A_81 = vector.broadcast %max3A_80 : vector<256x1xf32> to vector<256x16xf32>
    %sub3A_82 = arith.subf %add3A_67, %sub3A_81 : vector<256x16xf32>
    %exp3A = math.exp %sub3A_82 : vector<256x16xf32>
    %sub3A_83 = vector.broadcast %max3A_80 : vector<256x1xf32> to vector<256x256xf32>
    %sub3A_84 = arith.subf %add3A_74, %sub3A_83 : vector<256x256xf32>
    %exp3A_85 = math.exp %sub3A_84 : vector<256x256xf32>
    %reduce_sum3A = arith.constant dense<0.000000e+00> : vector<256xf32>
    %reduce_sum3A_86 = vector.multi_reduction <add>, %exp3A, %reduce_sum3A [1] : vector<256x16xf32> to vector<256xf32>
    %broadcast_in_dim3A_87 = vector.shape_cast %reduce_sum3A_86 : vector<256xf32> to vector<256x1xf32>
    %reduce_sum3A_88 = arith.constant dense<0.000000e+00> : vector<256xf32>
    %reduce_sum3A_89 = vector.multi_reduction <add>, %exp3A_85, %reduce_sum3A_88 [1] : vector<256x256xf32> to vector<256xf32>
    %broadcast_in_dim3A_90 = vector.shape_cast %reduce_sum3A_89 : vector<256xf32> to vector<256x1xf32>
    %add3A_91 = arith.addf %broadcast_in_dim3A_87, %broadcast_in_dim3A_90 : vector<256x1xf32>
    %slice3A_92 = vector.extract_strided_slice %get3A_60 {offsets = [0, 0], sizes = [16, 64], strides = [1, 1]} : vector<16x768xf32> to vector<16x64xf32>
    %dot_general3A_93 = arith.constant dense<0.000000e+00> : vector<256x64xf32>
    %dot_general3A_94 = tpu.matmul %exp3A, %slice3A_92, %dot_general3A_93 {dimension_numbers = #tpu.dot_dimension_numbers<[1], [0], [0], [1], [0, 0, 1, 1], [], []>, transpose_lhs_hint = false} : vector<256x16xf32>, vector<16x64xf32>, vector<256x64xf32> -> vector<256x64xf32>
    %slice3A_95 = vector.extract_strided_slice %get3A_54 {offsets = [0, 0], sizes = [256, 64], strides = [1, 1]} : vector<256x768xf32> to vector<256x64xf32>
    %dot_general3A_96 = arith.constant dense<0.000000e+00> : vector<256x64xf32>
    %dot_general3A_97 = tpu.matmul %exp3A_85, %slice3A_95, %dot_general3A_96 {dimension_numbers = #tpu.dot_dimension_numbers<[1], [0], [0], [1], [0, 0, 1, 1], [], []>, transpose_lhs_hint = false} : vector<256x256xf32>, vector<256x64xf32>, vector<256x64xf32> -> vector<256x64xf32>
    %add3A_98 = arith.addf %dot_general3A_94, %dot_general3A_97 : vector<256x64xf32>
    %div3A = vector.broadcast %add3A_91 : vector<256x1xf32> to vector<256x64xf32>
    %div3A_99 = arith.divf %add3A_98, %div3A : vector<256x64xf32>
    %swap3A = arith.constant 0 : index
    %swap3A_100 = arith.constant 0 : index
    %swap3A_101 = vector.load %arg12[%swap3A, %swap3A_100] : memref<256x768xf32, #tpu.memory_space<vmem>>, vector<256x64xf32>
    tpu.vector_store %arg12[%swap3A, %swap3A_100], %div3A_99 {strides = array<i32>} : memref<256x768xf32, #tpu.memory_space<vmem>>, vector<256x64xf32>,
    %slice3A_102 = vector.extract_strided_slice %get3A_48 {offsets = [0, 64], sizes = [256, 64], strides = [1, 1]} : vector<256x768xf32> to vector<256x64xf32>
    %slice3A_103 = vector.extract_strided_slice %get3A_57 {offsets = [0, 64], sizes = [16, 64], strides = [1, 1]} : vector<16x768xf32> to vector<16x64xf32>
    %dot_general3A_104 = arith.constant dense<0.000000e+00> : vector<256x16xf32>
    %dot_general3A_105 = tpu.matmul %slice3A_102, %slice3A_103, %dot_general3A_104 {dimension_numbers = #tpu.dot_dimension_numbers<[1], [1], [0], [0], [0, 0, 1, 0], [], []>, transpose_lhs_hint = false} : vector<256x64xf32>, vector<16x64xf32>, vector<256x16xf32> -> vector<256x16xf32>
    %mul3A_106 = arith.constant 1.250000e-01 : f32
    %mul3A_107 = vector.broadcast %mul3A_106 : f32 to vector<256x16xf32>
    %mul3A_108 = arith.mulf %dot_general3A_105, %mul3A_107 : vector<256x16xf32>
    %add3A_109 = arith.addf %mul3A_108, %select_n3A : vector<256x16xf32>
    %slice3A_110 = vector.extract_strided_slice %get3A_51 {offsets = [0, 64], sizes = [256, 64], strides = [1, 1]} : vector<256x768xf32> to vector<256x64xf32>
    %dot_general3A_111 = arith.constant dense<0.000000e+00> : vector<256x256xf32>
    %dot_general3A_112 = tpu.matmul %slice3A_102, %slice3A_110, %dot_general3A_111 {dimension_numbers = #tpu.dot_dimension_numbers<[1], [1], [0], [0], [0, 0, 1, 0], [], []>, transpose_lhs_hint = false} : vector<256x64xf32>, vector<256x64xf32>, vector<256x256xf32> -> vector<256x256xf32>
    %mul3A_113 = arith.constant 1.250000e-01 : f32
    %mul3A_114 = vector.broadcast %mul3A_113 : f32 to vector<256x256xf32>
    %mul3A_115 = arith.mulf %dot_general3A_112, %mul3A_114 : vector<256x256xf32>
    %add3A_116 = arith.addf %mul3A_115, %select_n3A_45 : vector<256x256xf32>
    %reduce_max3A_117 = arith.constant dense<0xFF800000> : vector<256xf32>
    %reduce_max3A_118 = vector.multi_reduction <maximumf>, %add3A_109, %reduce_max3A_117 [1] : vector<256x16xf32> to vector<256xf32>
    %broadcast_in_dim3A_119 = vector.shape_cast %reduce_max3A_118 : vector<256xf32> to vector<256x1xf32>
    %reduce_max3A_120 = arith.constant dense<0xFF800000> : vector<256xf32>
    %reduce_max3A_121 = vector.multi_reduction <maximumf>, %add3A_116, %reduce_max3A_120 [1] : vector<256x256xf32> to vector<256xf32>
    %broadcast_in_dim3A_122 = vector.shape_cast %reduce_max3A_121 : vector<256xf32> to vector<256x1xf32>
    %max3A_123 = arith.maximumf %broadcast_in_dim3A_119, %broadcast_in_dim3A_122 : vector<256x1xf32>
    %sub3A_124 = vector.broadcast %max3A_123 : vector<256x1xf32> to vector<256x16xf32>
    %sub3A_125 = arith.subf %add3A_109, %sub3A_124 : vector<256x16xf32>
    %exp3A_126 = math.exp %sub3A_125 : vector<256x16xf32>
    %sub3A_127 = vector.broadcast %max3A_123 : vector<256x1xf32> to vector<256x256xf32>
    %sub3A_128 = arith.subf %add3A_116, %sub3A_127 : vector<256x256xf32>
    %exp3A_129 = math.exp %sub3A_128 : vector<256x256xf32>
    %reduce_sum3A_130 = arith.constant dense<0.000000e+00> : vector<256xf32>
    %reduce_sum3A_131 = vector.multi_reduction <add>, %exp3A_126, %reduce_sum3A_130 [1] : vector<256x16xf32> to vector<256xf32>
    %broadcast_in_dim3A_132 = vector.shape_cast %reduce_sum3A_131 : vector<256xf32> to vector<256x1xf32>
    %reduce_sum3A_133 = arith.constant dense<0.000000e+00> : vector<256xf32>
    %reduce_sum3A_134 = vector.multi_reduction <add>, %exp3A_129, %reduce_sum3A_133 [1] : vector<256x256xf32> to vector<256xf32>
    %broadcast_in_dim3A_135 = vector.shape_cast %reduce_sum3A_134 : vector<256xf32> to vector<256x1xf32>
    %add3A_136 = arith.addf %broadcast_in_dim3A_132, %broadcast_in_dim3A_135 : vector<256x1xf32>
    %slice3A_137 = vector.extract_strided_slice %get3A_60 {offsets = [0, 64], sizes = [16, 64], strides = [1, 1]} : vector<16x768xf32> to vector<16x64xf32>
    %dot_general3A_138 = arith.constant dense<0.000000e+00> : vector<256x64xf32>
    %dot_general3A_139 = tpu.matmul %exp3A_126, %slice3A_137, %dot_general3A_138 {dimension_numbers = #tpu.dot_dimension_numbers<[1], [0], [0], [1], [0, 0, 1, 1], [], []>, transpose_lhs_hint = false} : vector<256x16xf32>, vector<16x64xf32>, vector<256x64xf32> -> vector<256x64xf32>
    %slice3A_140 = vector.extract_strided_slice %get3A_54 {offsets = [0, 64], sizes = [256, 64], strides = [1, 1]} : vector<256x768xf32> to vector<256x64xf32>
    %dot_general3A_141 = arith.constant dense<0.000000e+00> : vector<256x64xf32>
    %dot_general3A_142 = tpu.matmul %exp3A_129, %slice3A_140, %dot_general3A_141 {dimension_numbers = #tpu.dot_dimension_numbers<[1], [0], [0], [1], [0, 0, 1, 1], [], []>, transpose_lhs_hint = false} : vector<256x256xf32>, vector<256x64xf32>, vector<256x64xf32> -> vector<256x64xf32>
    %add3A_143 = arith.addf %dot_general3A_139, %dot_general3A_142 : vector<256x64xf32>
    %div3A_144 = vector.broadcast %add3A_136 : vector<256x1xf32> to vector<256x64xf32>
    %div3A_145 = arith.divf %add3A_143, %div3A_144 : vector<256x64xf32>
    %swap3A_146 = arith.constant 0 : index
    %swap3A_147 = arith.constant 64 : index
    %swap3A_148 = vector.load %arg12[%swap3A_146, %swap3A_147] : memref<256x768xf32, #tpu.memory_space<vmem>>, vector<256x64xf32>
    tpu.vector_store %arg12[%swap3A_146, %swap3A_147], %div3A_145 {strides = array<i32>} : memref<256x768xf32, #tpu.memory_space<vmem>>, vector<256x64xf32>,
    %slice3A_149 = vector.extract_strided_slice %get3A_48 {offsets = [0, 128], sizes = [256, 64], strides = [1, 1]} : vector<256x768xf32> to vector<256x64xf32>
    %slice3A_150 = vector.extract_strided_slice %get3A_57 {offsets = [0, 128], sizes = [16, 64], strides = [1, 1]} : vector<16x768xf32> to vector<16x64xf32>
    %dot_general3A_151 = arith.constant dense<0.000000e+00> : vector<256x16xf32>
    %dot_general3A_152 = tpu.matmul %slice3A_149, %slice3A_150, %dot_general3A_151 {dimension_numbers = #tpu.dot_dimension_numbers<[1], [1], [0], [0], [0, 0, 1, 0], [], []>, transpose_lhs_hint = false} : vector<256x64xf32>, vector<16x64xf32>, vector<256x16xf32> -> vector<256x16xf32>
    %mul3A_153 = arith.constant 1.250000e-01 : f32
    %mul3A_154 = vector.broadcast %mul3A_153 : f32 to vector<256x16xf32>
    %mul3A_155 = arith.mulf %dot_general3A_152, %mul3A_154 : vector<256x16xf32>
    %add3A_156 = arith.addf %mul3A_155, %select_n3A : vector<256x16xf32>
    %slice3A_157 = vector.extract_strided_slice %get3A_51 {offsets = [0, 128], sizes = [256, 64], strides = [1, 1]} : vector<256x768xf32> to vector<256x64xf32>
    %dot_general3A_158 = arith.constant dense<0.000000e+00> : vector<256x256xf32>
    %dot_general3A_159 = tpu.matmul %slice3A_149, %slice3A_157, %dot_general3A_158 {dimension_numbers = #tpu.dot_dimension_numbers<[1], [1], [0], [0], [0, 0, 1, 0], [], []>, transpose_lhs_hint = false} : vector<256x64xf32>, vector<256x64xf32>, vector<256x256xf32> -> vector<256x256xf32>
    %mul3A_160 = arith.constant 1.250000e-01 : f32
    %mul3A_161 = vector.broadcast %mul3A_160 : f32 to vector<256x256xf32>
    %mul3A_162 = arith.mulf %dot_general3A_159, %mul3A_161 : vector<256x256xf32>
    %add3A_163 = arith.addf %mul3A_162, %select_n3A_45 : vector<256x256xf32>
    %reduce_max3A_164 = arith.constant dense<0xFF800000> : vector<256xf32>
    %reduce_max3A_165 = vector.multi_reduction <maximumf>, %add3A_156, %reduce_max3A_164 [1] : vector<256x16xf32> to vector<256xf32>
    %broadcast_in_dim3A_166 = vector.shape_cast %reduce_max3A_165 : vector<256xf32> to vector<256x1xf32>
    %reduce_max3A_167 = arith.constant dense<0xFF800000> : vector<256xf32>
    %reduce_max3A_168 = vector.multi_reduction <maximumf>, %add3A_163, %reduce_max3A_167 [1] : vector<256x256xf32> to vector<256xf32>
    %broadcast_in_dim3A_169 = vector.shape_cast %reduce_max3A_168 : vector<256xf32> to vector<256x1xf32>
    %max3A_170 = arith.maximumf %broadcast_in_dim3A_166, %broadcast_in_dim3A_169 : vector<256x1xf32>
    %sub3A_171 = vector.broadcast %max3A_170 : vector<256x1xf32> to vector<256x16xf32>
    %sub3A_172 = arith.subf %add3A_156, %sub3A_171 : vector<256x16xf32>
    %exp3A_173 = math.exp %sub3A_172 : vector<256x16xf32>
    %sub3A_174 = vector.broadcast %max3A_170 : vector<256x1xf32> to vector<256x256xf32>
    %sub3A_175 = arith.subf %add3A_163, %sub3A_174 : vector<256x256xf32>
    %exp3A_176 = math.exp %sub3A_175 : vector<256x256xf32>
    %reduce_sum3A_177 = arith.constant dense<0.000000e+00> : vector<256xf32>
    %reduce_sum3A_178 = vector.multi_reduction <add>, %exp3A_173, %reduce_sum3A_177 [1] : vector<256x16xf32> to vector<256xf32>
    %broadcast_in_dim3A_179 = vector.shape_cast %reduce_sum3A_178 : vector<256xf32> to vector<256x1xf32>
    %reduce_sum3A_180 = arith.constant dense<0.000000e+00> : vector<256xf32>
    %reduce_sum3A_181 = vector.multi_reduction <add>, %exp3A_176, %reduce_sum3A_180 [1] : vector<256x256xf32> to vector<256xf32>
    %broadcast_in_dim3A_182 = vector.shape_cast %reduce_sum3A_181 : vector<256xf32> to vector<256x1xf32>
    %add3A_183 = arith.addf %broadcast_in_dim3A_179, %broadcast_in_dim3A_182 : vector<256x1xf32>
    %slice3A_184 = vector.extract_strided_slice %get3A_60 {offsets = [0, 128], sizes = [16, 64], strides = [1, 1]} : vector<16x768xf32> to vector<16x64xf32>
    %dot_general3A_185 = arith.constant dense<0.000000e+00> : vector<256x64xf32>
    %dot_general3A_186 = tpu.matmul %exp3A_173, %slice3A_184, %dot_general3A_185 {dimension_numbers = #tpu.dot_dimension_numbers<[1], [0], [0], [1], [0, 0, 1, 1], [], []>, transpose_lhs_hint = false} : vector<256x16xf32>, vector<16x64xf32>, vector<256x64xf32> -> vector<256x64xf32>
    %slice3A_187 = vector.extract_strided_slice %get3A_54 {offsets = [0, 128], sizes = [256, 64], strides = [1, 1]} : vector<256x768xf32> to vector<256x64xf32>
    %dot_general3A_188 = arith.constant dense<0.000000e+00> : vector<256x64xf32>
    %dot_general3A_189 = tpu.matmul %exp3A_176, %slice3A_187, %dot_general3A_188 {dimension_numbers = #tpu.dot_dimension_numbers<[1], [0], [0], [1], [0, 0, 1, 1], [], []>, transpose_lhs_hint = false} : vector<256x256xf32>, vector<256x64xf32>, vector<256x64xf32> -> vector<256x64xf32>
    %add3A_190 = arith.addf %dot_general3A_186, %dot_general3A_189 : vector<256x64xf32>
    %div3A_191 = vector.broadcast %add3A_183 : vector<256x1xf32> to vector<256x64xf32>
    %div3A_192 = arith.divf %add3A_190, %div3A_191 : vector<256x64xf32>
    %swap3A_193 = arith.constant 0 : index
    %swap3A_194 = arith.constant 128 : index
    %swap3A_195 = vector.load %arg12[%swap3A_193, %swap3A_194] : memref<256x768xf32, #tpu.memory_space<vmem>>, vector<256x64xf32>
    tpu.vector_store %arg12[%swap3A_193, %swap3A_194], %div3A_192 {strides = array<i32>} : memref<256x768xf32, #tpu.memory_space<vmem>>, vector<256x64xf32>,
    %slice3A_196 = vector.extract_strided_slice %get3A_48 {offsets = [0, 192], sizes = [256, 64], strides = [1, 1]} : vector<256x768xf32> to vector<256x64xf32>
    %slice3A_197 = vector.extract_strided_slice %get3A_57 {offsets = [0, 192], sizes = [16, 64], strides = [1, 1]} : vector<16x768xf32> to vector<16x64xf32>
    %dot_general3A_198 = arith.constant dense<0.000000e+00> : vector<256x16xf32>
    %dot_general3A_199 = tpu.matmul %slice3A_196, %slice3A_197, %dot_general3A_198 {dimension_numbers = #tpu.dot_dimension_numbers<[1], [1], [0], [0], [0, 0, 1, 0], [], []>, transpose_lhs_hint = false} : vector<256x64xf32>, vector<16x64xf32>, vector<256x16xf32> -> vector<256x16xf32>
    %mul3A_200 = arith.constant 1.250000e-01 : f32
    %mul3A_201 = vector.broadcast %mul3A_200 : f32 to vector<256x16xf32>
    %mul3A_202 = arith.mulf %dot_general3A_199, %mul3A_201 : vector<256x16xf32>
    %add3A_203 = arith.addf %mul3A_202, %select_n3A : vector<256x16xf32>
    %slice3A_204 = vector.extract_strided_slice %get3A_51 {offsets = [0, 192], sizes = [256, 64], strides = [1, 1]} : vector<256x768xf32> to vector<256x64xf32>
    %dot_general3A_205 = arith.constant dense<0.000000e+00> : vector<256x256xf32>
    %dot_general3A_206 = tpu.matmul %slice3A_196, %slice3A_204, %dot_general3A_205 {dimension_numbers = #tpu.dot_dimension_numbers<[1], [1], [0], [0], [0, 0, 1, 0], [], []>, transpose_lhs_hint = false} : vector<256x64xf32>, vector<256x64xf32>, vector<256x256xf32> -> vector<256x256xf32>
    %mul3A_207 = arith.constant 1.250000e-01 : f32
    %mul3A_208 = vector.broadcast %mul3A_207 : f32 to vector<256x256xf32>
    %mul3A_209 = arith.mulf %dot_general3A_206, %mul3A_208 : vector<256x256xf32>
    %add3A_210 = arith.addf %mul3A_209, %select_n3A_45 : vector<256x256xf32>
    %reduce_max3A_211 = arith.constant dense<0xFF800000> : vector<256xf32>
    %reduce_max3A_212 = vector.multi_reduction <maximumf>, %add3A_203, %reduce_max3A_211 [1] : vector<256x16xf32> to vector<256xf32>
    %broadcast_in_dim3A_213 = vector.shape_cast %reduce_max3A_212 : vector<256xf32> to vector<256x1xf32>
    %reduce_max3A_214 = arith.constant dense<0xFF800000> : vector<256xf32>
    %reduce_max3A_215 = vector.multi_reduction <maximumf>, %add3A_210, %reduce_max3A_214 [1] : vector<256x256xf32> to vector<256xf32>
    %broadcast_in_dim3A_216 = vector.shape_cast %reduce_max3A_215 : vector<256xf32> to vector<256x1xf32>
    %max3A_217 = arith.maximumf %broadcast_in_dim3A_213, %broadcast_in_dim3A_216 : vector<256x1xf32>
    %sub3A_218 = vector.broadcast %max3A_217 : vector<256x1xf32> to vector<256x16xf32>
    %sub3A_219 = arith.subf %add3A_203, %sub3A_218 : vector<256x16xf32>
    %exp3A_220 = math.exp %sub3A_219 : vector<256x16xf32>
    %sub3A_221 = vector.broadcast %max3A_217 : vector<256x1xf32> to vector<256x256xf32>
    %sub3A_222 = arith.subf %add3A_210, %sub3A_221 : vector<256x256xf32>
    %exp3A_223 = math.exp %sub3A_222 : vector<256x256xf32>
    %reduce_sum3A_224 = arith.constant dense<0.000000e+00> : vector<256xf32>
    %reduce_sum3A_225 = vector.multi_reduction <add>, %exp3A_220, %reduce_sum3A_224 [1] : vector<256x16xf32> to vector<256xf32>
    %broadcast_in_dim3A_226 = vector.shape_cast %reduce_sum3A_225 : vector<256xf32> to vector<256x1xf32>
    %reduce_sum3A_227 = arith.constant dense<0.000000e+00> : vector<256xf32>
    %reduce_sum3A_228 = vector.multi_reduction <add>, %exp3A_223, %reduce_sum3A_227 [1] : vector<256x256xf32> to vector<256xf32>
    %broadcast_in_dim3A_229 = vector.shape_cast %reduce_sum3A_228 : vector<256xf32> to vector<256x1xf32>
    %add3A_230 = arith.addf %broadcast_in_dim3A_226, %broadcast_in_dim3A_229 : vector<256x1xf32>
    %slice3A_231 = vector.extract_strided_slice %get3A_60 {offsets = [0, 192], sizes = [16, 64], strides = [1, 1]} : vector<16x768xf32> to vector<16x64xf32>
    %dot_general3A_232 = arith.constant dense<0.000000e+00> : vector<256x64xf32>
    %dot_general3A_233 = tpu.matmul %exp3A_220, %slice3A_231, %dot_general3A_232 {dimension_numbers = #tpu.dot_dimension_numbers<[1], [0], [0], [1], [0, 0, 1, 1], [], []>, transpose_lhs_hint = false} : vector<256x16xf32>, vector<16x64xf32>, vector<256x64xf32> -> vector<256x64xf32>
    %slice3A_234 = vector.extract_strided_slice %get3A_54 {offsets = [0, 192], sizes = [256, 64], strides = [1, 1]} : vector<256x768xf32> to vector<256x64xf32>
    %dot_general3A_235 = arith.constant dense<0.000000e+00> : vector<256x64xf32>
    %dot_general3A_236 = tpu.matmul %exp3A_223, %slice3A_234, %dot_general3A_235 {dimension_numbers = #tpu.dot_dimension_numbers<[1], [0], [0], [1], [0, 0, 1, 1], [], []>, transpose_lhs_hint = false} : vector<256x256xf32>, vector<256x64xf32>, vector<256x64xf32> -> vector<256x64xf32>
    %add3A_237 = arith.addf %dot_general3A_233, %dot_general3A_236 : vector<256x64xf32>
    %div3A_238 = vector.broadcast %add3A_230 : vector<256x1xf32> to vector<256x64xf32>
    %div3A_239 = arith.divf %add3A_237, %div3A_238 : vector<256x64xf32>
    %swap3A_240 = arith.constant 0 : index
    %swap3A_241 = arith.constant 192 : index
    %swap3A_242 = vector.load %arg12[%swap3A_240, %swap3A_241] : memref<256x768xf32, #tpu.memory_space<vmem>>, vector<256x64xf32>
    tpu.vector_store %arg12[%swap3A_240, %swap3A_241], %div3A_239 {strides = array<i32>} : memref<256x768xf32, #tpu.memory_space<vmem>>, vector<256x64xf32>,
    %slice3A_243 = vector.extract_strided_slice %get3A_48 {offsets = [0, 256], sizes = [256, 64], strides = [1, 1]} : vector<256x768xf32> to vector<256x64xf32>
    %slice3A_244 = vector.extract_strided_slice %get3A_57 {offsets = [0, 256], sizes = [16, 64], strides = [1, 1]} : vector<16x768xf32> to vector<16x64xf32>
    %dot_general3A_245 = arith.constant dense<0.000000e+00> : vector<256x16xf32>
    %dot_general3A_246 = tpu.matmul %slice3A_243, %slice3A_244, %dot_general3A_245 {dimension_numbers = #tpu.dot_dimension_numbers<[1], [1], [0], [0], [0, 0, 1, 0], [], []>, transpose_lhs_hint = false} : vector<256x64xf32>, vector<16x64xf32>, vector<256x16xf32> -> vector<256x16xf32>
    %mul3A_247 = arith.constant 1.250000e-01 : f32
    %mul3A_248 = vector.broadcast %mul3A_247 : f32 to vector<256x16xf32>
    %mul3A_249 = arith.mulf %dot_general3A_246, %mul3A_248 : vector<256x16xf32>
    %add3A_250 = arith.addf %mul3A_249, %select_n3A : vector<256x16xf32>
    %slice3A_251 = vector.extract_strided_slice %get3A_51 {offsets = [0, 256], sizes = [256, 64], strides = [1, 1]} : vector<256x768xf32> to vector<256x64xf32>
    %dot_general3A_252 = arith.constant dense<0.000000e+00> : vector<256x256xf32>
    %dot_general3A_253 = tpu.matmul %slice3A_243, %slice3A_251, %dot_general3A_252 {dimension_numbers = #tpu.dot_dimension_numbers<[1], [1], [0], [0], [0, 0, 1, 0], [], []>, transpose_lhs_hint = false} : vector<256x64xf32>, vector<256x64xf32>, vector<256x256xf32> -> vector<256x256xf32>
    %mul3A_254 = arith.constant 1.250000e-01 : f32
    %mul3A_255 = vector.broadcast %mul3A_254 : f32 to vector<256x256xf32>
    %mul3A_256 = arith.mulf %dot_general3A_253, %mul3A_255 : vector<256x256xf32>
    %add3A_257 = arith.addf %mul3A_256, %select_n3A_45 : vector<256x256xf32>
    %reduce_max3A_258 = arith.constant dense<0xFF800000> : vector<256xf32>
    %reduce_max3A_259 = vector.multi_reduction <maximumf>, %add3A_250, %reduce_max3A_258 [1] : vector<256x16xf32> to vector<256xf32>
    %broadcast_in_dim3A_260 = vector.shape_cast %reduce_max3A_259 : vector<256xf32> to vector<256x1xf32>
    %reduce_max3A_261 = arith.constant dense<0xFF800000> : vector<256xf32>
    %reduce_max3A_262 = vector.multi_reduction <maximumf>, %add3A_257, %reduce_max3A_261 [1] : vector<256x256xf32> to vector<256xf32>
    %broadcast_in_dim3A_263 = vector.shape_cast %reduce_max3A_262 : vector<256xf32> to vector<256x1xf32>
    %max3A_264 = arith.maximumf %broadcast_in_dim3A_260, %broadcast_in_dim3A_263 : vector<256x1xf32>
    %sub3A_265 = vector.broadcast %max3A_264 : vector<256x1xf32> to vector<256x16xf32>
    %sub3A_266 = arith.subf %add3A_250, %sub3A_265 : vector<256x16xf32>
    %exp3A_267 = math.exp %sub3A_266 : vector<256x16xf32>
    %sub3A_268 = vector.broadcast %max3A_264 : vector<256x1xf32> to vector<256x256xf32>
    %sub3A_269 = arith.subf %add3A_257, %sub3A_268 : vector<256x256xf32>
    %exp3A_270 = math.exp %sub3A_269 : vector<256x256xf32>
    %reduce_sum3A_271 = arith.constant dense<0.000000e+00> : vector<256xf32>
    %reduce_sum3A_272 = vector.multi_reduction <add>, %exp3A_267, %reduce_sum3A_271 [1] : vector<256x16xf32> to vector<256xf32>
    %broadcast_in_dim3A_273 = vector.shape_cast %reduce_sum3A_272 : vector<256xf32> to vector<256x1xf32>
    %reduce_sum3A_274 = arith.constant dense<0.000000e+00> : vector<256xf32>
    %reduce_sum3A_275 = vector.multi_reduction <add>, %exp3A_270, %reduce_sum3A_274 [1] : vector<256x256xf32> to vector<256xf32>
    %broadcast_in_dim3A_276 = vector.shape_cast %reduce_sum3A_275 : vector<256xf32> to vector<256x1xf32>
    %add3A_277 = arith.addf %broadcast_in_dim3A_273, %broadcast_in_dim3A_276 : vector<256x1xf32>
    %slice3A_278 = vector.extract_strided_slice %get3A_60 {offsets = [0, 256], sizes = [16, 64], strides = [1, 1]} : vector<16x768xf32> to vector<16x64xf32>
    %dot_general3A_279 = arith.constant dense<0.000000e+00> : vector<256x64xf32>
    %dot_general3A_280 = tpu.matmul %exp3A_267, %slice3A_278, %dot_general3A_279 {dimension_numbers = #tpu.dot_dimension_numbers<[1], [0], [0], [1], [0, 0, 1, 1], [], []>, transpose_lhs_hint = false} : vector<256x16xf32>, vector<16x64xf32>, vector<256x64xf32> -> vector<256x64xf32>
    %slice3A_281 = vector.extract_strided_slice %get3A_54 {offsets = [0, 256], sizes = [256, 64], strides = [1, 1]} : vector<256x768xf32> to vector<256x64xf32>
    %dot_general3A_282 = arith.constant dense<0.000000e+00> : vector<256x64xf32>
    %dot_general3A_283 = tpu.matmul %exp3A_270, %slice3A_281, %dot_general3A_282 {dimension_numbers = #tpu.dot_dimension_numbers<[1], [0], [0], [1], [0, 0, 1, 1], [], []>, transpose_lhs_hint = false} : vector<256x256xf32>, vector<256x64xf32>, vector<256x64xf32> -> vector<256x64xf32>
    %add3A_284 = arith.addf %dot_general3A_280, %dot_general3A_283 : vector<256x64xf32>
    %div3A_285 = vector.broadcast %add3A_277 : vector<256x1xf32> to vector<256x64xf32>
    %div3A_286 = arith.divf %add3A_284, %div3A_285 : vector<256x64xf32>
    %swap3A_287 = arith.constant 0 : index
    %swap3A_288 = arith.constant 256 : index
    %swap3A_289 = vector.load %arg12[%swap3A_287, %swap3A_288] : memref<256x768xf32, #tpu.memory_space<vmem>>, vector<256x64xf32>
    tpu.vector_store %arg12[%swap3A_287, %swap3A_288], %div3A_286 {strides = array<i32>} : memref<256x768xf32, #tpu.memory_space<vmem>>, vector<256x64xf32>,
    %slice3A_290 = vector.extract_strided_slice %get3A_48 {offsets = [0, 320], sizes = [256, 64], strides = [1, 1]} : vector<256x768xf32> to vector<256x64xf32>
    %slice3A_291 = vector.extract_strided_slice %get3A_57 {offsets = [0, 320], sizes = [16, 64], strides = [1, 1]} : vector<16x768xf32> to vector<16x64xf32>
    %dot_general3A_292 = arith.constant dense<0.000000e+00> : vector<256x16xf32>
    %dot_general3A_293 = tpu.matmul %slice3A_290, %slice3A_291, %dot_general3A_292 {dimension_numbers = #tpu.dot_dimension_numbers<[1], [1], [0], [0], [0, 0, 1, 0], [], []>, transpose_lhs_hint = false} : vector<256x64xf32>, vector<16x64xf32>, vector<256x16xf32> -> vector<256x16xf32>
    %mul3A_294 = arith.constant 1.250000e-01 : f32
    %mul3A_295 = vector.broadcast %mul3A_294 : f32 to vector<256x16xf32>
    %mul3A_296 = arith.mulf %dot_general3A_293, %mul3A_295 : vector<256x16xf32>
    %add3A_297 = arith.addf %mul3A_296, %select_n3A : vector<256x16xf32>
    %slice3A_298 = vector.extract_strided_slice %get3A_51 {offsets = [0, 320], sizes = [256, 64], strides = [1, 1]} : vector<256x768xf32> to vector<256x64xf32>
    %dot_general3A_299 = arith.constant dense<0.000000e+00> : vector<256x256xf32>
    %dot_general3A_300 = tpu.matmul %slice3A_290, %slice3A_298, %dot_general3A_299 {dimension_numbers = #tpu.dot_dimension_numbers<[1], [1], [0], [0], [0, 0, 1, 0], [], []>, transpose_lhs_hint = false} : vector<256x64xf32>, vector<256x64xf32>, vector<256x256xf32> -> vector<256x256xf32>
    %mul3A_301 = arith.constant 1.250000e-01 : f32
    %mul3A_302 = vector.broadcast %mul3A_301 : f32 to vector<256x256xf32>
    %mul3A_303 = arith.mulf %dot_general3A_300, %mul3A_302 : vector<256x256xf32>
    %add3A_304 = arith.addf %mul3A_303, %select_n3A_45 : vector<256x256xf32>
    %reduce_max3A_305 = arith.constant dense<0xFF800000> : vector<256xf32>
    %reduce_max3A_306 = vector.multi_reduction <maximumf>, %add3A_297, %reduce_max3A_305 [1] : vector<256x16xf32> to vector<256xf32>
    %broadcast_in_dim3A_307 = vector.shape_cast %reduce_max3A_306 : vector<256xf32> to vector<256x1xf32>
    %reduce_max3A_308 = arith.constant dense<0xFF800000> : vector<256xf32>
    %reduce_max3A_309 = vector.multi_reduction <maximumf>, %add3A_304, %reduce_max3A_308 [1] : vector<256x256xf32> to vector<256xf32>
    %broadcast_in_dim3A_310 = vector.shape_cast %reduce_max3A_309 : vector<256xf32> to vector<256x1xf32>
    %max3A_311 = arith.maximumf %broadcast_in_dim3A_307, %broadcast_in_dim3A_310 : vector<256x1xf32>
    %sub3A_312 = vector.broadcast %max3A_311 : vector<256x1xf32> to vector<256x16xf32>
    %sub3A_313 = arith.subf %add3A_297, %sub3A_312 : vector<256x16xf32>
    %exp3A_314 = math.exp %sub3A_313 : vector<256x16xf32>
    %sub3A_315 = vector.broadcast %max3A_311 : vector<256x1xf32> to vector<256x256xf32>
    %sub3A_316 = arith.subf %add3A_304, %sub3A_315 : vector<256x256xf32>
    %exp3A_317 = math.exp %sub3A_316 : vector<256x256xf32>
    %reduce_sum3A_318 = arith.constant dense<0.000000e+00> : vector<256xf32>
    %reduce_sum3A_319 = vector.multi_reduction <add>, %exp3A_314, %reduce_sum3A_318 [1] : vector<256x16xf32> to vector<256xf32>
    %broadcast_in_dim3A_320 = vector.shape_cast %reduce_sum3A_319 : vector<256xf32> to vector<256x1xf32>
    %reduce_sum3A_321 = arith.constant dense<0.000000e+00> : vector<256xf32>
    %reduce_sum3A_322 = vector.multi_reduction <add>, %exp3A_317, %reduce_sum3A_321 [1] : vector<256x256xf32> to vector<256xf32>
    %broadcast_in_dim3A_323 = vector.shape_cast %reduce_sum3A_322 : vector<256xf32> to vector<256x1xf32>
    %add3A_324 = arith.addf %broadcast_in_dim3A_320, %broadcast_in_dim3A_323 : vector<256x1xf32>
    %slice3A_325 = vector.extract_strided_slice %get3A_60 {offsets = [0, 320], sizes = [16, 64], strides = [1, 1]} : vector<16x768xf32> to vector<16x64xf32>
    %dot_general3A_326 = arith.constant dense<0.000000e+00> : vector<256x64xf32>
    %dot_general3A_327 = tpu.matmul %exp3A_314, %slice3A_325, %dot_general3A_326 {dimension_numbers = #tpu.dot_dimension_numbers<[1], [0], [0], [1], [0, 0, 1, 1], [], []>, transpose_lhs_hint = false} : vector<256x16xf32>, vector<16x64xf32>, vector<256x64xf32> -> vector<256x64xf32>
    %slice3A_328 = vector.extract_strided_slice %get3A_54 {offsets = [0, 320], sizes = [256, 64], strides = [1, 1]} : vector<256x768xf32> to vector<256x64xf32>
    %dot_general3A_329 = arith.constant dense<0.000000e+00> : vector<256x64xf32>
    %dot_general3A_330 = tpu.matmul %exp3A_317, %slice3A_328, %dot_general3A_329 {dimension_numbers = #tpu.dot_dimension_numbers<[1], [0], [0], [1], [0, 0, 1, 1], [], []>, transpose_lhs_hint = false} : vector<256x256xf32>, vector<256x64xf32>, vector<256x64xf32> -> vector<256x64xf32>
    %add3A_331 = arith.addf %dot_general3A_327, %dot_general3A_330 : vector<256x64xf32>
    %div3A_332 = vector.broadcast %add3A_324 : vector<256x1xf32> to vector<256x64xf32>
    %div3A_333 = arith.divf %add3A_331, %div3A_332 : vector<256x64xf32>
    %swap3A_334 = arith.constant 0 : index
    %swap3A_335 = arith.constant 320 : index
    %swap3A_336 = vector.load %arg12[%swap3A_334, %swap3A_335] : memref<256x768xf32, #tpu.memory_space<vmem>>, vector<256x64xf32>
    tpu.vector_store %arg12[%swap3A_334, %swap3A_335], %div3A_333 {strides = array<i32>} : memref<256x768xf32, #tpu.memory_space<vmem>>, vector<256x64xf32>,
    %slice3A_337 = vector.extract_strided_slice %get3A_48 {offsets = [0, 384], sizes = [256, 64], strides = [1, 1]} : vector<256x768xf32> to vector<256x64xf32>
    %slice3A_338 = vector.extract_strided_slice %get3A_57 {offsets = [0, 384], sizes = [16, 64], strides = [1, 1]} : vector<16x768xf32> to vector<16x64xf32>
    %dot_general3A_339 = arith.constant dense<0.000000e+00> : vector<256x16xf32>
    %dot_general3A_340 = tpu.matmul %slice3A_337, %slice3A_338, %dot_general3A_339 {dimension_numbers = #tpu.dot_dimension_numbers<[1], [1], [0], [0], [0, 0, 1, 0], [], []>, transpose_lhs_hint = false} : vector<256x64xf32>, vector<16x64xf32>, vector<256x16xf32> -> vector<256x16xf32>
    %mul3A_341 = arith.constant 1.250000e-01 : f32
    %mul3A_342 = vector.broadcast %mul3A_341 : f32 to vector<256x16xf32>
    %mul3A_343 = arith.mulf %dot_general3A_340, %mul3A_342 : vector<256x16xf32>
    %add3A_344 = arith.addf %mul3A_343, %select_n3A : vector<256x16xf32>
    %slice3A_345 = vector.extract_strided_slice %get3A_51 {offsets = [0, 384], sizes = [256, 64], strides = [1, 1]} : vector<256x768xf32> to vector<256x64xf32>
    %dot_general3A_346 = arith.constant dense<0.000000e+00> : vector<256x256xf32>
    %dot_general3A_347 = tpu.matmul %slice3A_337, %slice3A_345, %dot_general3A_346 {dimension_numbers = #tpu.dot_dimension_numbers<[1], [1], [0], [0], [0, 0, 1, 0], [], []>, transpose_lhs_hint = false} : vector<256x64xf32>, vector<256x64xf32>, vector<256x256xf32> -> vector<256x256xf32>
    %mul3A_348 = arith.constant 1.250000e-01 : f32
    %mul3A_349 = vector.broadcast %mul3A_348 : f32 to vector<256x256xf32>
    %mul3A_350 = arith.mulf %dot_general3A_347, %mul3A_349 : vector<256x256xf32>
    %add3A_351 = arith.addf %mul3A_350, %select_n3A_45 : vector<256x256xf32>
    %reduce_max3A_352 = arith.constant dense<0xFF800000> : vector<256xf32>
    %reduce_max3A_353 = vector.multi_reduction <maximumf>, %add3A_344, %reduce_max3A_352 [1] : vector<256x16xf32> to vector<256xf32>
    %broadcast_in_dim3A_354 = vector.shape_cast %reduce_max3A_353 : vector<256xf32> to vector<256x1xf32>
    %reduce_max3A_355 = arith.constant dense<0xFF800000> : vector<256xf32>
    %reduce_max3A_356 = vector.multi_reduction <maximumf>, %add3A_351, %reduce_max3A_355 [1] : vector<256x256xf32> to vector<256xf32>
    %broadcast_in_dim3A_357 = vector.shape_cast %reduce_max3A_356 : vector<256xf32> to vector<256x1xf32>
    %max3A_358 = arith.maximumf %broadcast_in_dim3A_354, %broadcast_in_dim3A_357 : vector<256x1xf32>
    %sub3A_359 = vector.broadcast %max3A_358 : vector<256x1xf32> to vector<256x16xf32>
    %sub3A_360 = arith.subf %add3A_344, %sub3A_359 : vector<256x16xf32>
    %exp3A_361 = math.exp %sub3A_360 : vector<256x16xf32>
    %sub3A_362 = vector.broadcast %max3A_358 : vector<256x1xf32> to vector<256x256xf32>
    %sub3A_363 = arith.subf %add3A_351, %sub3A_362 : vector<256x256xf32>
    %exp3A_364 = math.exp %sub3A_363 : vector<256x256xf32>
    %reduce_sum3A_365 = arith.constant dense<0.000000e+00> : vector<256xf32>
    %reduce_sum3A_366 = vector.multi_reduction <add>, %exp3A_361, %reduce_sum3A_365 [1] : vector<256x16xf32> to vector<256xf32>
    %broadcast_in_dim3A_367 = vector.shape_cast %reduce_sum3A_366 : vector<256xf32> to vector<256x1xf32>
    %reduce_sum3A_368 = arith.constant dense<0.000000e+00> : vector<256xf32>
    %reduce_sum3A_369 = vector.multi_reduction <add>, %exp3A_364, %reduce_sum3A_368 [1] : vector<256x256xf32> to vector<256xf32>
    %broadcast_in_dim3A_370 = vector.shape_cast %reduce_sum3A_369 : vector<256xf32> to vector<256x1xf32>
    %add3A_371 = arith.addf %broadcast_in_dim3A_367, %broadcast_in_dim3A_370 : vector<256x1xf32>
    %slice3A_372 = vector.extract_strided_slice %get3A_60 {offsets = [0, 384], sizes = [16, 64], strides = [1, 1]} : vector<16x768xf32> to vector<16x64xf32>
    %dot_general3A_373 = arith.constant dense<0.000000e+00> : vector<256x64xf32>
    %dot_general3A_374 = tpu.matmul %exp3A_361, %slice3A_372, %dot_general3A_373 {dimension_numbers = #tpu.dot_dimension_numbers<[1], [0], [0], [1], [0, 0, 1, 1], [], []>, transpose_lhs_hint = false} : vector<256x16xf32>, vector<16x64xf32>, vector<256x64xf32> -> vector<256x64xf32>
    %slice3A_375 = vector.extract_strided_slice %get3A_54 {offsets = [0, 384], sizes = [256, 64], strides = [1, 1]} : vector<256x768xf32> to vector<256x64xf32>
    %dot_general3A_376 = arith.constant dense<0.000000e+00> : vector<256x64xf32>
    %dot_general3A_377 = tpu.matmul %exp3A_364, %slice3A_375, %dot_general3A_376 {dimension_numbers = #tpu.dot_dimension_numbers<[1], [0], [0], [1], [0, 0, 1, 1], [], []>, transpose_lhs_hint = false} : vector<256x256xf32>, vector<256x64xf32>, vector<256x64xf32> -> vector<256x64xf32>
    %add3A_378 = arith.addf %dot_general3A_374, %dot_general3A_377 : vector<256x64xf32>
    %div3A_379 = vector.broadcast %add3A_371 : vector<256x1xf32> to vector<256x64xf32>
    %div3A_380 = arith.divf %add3A_378, %div3A_379 : vector<256x64xf32>
    %swap3A_381 = arith.constant 0 : index
    %swap3A_382 = arith.constant 384 : index
    %swap3A_383 = vector.load %arg12[%swap3A_381, %swap3A_382] : memref<256x768xf32, #tpu.memory_space<vmem>>, vector<256x64xf32>
    tpu.vector_store %arg12[%swap3A_381, %swap3A_382], %div3A_380 {strides = array<i32>} : memref<256x768xf32, #tpu.memory_space<vmem>>, vector<256x64xf32>,
    %slice3A_384 = vector.extract_strided_slice %get3A_48 {offsets = [0, 448], sizes = [256, 64], strides = [1, 1]} : vector<256x768xf32> to vector<256x64xf32>
    %slice3A_385 = vector.extract_strided_slice %get3A_57 {offsets = [0, 448], sizes = [16, 64], strides = [1, 1]} : vector<16x768xf32> to vector<16x64xf32>
    %dot_general3A_386 = arith.constant dense<0.000000e+00> : vector<256x16xf32>
    %dot_general3A_387 = tpu.matmul %slice3A_384, %slice3A_385, %dot_general3A_386 {dimension_numbers = #tpu.dot_dimension_numbers<[1], [1], [0], [0], [0, 0, 1, 0], [], []>, transpose_lhs_hint = false} : vector<256x64xf32>, vector<16x64xf32>, vector<256x16xf32> -> vector<256x16xf32>
    %mul3A_388 = arith.constant 1.250000e-01 : f32
    %mul3A_389 = vector.broadcast %mul3A_388 : f32 to vector<256x16xf32>
    %mul3A_390 = arith.mulf %dot_general3A_387, %mul3A_389 : vector<256x16xf32>
    %add3A_391 = arith.addf %mul3A_390, %select_n3A : vector<256x16xf32>
    %slice3A_392 = vector.extract_strided_slice %get3A_51 {offsets = [0, 448], sizes = [256, 64], strides = [1, 1]} : vector<256x768xf32> to vector<256x64xf32>
    %dot_general3A_393 = arith.constant dense<0.000000e+00> : vector<256x256xf32>
    %dot_general3A_394 = tpu.matmul %slice3A_384, %slice3A_392, %dot_general3A_393 {dimension_numbers = #tpu.dot_dimension_numbers<[1], [1], [0], [0], [0, 0, 1, 0], [], []>, transpose_lhs_hint = false} : vector<256x64xf32>, vector<256x64xf32>, vector<256x256xf32> -> vector<256x256xf32>
    %mul3A_395 = arith.constant 1.250000e-01 : f32
    %mul3A_396 = vector.broadcast %mul3A_395 : f32 to vector<256x256xf32>
    %mul3A_397 = arith.mulf %dot_general3A_394, %mul3A_396 : vector<256x256xf32>
    %add3A_398 = arith.addf %mul3A_397, %select_n3A_45 : vector<256x256xf32>
    %reduce_max3A_399 = arith.constant dense<0xFF800000> : vector<256xf32>
    %reduce_max3A_400 = vector.multi_reduction <maximumf>, %add3A_391, %reduce_max3A_399 [1] : vector<256x16xf32> to vector<256xf32>
    %broadcast_in_dim3A_401 = vector.shape_cast %reduce_max3A_400 : vector<256xf32> to vector<256x1xf32>
    %reduce_max3A_402 = arith.constant dense<0xFF800000> : vector<256xf32>
    %reduce_max3A_403 = vector.multi_reduction <maximumf>, %add3A_398, %reduce_max3A_402 [1] : vector<256x256xf32> to vector<256xf32>
    %broadcast_in_dim3A_404 = vector.shape_cast %reduce_max3A_403 : vector<256xf32> to vector<256x1xf32>
    %max3A_405 = arith.maximumf %broadcast_in_dim3A_401, %broadcast_in_dim3A_404 : vector<256x1xf32>
    %sub3A_406 = vector.broadcast %max3A_405 : vector<256x1xf32> to vector<256x16xf32>
    %sub3A_407 = arith.subf %add3A_391, %sub3A_406 : vector<256x16xf32>
    %exp3A_408 = math.exp %sub3A_407 : vector<256x16xf32>
    %sub3A_409 = vector.broadcast %max3A_405 : vector<256x1xf32> to vector<256x256xf32>
    %sub3A_410 = arith.subf %add3A_398, %sub3A_409 : vector<256x256xf32>
    %exp3A_411 = math.exp %sub3A_410 : vector<256x256xf32>
    %reduce_sum3A_412 = arith.constant dense<0.000000e+00> : vector<256xf32>
    %reduce_sum3A_413 = vector.multi_reduction <add>, %exp3A_408, %reduce_sum3A_412 [1] : vector<256x16xf32> to vector<256xf32>
    %broadcast_in_dim3A_414 = vector.shape_cast %reduce_sum3A_413 : vector<256xf32> to vector<256x1xf32>
    %reduce_sum3A_415 = arith.constant dense<0.000000e+00> : vector<256xf32>
    %reduce_sum3A_416 = vector.multi_reduction <add>, %exp3A_411, %reduce_sum3A_415 [1] : vector<256x256xf32> to vector<256xf32>
    %broadcast_in_dim3A_417 = vector.shape_cast %reduce_sum3A_416 : vector<256xf32> to vector<256x1xf32>
    %add3A_418 = arith.addf %broadcast_in_dim3A_414, %broadcast_in_dim3A_417 : vector<256x1xf32>
    %slice3A_419 = vector.extract_strided_slice %get3A_60 {offsets = [0, 448], sizes = [16, 64], strides = [1, 1]} : vector<16x768xf32> to vector<16x64xf32>
    %dot_general3A_420 = arith.constant dense<0.000000e+00> : vector<256x64xf32>
    %dot_general3A_421 = tpu.matmul %exp3A_408, %slice3A_419, %dot_general3A_420 {dimension_numbers = #tpu.dot_dimension_numbers<[1], [0], [0], [1], [0, 0, 1, 1], [], []>, transpose_lhs_hint = false} : vector<256x16xf32>, vector<16x64xf32>, vector<256x64xf32> -> vector<256x64xf32>
    %slice3A_422 = vector.extract_strided_slice %get3A_54 {offsets = [0, 448], sizes = [256, 64], strides = [1, 1]} : vector<256x768xf32> to vector<256x64xf32>
    %dot_general3A_423 = arith.constant dense<0.000000e+00> : vector<256x64xf32>
    %dot_general3A_424 = tpu.matmul %exp3A_411, %slice3A_422, %dot_general3A_423 {dimension_numbers = #tpu.dot_dimension_numbers<[1], [0], [0], [1], [0, 0, 1, 1], [], []>, transpose_lhs_hint = false} : vector<256x256xf32>, vector<256x64xf32>, vector<256x64xf32> -> vector<256x64xf32>
    %add3A_425 = arith.addf %dot_general3A_421, %dot_general3A_424 : vector<256x64xf32>
    %div3A_426 = vector.broadcast %add3A_418 : vector<256x1xf32> to vector<256x64xf32>
    %div3A_427 = arith.divf %add3A_425, %div3A_426 : vector<256x64xf32>
    %swap3A_428 = arith.constant 0 : index
    %swap3A_429 = arith.constant 448 : index
    %swap3A_430 = vector.load %arg12[%swap3A_428, %swap3A_429] : memref<256x768xf32, #tpu.memory_space<vmem>>, vector<256x64xf32>
    tpu.vector_store %arg12[%swap3A_428, %swap3A_429], %div3A_427 {strides = array<i32>} : memref<256x768xf32, #tpu.memory_space<vmem>>, vector<256x64xf32>,
    %slice3A_431 = vector.extract_strided_slice %get3A_48 {offsets = [0, 512], sizes = [256, 64], strides = [1, 1]} : vector<256x768xf32> to vector<256x64xf32>
    %slice3A_432 = vector.extract_strided_slice %get3A_57 {offsets = [0, 512], sizes = [16, 64], strides = [1, 1]} : vector<16x768xf32> to vector<16x64xf32>
    %dot_general3A_433 = arith.constant dense<0.000000e+00> : vector<256x16xf32>
    %dot_general3A_434 = tpu.matmul %slice3A_431, %slice3A_432, %dot_general3A_433 {dimension_numbers = #tpu.dot_dimension_numbers<[1], [1], [0], [0], [0, 0, 1, 0], [], []>, transpose_lhs_hint = false} : vector<256x64xf32>, vector<16x64xf32>, vector<256x16xf32> -> vector<256x16xf32>
    %mul3A_435 = arith.constant 1.250000e-01 : f32
    %mul3A_436 = vector.broadcast %mul3A_435 : f32 to vector<256x16xf32>
    %mul3A_437 = arith.mulf %dot_general3A_434, %mul3A_436 : vector<256x16xf32>
    %add3A_438 = arith.addf %mul3A_437, %select_n3A : vector<256x16xf32>
    %slice3A_439 = vector.extract_strided_slice %get3A_51 {offsets = [0, 512], sizes = [256, 64], strides = [1, 1]} : vector<256x768xf32> to vector<256x64xf32>
    %dot_general3A_440 = arith.constant dense<0.000000e+00> : vector<256x256xf32>
    %dot_general3A_441 = tpu.matmul %slice3A_431, %slice3A_439, %dot_general3A_440 {dimension_numbers = #tpu.dot_dimension_numbers<[1], [1], [0], [0], [0, 0, 1, 0], [], []>, transpose_lhs_hint = false} : vector<256x64xf32>, vector<256x64xf32>, vector<256x256xf32> -> vector<256x256xf32>
    %mul3A_442 = arith.constant 1.250000e-01 : f32
    %mul3A_443 = vector.broadcast %mul3A_442 : f32 to vector<256x256xf32>
    %mul3A_444 = arith.mulf %dot_general3A_441, %mul3A_443 : vector<256x256xf32>
    %add3A_445 = arith.addf %mul3A_444, %select_n3A_45 : vector<256x256xf32>
    %reduce_max3A_446 = arith.constant dense<0xFF800000> : vector<256xf32>
    %reduce_max3A_447 = vector.multi_reduction <maximumf>, %add3A_438, %reduce_max3A_446 [1] : vector<256x16xf32> to vector<256xf32>
    %broadcast_in_dim3A_448 = vector.shape_cast %reduce_max3A_447 : vector<256xf32> to vector<256x1xf32>
    %reduce_max3A_449 = arith.constant dense<0xFF800000> : vector<256xf32>
    %reduce_max3A_450 = vector.multi_reduction <maximumf>, %add3A_445, %reduce_max3A_449 [1] : vector<256x256xf32> to vector<256xf32>
    %broadcast_in_dim3A_451 = vector.shape_cast %reduce_max3A_450 : vector<256xf32> to vector<256x1xf32>
    %max3A_452 = arith.maximumf %broadcast_in_dim3A_448, %broadcast_in_dim3A_451 : vector<256x1xf32>
    %sub3A_453 = vector.broadcast %max3A_452 : vector<256x1xf32> to vector<256x16xf32>
    %sub3A_454 = arith.subf %add3A_438, %sub3A_453 : vector<256x16xf32>
    %exp3A_455 = math.exp %sub3A_454 : vector<256x16xf32>
    %sub3A_456 = vector.broadcast %max3A_452 : vector<256x1xf32> to vector<256x256xf32>
    %sub3A_457 = arith.subf %add3A_445, %sub3A_456 : vector<256x256xf32>
    %exp3A_458 = math.exp %sub3A_457 : vector<256x256xf32>
    %reduce_sum3A_459 = arith.constant dense<0.000000e+00> : vector<256xf32>
    %reduce_sum3A_460 = vector.multi_reduction <add>, %exp3A_455, %reduce_sum3A_459 [1] : vector<256x16xf32> to vector<256xf32>
    %broadcast_in_dim3A_461 = vector.shape_cast %reduce_sum3A_460 : vector<256xf32> to vector<256x1xf32>
    %reduce_sum3A_462 = arith.constant dense<0.000000e+00> : vector<256xf32>
    %reduce_sum3A_463 = vector.multi_reduction <add>, %exp3A_458, %reduce_sum3A_462 [1] : vector<256x256xf32> to vector<256xf32>
    %broadcast_in_dim3A_464 = vector.shape_cast %reduce_sum3A_463 : vector<256xf32> to vector<256x1xf32>
    %add3A_465 = arith.addf %broadcast_in_dim3A_461, %broadcast_in_dim3A_464 : vector<256x1xf32>
    %slice3A_466 = vector.extract_strided_slice %get3A_60 {offsets = [0, 512], sizes = [16, 64], strides = [1, 1]} : vector<16x768xf32> to vector<16x64xf32>
    %dot_general3A_467 = arith.constant dense<0.000000e+00> : vector<256x64xf32>
    %dot_general3A_468 = tpu.matmul %exp3A_455, %slice3A_466, %dot_general3A_467 {dimension_numbers = #tpu.dot_dimension_numbers<[1], [0], [0], [1], [0, 0, 1, 1], [], []>, transpose_lhs_hint = false} : vector<256x16xf32>, vector<16x64xf32>, vector<256x64xf32> -> vector<256x64xf32>
    %slice3A_469 = vector.extract_strided_slice %get3A_54 {offsets = [0, 512], sizes = [256, 64], strides = [1, 1]} : vector<256x768xf32> to vector<256x64xf32>
    %dot_general3A_470 = arith.constant dense<0.000000e+00> : vector<256x64xf32>
    %dot_general3A_471 = tpu.matmul %exp3A_458, %slice3A_469, %dot_general3A_470 {dimension_numbers = #tpu.dot_dimension_numbers<[1], [0], [0], [1], [0, 0, 1, 1], [], []>, transpose_lhs_hint = false} : vector<256x256xf32>, vector<256x64xf32>, vector<256x64xf32> -> vector<256x64xf32>
    %add3A_472 = arith.addf %dot_general3A_468, %dot_general3A_471 : vector<256x64xf32>
    %div3A_473 = vector.broadcast %add3A_465 : vector<256x1xf32> to vector<256x64xf32>
    %div3A_474 = arith.divf %add3A_472, %div3A_473 : vector<256x64xf32>
    %swap3A_475 = arith.constant 0 : index
    %swap3A_476 = arith.constant 512 : index
    %swap3A_477 = vector.load %arg12[%swap3A_475, %swap3A_476] : memref<256x768xf32, #tpu.memory_space<vmem>>, vector<256x64xf32>
    tpu.vector_store %arg12[%swap3A_475, %swap3A_476], %div3A_474 {strides = array<i32>} : memref<256x768xf32, #tpu.memory_space<vmem>>, vector<256x64xf32>,
    %slice3A_478 = vector.extract_strided_slice %get3A_48 {offsets = [0, 576], sizes = [256, 64], strides = [1, 1]} : vector<256x768xf32> to vector<256x64xf32>
    %slice3A_479 = vector.extract_strided_slice %get3A_57 {offsets = [0, 576], sizes = [16, 64], strides = [1, 1]} : vector<16x768xf32> to vector<16x64xf32>
    %dot_general3A_480 = arith.constant dense<0.000000e+00> : vector<256x16xf32>
    %dot_general3A_481 = tpu.matmul %slice3A_478, %slice3A_479, %dot_general3A_480 {dimension_numbers = #tpu.dot_dimension_numbers<[1], [1], [0], [0], [0, 0, 1, 0], [], []>, transpose_lhs_hint = false} : vector<256x64xf32>, vector<16x64xf32>, vector<256x16xf32> -> vector<256x16xf32>
    %mul3A_482 = arith.constant 1.250000e-01 : f32
    %mul3A_483 = vector.broadcast %mul3A_482 : f32 to vector<256x16xf32>
    %mul3A_484 = arith.mulf %dot_general3A_481, %mul3A_483 : vector<256x16xf32>
    %add3A_485 = arith.addf %mul3A_484, %select_n3A : vector<256x16xf32>
    %slice3A_486 = vector.extract_strided_slice %get3A_51 {offsets = [0, 576], sizes = [256, 64], strides = [1, 1]} : vector<256x768xf32> to vector<256x64xf32>
    %dot_general3A_487 = arith.constant dense<0.000000e+00> : vector<256x256xf32>
    %dot_general3A_488 = tpu.matmul %slice3A_478, %slice3A_486, %dot_general3A_487 {dimension_numbers = #tpu.dot_dimension_numbers<[1], [1], [0], [0], [0, 0, 1, 0], [], []>, transpose_lhs_hint = false} : vector<256x64xf32>, vector<256x64xf32>, vector<256x256xf32> -> vector<256x256xf32>
    %mul3A_489 = arith.constant 1.250000e-01 : f32
    %mul3A_490 = vector.broadcast %mul3A_489 : f32 to vector<256x256xf32>
    %mul3A_491 = arith.mulf %dot_general3A_488, %mul3A_490 : vector<256x256xf32>
    %add3A_492 = arith.addf %mul3A_491, %select_n3A_45 : vector<256x256xf32>
    %reduce_max3A_493 = arith.constant dense<0xFF800000> : vector<256xf32>
    %reduce_max3A_494 = vector.multi_reduction <maximumf>, %add3A_485, %reduce_max3A_493 [1] : vector<256x16xf32> to vector<256xf32>
    %broadcast_in_dim3A_495 = vector.shape_cast %reduce_max3A_494 : vector<256xf32> to vector<256x1xf32>
    %reduce_max3A_496 = arith.constant dense<0xFF800000> : vector<256xf32>
    %reduce_max3A_497 = vector.multi_reduction <maximumf>, %add3A_492, %reduce_max3A_496 [1] : vector<256x256xf32> to vector<256xf32>
    %broadcast_in_dim3A_498 = vector.shape_cast %reduce_max3A_497 : vector<256xf32> to vector<256x1xf32>
    %max3A_499 = arith.maximumf %broadcast_in_dim3A_495, %broadcast_in_dim3A_498 : vector<256x1xf32>
    %sub3A_500 = vector.broadcast %max3A_499 : vector<256x1xf32> to vector<256x16xf32>
    %sub3A_501 = arith.subf %add3A_485, %sub3A_500 : vector<256x16xf32>
    %exp3A_502 = math.exp %sub3A_501 : vector<256x16xf32>
    %sub3A_503 = vector.broadcast %max3A_499 : vector<256x1xf32> to vector<256x256xf32>
    %sub3A_504 = arith.subf %add3A_492, %sub3A_503 : vector<256x256xf32>
    %exp3A_505 = math.exp %sub3A_504 : vector<256x256xf32>
    %reduce_sum3A_506 = arith.constant dense<0.000000e+00> : vector<256xf32>
    %reduce_sum3A_507 = vector.multi_reduction <add>, %exp3A_502, %reduce_sum3A_506 [1] : vector<256x16xf32> to vector<256xf32>
    %broadcast_in_dim3A_508 = vector.shape_cast %reduce_sum3A_507 : vector<256xf32> to vector<256x1xf32>
    %reduce_sum3A_509 = arith.constant dense<0.000000e+00> : vector<256xf32>
    %reduce_sum3A_510 = vector.multi_reduction <add>, %exp3A_505, %reduce_sum3A_509 [1] : vector<256x256xf32> to vector<256xf32>
    %broadcast_in_dim3A_511 = vector.shape_cast %reduce_sum3A_510 : vector<256xf32> to vector<256x1xf32>
    %add3A_512 = arith.addf %broadcast_in_dim3A_508, %broadcast_in_dim3A_511 : vector<256x1xf32>
    %slice3A_513 = vector.extract_strided_slice %get3A_60 {offsets = [0, 576], sizes = [16, 64], strides = [1, 1]} : vector<16x768xf32> to vector<16x64xf32>
    %dot_general3A_514 = arith.constant dense<0.000000e+00> : vector<256x64xf32>
    %dot_general3A_515 = tpu.matmul %exp3A_502, %slice3A_513, %dot_general3A_514 {dimension_numbers = #tpu.dot_dimension_numbers<[1], [0], [0], [1], [0, 0, 1, 1], [], []>, transpose_lhs_hint = false} : vector<256x16xf32>, vector<16x64xf32>, vector<256x64xf32> -> vector<256x64xf32>
    %slice3A_516 = vector.extract_strided_slice %get3A_54 {offsets = [0, 576], sizes = [256, 64], strides = [1, 1]} : vector<256x768xf32> to vector<256x64xf32>
    %dot_general3A_517 = arith.constant dense<0.000000e+00> : vector<256x64xf32>
    %dot_general3A_518 = tpu.matmul %exp3A_505, %slice3A_516, %dot_general3A_517 {dimension_numbers = #tpu.dot_dimension_numbers<[1], [0], [0], [1], [0, 0, 1, 1], [], []>, transpose_lhs_hint = false} : vector<256x256xf32>, vector<256x64xf32>, vector<256x64xf32> -> vector<256x64xf32>
    %add3A_519 = arith.addf %dot_general3A_515, %dot_general3A_518 : vector<256x64xf32>
    %div3A_520 = vector.broadcast %add3A_512 : vector<256x1xf32> to vector<256x64xf32>
    %div3A_521 = arith.divf %add3A_519, %div3A_520 : vector<256x64xf32>
    %swap3A_522 = arith.constant 0 : index
    %swap3A_523 = arith.constant 576 : index
    %swap3A_524 = vector.load %arg12[%swap3A_522, %swap3A_523] : memref<256x768xf32, #tpu.memory_space<vmem>>, vector<256x64xf32>
    tpu.vector_store %arg12[%swap3A_522, %swap3A_523], %div3A_521 {strides = array<i32>} : memref<256x768xf32, #tpu.memory_space<vmem>>, vector<256x64xf32>,
    %slice3A_525 = vector.extract_strided_slice %get3A_48 {offsets = [0, 640], sizes = [256, 64], strides = [1, 1]} : vector<256x768xf32> to vector<256x64xf32>
    %slice3A_526 = vector.extract_strided_slice %get3A_57 {offsets = [0, 640], sizes = [16, 64], strides = [1, 1]} : vector<16x768xf32> to vector<16x64xf32>
    %dot_general3A_527 = arith.constant dense<0.000000e+00> : vector<256x16xf32>
    %dot_general3A_528 = tpu.matmul %slice3A_525, %slice3A_526, %dot_general3A_527 {dimension_numbers = #tpu.dot_dimension_numbers<[1], [1], [0], [0], [0, 0, 1, 0], [], []>, transpose_lhs_hint = false} : vector<256x64xf32>, vector<16x64xf32>, vector<256x16xf32> -> vector<256x16xf32>
    %mul3A_529 = arith.constant 1.250000e-01 : f32
    %mul3A_530 = vector.broadcast %mul3A_529 : f32 to vector<256x16xf32>
    %mul3A_531 = arith.mulf %dot_general3A_528, %mul3A_530 : vector<256x16xf32>
    %add3A_532 = arith.addf %mul3A_531, %select_n3A : vector<256x16xf32>
    %slice3A_533 = vector.extract_strided_slice %get3A_51 {offsets = [0, 640], sizes = [256, 64], strides = [1, 1]} : vector<256x768xf32> to vector<256x64xf32>
    %dot_general3A_534 = arith.constant dense<0.000000e+00> : vector<256x256xf32>
    %dot_general3A_535 = tpu.matmul %slice3A_525, %slice3A_533, %dot_general3A_534 {dimension_numbers = #tpu.dot_dimension_numbers<[1], [1], [0], [0], [0, 0, 1, 0], [], []>, transpose_lhs_hint = false} : vector<256x64xf32>, vector<256x64xf32>, vector<256x256xf32> -> vector<256x256xf32>
    %mul3A_536 = arith.constant 1.250000e-01 : f32
    %mul3A_537 = vector.broadcast %mul3A_536 : f32 to vector<256x256xf32>
    %mul3A_538 = arith.mulf %dot_general3A_535, %mul3A_537 : vector<256x256xf32>
    %add3A_539 = arith.addf %mul3A_538, %select_n3A_45 : vector<256x256xf32>
    %reduce_max3A_540 = arith.constant dense<0xFF800000> : vector<256xf32>
    %reduce_max3A_541 = vector.multi_reduction <maximumf>, %add3A_532, %reduce_max3A_540 [1] : vector<256x16xf32> to vector<256xf32>
    %broadcast_in_dim3A_542 = vector.shape_cast %reduce_max3A_541 : vector<256xf32> to vector<256x1xf32>
    %reduce_max3A_543 = arith.constant dense<0xFF800000> : vector<256xf32>
    %reduce_max3A_544 = vector.multi_reduction <maximumf>, %add3A_539, %reduce_max3A_543 [1] : vector<256x256xf32> to vector<256xf32>
    %broadcast_in_dim3A_545 = vector.shape_cast %reduce_max3A_544 : vector<256xf32> to vector<256x1xf32>
    %max3A_546 = arith.maximumf %broadcast_in_dim3A_542, %broadcast_in_dim3A_545 : vector<256x1xf32>
    %sub3A_547 = vector.broadcast %max3A_546 : vector<256x1xf32> to vector<256x16xf32>
    %sub3A_548 = arith.subf %add3A_532, %sub3A_547 : vector<256x16xf32>
    %exp3A_549 = math.exp %sub3A_548 : vector<256x16xf32>
    %sub3A_550 = vector.broadcast %max3A_546 : vector<256x1xf32> to vector<256x256xf32>
    %sub3A_551 = arith.subf %add3A_539, %sub3A_550 : vector<256x256xf32>
    %exp3A_552 = math.exp %sub3A_551 : vector<256x256xf32>
    %reduce_sum3A_553 = arith.constant dense<0.000000e+00> : vector<256xf32>
    %reduce_sum3A_554 = vector.multi_reduction <add>, %exp3A_549, %reduce_sum3A_553 [1] : vector<256x16xf32> to vector<256xf32>
    %broadcast_in_dim3A_555 = vector.shape_cast %reduce_sum3A_554 : vector<256xf32> to vector<256x1xf32>
    %reduce_sum3A_556 = arith.constant dense<0.000000e+00> : vector<256xf32>
    %reduce_sum3A_557 = vector.multi_reduction <add>, %exp3A_552, %reduce_sum3A_556 [1] : vector<256x256xf32> to vector<256xf32>
    %broadcast_in_dim3A_558 = vector.shape_cast %reduce_sum3A_557 : vector<256xf32> to vector<256x1xf32>
    %add3A_559 = arith.addf %broadcast_in_dim3A_555, %broadcast_in_dim3A_558 : vector<256x1xf32>
    %slice3A_560 = vector.extract_strided_slice %get3A_60 {offsets = [0, 640], sizes = [16, 64], strides = [1, 1]} : vector<16x768xf32> to vector<16x64xf32>
    %dot_general3A_561 = arith.constant dense<0.000000e+00> : vector<256x64xf32>
    %dot_general3A_562 = tpu.matmul %exp3A_549, %slice3A_560, %dot_general3A_561 {dimension_numbers = #tpu.dot_dimension_numbers<[1], [0], [0], [1], [0, 0, 1, 1], [], []>, transpose_lhs_hint = false} : vector<256x16xf32>, vector<16x64xf32>, vector<256x64xf32> -> vector<256x64xf32>
    %slice3A_563 = vector.extract_strided_slice %get3A_54 {offsets = [0, 640], sizes = [256, 64], strides = [1, 1]} : vector<256x768xf32> to vector<256x64xf32>
    %dot_general3A_564 = arith.constant dense<0.000000e+00> : vector<256x64xf32>
    %dot_general3A_565 = tpu.matmul %exp3A_552, %slice3A_563, %dot_general3A_564 {dimension_numbers = #tpu.dot_dimension_numbers<[1], [0], [0], [1], [0, 0, 1, 1], [], []>, transpose_lhs_hint = false} : vector<256x256xf32>, vector<256x64xf32>, vector<256x64xf32> -> vector<256x64xf32>
    %add3A_566 = arith.addf %dot_general3A_562, %dot_general3A_565 : vector<256x64xf32>
    %div3A_567 = vector.broadcast %add3A_559 : vector<256x1xf32> to vector<256x64xf32>
    %div3A_568 = arith.divf %add3A_566, %div3A_567 : vector<256x64xf32>
    %swap3A_569 = arith.constant 0 : index
    %swap3A_570 = arith.constant 640 : index
    %swap3A_571 = vector.load %arg12[%swap3A_569, %swap3A_570] : memref<256x768xf32, #tpu.memory_space<vmem>>, vector<256x64xf32>
    tpu.vector_store %arg12[%swap3A_569, %swap3A_570], %div3A_568 {strides = array<i32>} : memref<256x768xf32, #tpu.memory_space<vmem>>, vector<256x64xf32>,
    %slice3A_572 = vector.extract_strided_slice %get3A_48 {offsets = [0, 704], sizes = [256, 64], strides = [1, 1]} : vector<256x768xf32> to vector<256x64xf32>
    %slice3A_573 = vector.extract_strided_slice %get3A_57 {offsets = [0, 704], sizes = [16, 64], strides = [1, 1]} : vector<16x768xf32> to vector<16x64xf32>
    %dot_general3A_574 = arith.constant dense<0.000000e+00> : vector<256x16xf32>
    %dot_general3A_575 = tpu.matmul %slice3A_572, %slice3A_573, %dot_general3A_574 {dimension_numbers = #tpu.dot_dimension_numbers<[1], [1], [0], [0], [0, 0, 1, 0], [], []>, transpose_lhs_hint = false} : vector<256x64xf32>, vector<16x64xf32>, vector<256x16xf32> -> vector<256x16xf32>
    %mul3A_576 = arith.constant 1.250000e-01 : f32
    %mul3A_577 = vector.broadcast %mul3A_576 : f32 to vector<256x16xf32>
    %mul3A_578 = arith.mulf %dot_general3A_575, %mul3A_577 : vector<256x16xf32>
    %add3A_579 = arith.addf %mul3A_578, %select_n3A : vector<256x16xf32>
    %slice3A_580 = vector.extract_strided_slice %get3A_51 {offsets = [0, 704], sizes = [256, 64], strides = [1, 1]} : vector<256x768xf32> to vector<256x64xf32>
    %dot_general3A_581 = arith.constant dense<0.000000e+00> : vector<256x256xf32>
    %dot_general3A_582 = tpu.matmul %slice3A_572, %slice3A_580, %dot_general3A_581 {dimension_numbers = #tpu.dot_dimension_numbers<[1], [1], [0], [0], [0, 0, 1, 0], [], []>, transpose_lhs_hint = false} : vector<256x64xf32>, vector<256x64xf32>, vector<256x256xf32> -> vector<256x256xf32>
    %mul3A_583 = arith.constant 1.250000e-01 : f32
    %mul3A_584 = vector.broadcast %mul3A_583 : f32 to vector<256x256xf32>
    %mul3A_585 = arith.mulf %dot_general3A_582, %mul3A_584 : vector<256x256xf32>
    %add3A_586 = arith.addf %mul3A_585, %select_n3A_45 : vector<256x256xf32>
    %reduce_max3A_587 = arith.constant dense<0xFF800000> : vector<256xf32>
    %reduce_max3A_588 = vector.multi_reduction <maximumf>, %add3A_579, %reduce_max3A_587 [1] : vector<256x16xf32> to vector<256xf32>
    %broadcast_in_dim3A_589 = vector.shape_cast %reduce_max3A_588 : vector<256xf32> to vector<256x1xf32>
    %reduce_max3A_590 = arith.constant dense<0xFF800000> : vector<256xf32>
    %reduce_max3A_591 = vector.multi_reduction <maximumf>, %add3A_586, %reduce_max3A_590 [1] : vector<256x256xf32> to vector<256xf32>
    %broadcast_in_dim3A_592 = vector.shape_cast %reduce_max3A_591 : vector<256xf32> to vector<256x1xf32>
    %max3A_593 = arith.maximumf %broadcast_in_dim3A_589, %broadcast_in_dim3A_592 : vector<256x1xf32>
    %sub3A_594 = vector.broadcast %max3A_593 : vector<256x1xf32> to vector<256x16xf32>
    %sub3A_595 = arith.subf %add3A_579, %sub3A_594 : vector<256x16xf32>
    %exp3A_596 = math.exp %sub3A_595 : vector<256x16xf32>
    %sub3A_597 = vector.broadcast %max3A_593 : vector<256x1xf32> to vector<256x256xf32>
    %sub3A_598 = arith.subf %add3A_586, %sub3A_597 : vector<256x256xf32>
    %exp3A_599 = math.exp %sub3A_598 : vector<256x256xf32>
    %reduce_sum3A_600 = arith.constant dense<0.000000e+00> : vector<256xf32>
    %reduce_sum3A_601 = vector.multi_reduction <add>, %exp3A_596, %reduce_sum3A_600 [1] : vector<256x16xf32> to vector<256xf32>
    %broadcast_in_dim3A_602 = vector.shape_cast %reduce_sum3A_601 : vector<256xf32> to vector<256x1xf32>
    %reduce_sum3A_603 = arith.constant dense<0.000000e+00> : vector<256xf32>
    %reduce_sum3A_604 = vector.multi_reduction <add>, %exp3A_599, %reduce_sum3A_603 [1] : vector<256x256xf32> to vector<256xf32>
    %broadcast_in_dim3A_605 = vector.shape_cast %reduce_sum3A_604 : vector<256xf32> to vector<256x1xf32>
    %add3A_606 = arith.addf %broadcast_in_dim3A_602, %broadcast_in_dim3A_605 : vector<256x1xf32>
    %slice3A_607 = vector.extract_strided_slice %get3A_60 {offsets = [0, 704], sizes = [16, 64], strides = [1, 1]} : vector<16x768xf32> to vector<16x64xf32>
    %dot_general3A_608 = arith.constant dense<0.000000e+00> : vector<256x64xf32>
    %dot_general3A_609 = tpu.matmul %exp3A_596, %slice3A_607, %dot_general3A_608 {dimension_numbers = #tpu.dot_dimension_numbers<[1], [0], [0], [1], [0, 0, 1, 1], [], []>, transpose_lhs_hint = false} : vector<256x16xf32>, vector<16x64xf32>, vector<256x64xf32> -> vector<256x64xf32>
    %slice3A_610 = vector.extract_strided_slice %get3A_54 {offsets = [0, 704], sizes = [256, 64], strides = [1, 1]} : vector<256x768xf32> to vector<256x64xf32>
    %dot_general3A_611 = arith.constant dense<0.000000e+00> : vector<256x64xf32>
    %dot_general3A_612 = tpu.matmul %exp3A_599, %slice3A_610, %dot_general3A_611 {dimension_numbers = #tpu.dot_dimension_numbers<[1], [0], [0], [1], [0, 0, 1, 1], [], []>, transpose_lhs_hint = false} : vector<256x256xf32>, vector<256x64xf32>, vector<256x64xf32> -> vector<256x64xf32>
    %add3A_613 = arith.addf %dot_general3A_609, %dot_general3A_612 : vector<256x64xf32>
    %div3A_614 = vector.broadcast %add3A_606 : vector<256x1xf32> to vector<256x64xf32>
    %div3A_615 = arith.divf %add3A_613, %div3A_614 : vector<256x64xf32>
    %swap3A_616 = arith.constant 0 : index
    %swap3A_617 = arith.constant 704 : index
    %swap3A_618 = vector.load %arg12[%swap3A_616, %swap3A_617] : memref<256x768xf32, #tpu.memory_space<vmem>>, vector<256x64xf32>
    tpu.vector_store %arg12[%swap3A_616, %swap3A_617], %div3A_615 {strides = array<i32>} : memref<256x768xf32, #tpu.memory_space<vmem>>, vector<256x64xf32>,
    %get3A_619 = arith.constant 0 : index
    %get3A_620 = arith.constant 0 : index
    %get3A_621 = vector.load %arg12[%get3A_619, %get3A_620] : memref<256x768xf32, #tpu.memory_space<vmem>>, vector<256x768xf32>
    %get3A_622 = arith.constant 0 : index
    %get3A_623 = arith.constant 0 : index
    %get3A_624 = vector.load %arg9[%get3A_622, %get3A_623] : memref<768x768xf32, #tpu.memory_space<vmem>>, vector<768x768xf32>
    %dot_general3A_625 = arith.constant dense<0.000000e+00> : vector<256x768xf32>
    %dot_general3A_626 = tpu.matmul %get3A_621, %get3A_624, %dot_general3A_625 {dimension_numbers = #tpu.dot_dimension_numbers<[1], [1], [0], [0], [0, 0, 1, 0], [], []>, transpose_lhs_hint = false} : vector<256x768xf32>, vector<768x768xf32>, vector<256x768xf32> -> vector<256x768xf32>
    %get3A_627 = arith.constant 0 : index
    %get3A_628 = arith.constant 0 : index
    %get3A_629 = vector.load %arg10[%get3A_627, %get3A_628] : memref<1x768xf32, #tpu.memory_space<vmem>>, vector<1x768xf32>
    %add3A_630 = vector.broadcast %get3A_629 : vector<1x768xf32> to vector<256x768xf32>
    %add3A_631 = arith.addf %dot_general3A_626, %add3A_630 : vector<256x768xf32>
    %swap3A_632 = arith.constant 0 : index
    %swap3A_633 = arith.constant 0 : index
    %swap3A_634 = vector.load %arg11[%swap3A_632, %swap3A_633] : memref<256x768xf32, #tpu.memory_space<vmem>>, vector<256x768xf32>
    tpu.vector_store %arg11[%swap3A_632, %swap3A_633], %add3A_631 {strides = array<i32>} : memref<256x768xf32, #tpu.memory_space<vmem>>, vector<256x768xf32>,
    return
  }
  func.func @transform_0(%arg0: i32) -> (i32, i32) {
    %c0_i32 = arith.constant 0 : i32
    %c0_i32_0 = arith.constant 0 : i32
    return %arg0, %c0_i32 : i32, i32
  }
  func.func @transform_1(%arg0: i32) -> (i32, i32) {
    %c0_i32 = arith.constant 0 : i32
    %c0_i32_0 = arith.constant 0 : i32
    return %arg0, %c0_i32 : i32, i32
  }
  func.func @transform_2(%arg0: i32) -> (i32, i32) {
    %c0_i32 = arith.constant 0 : i32
    %c0_i32_0 = arith.constant 0 : i32
    return %arg0, %c0_i32 : i32, i32
  }
  func.func @transform_3(%arg0: i32) -> (i32, i32) {
    %c0_i32 = arith.constant 0 : i32
    %c0_i32_0 = arith.constant 0 : i32
    return %arg0, %c0_i32 : i32, i32
  }
  func.func @transform_4(%arg0: i32) -> (i32, i32) {
    %c0_i32 = arith.constant 0 : i32
    %c0_i32_0 = arith.constant 0 : i32
    return %arg0, %c0_i32 : i32, i32
  }
  func.func @transform_5(%arg0: i32) -> (i32, i32) {
    %c0_i32 = arith.constant 0 : i32
    %c0_i32_0 = arith.constant 0 : i32
    %c0_i32_1 = arith.constant 0 : i32
    return %c0_i32, %c0_i32_0 : i32, i32
  }
  func.func @transform_6(%arg0: i32) -> (i32, i32) {
    %c0_i32 = arith.constant 0 : i32
    %c0_i32_0 = arith.constant 0 : i32
    return %c0_i32, %arg0 : i32, i32
  }
  func.func @transform_7(%arg0: i32) -> (i32, i32, i32) {
    %c0_i32 = arith.constant 0 : i32
    %c0_i32_0 = arith.constant 0 : i32
    %c0_i32_1 = arith.constant 0 : i32
    return %arg0, %c0_i32, %c0_i32_0 : i32, i32, i32
  }
  func.func @transform_8(%arg0: i32) -> (i32, i32) {
    %c0_i32 = arith.constant 0 : i32
    %c0_i32_0 = arith.constant 0 : i32
    %c0_i32_1 = arith.constant 0 : i32
    return %c0_i32, %c0_i32_0 : i32, i32
  }
  func.func @transform_9(%arg0: i32) -> (i32, i32) {
    %c0_i32 = arith.constant 0 : i32
    %c0_i32_0 = arith.constant 0 : i32
    %c0_i32_1 = arith.constant 0 : i32
    return %c0_i32, %c0_i32_0 : i32, i32
  }
  func.func @transform_10(%arg0: i32) -> (i32, i32) {
    %c0_i32 = arith.constant 0 : i32
    %c0_i32_0 = arith.constant 0 : i32
    return %arg0, %c0_i32 : i32, i32
  }
}

</mosaic_0001>

<sc_bundles>
// kernel: kernel.5.cloned.1.call-start
scs
__scs_entry_jumppad:
0x0: {  	(pc) =	sbr.rel $0x88, $3  }
0x1: {  	(tag) =	ssettag $0x0;
	lr =	simm.s32 $0x1  }
0x2: {  	[smem:$0x3F96] =	sst lr;
	_ =	strace $0xD0000000  }
0x3: {  	_ = 	snop  }
0x4: {  	_ = 	snop  }
0x5: {  	_ = 	snop  }
0x6: {  	_ = 	snop  }
0x7: {  	_ = 	snop  }
__scs_overlays_trampoline_lowered:
0x8: {  	[smem:$0x3FA5] =	sst s0  }
0x9: {  	[smem:$0x3FA6] =	sst s1  }
0xa: {  	[smem:$0x3FA7] =	sst s2  }
0xb: {  	[smem:$0x3FA8] =	sst s3  }
0xc: {  	[smem:$0x3FA9] =	sst s4  }
0xd: {  	[smem:$0x3FAA] =	sst s5  }
0xe: {  	[smem:$0x3FAB] =	sst s6  }
0xf: {  	[smem:$0x3FAC] =	sst s7  }
0x10: {  	[smem:$0x3FAD] =	sst s8  }
0x11: {  	[smem:$0x3FAE] =	sst s9;
	s0 =	simm.s32 @!p0 $0x0  }
0x12: {  	s1 =	sld [smem:$0x3F94];
	s0 =	simm.s32 @p0 $0x1  }
0x13: {  	[smem:$0x3FAF] =	sst s0;
	s0 =	simm.s32 @!p1 $0x0  }
0x14: {  	s2 =	sld [smem:$0x3F93];
	s0 =	simm.s32 @p1 $0x1  }
0x15: {  	[smem:$0x3FB0] =	sst s0;
	s0 =	simm.s32 @!p2 $0x0  }
0x16: {  	s3 =	sld [smem:$0x3FDB];
	s0 =	simm.s32 @p2 $0x1  }
0x17: {  	s4 =	simm.s32 $0x1BF5;
	[smem:$0x3FB2] =	sst s0  }
0x18: {  	s0 =	sld [smem:$0x3F95];
	_ =	swait.ge [sflag:s4], $0x0  }
0x19: {  	s7 =	sld [smem:$0x3F96]  }
0x1a: {  	s8 =	sadd.s32 $0xFFFFE003, lr  }
0x1b: {  	s9 =	sadd.s32 $0xFFFFFEF7, lr;
	s5 =	simm.s32 $0xFFFFFFFF;
	p2 =	slt.u32 s8, $0xFFFFF086  }
0x1c: {  	p1 =	slt.u32 s9, $0xF7A;
	s5 =	simm.s32 @!p2 $0x0  }
0x1d: {  	s5 =	simm.s32 @p1 $0x1;
	p0 =	seq.s32 s7, s2  }
0x1e: {  	s7 =	smul.u32 @!p0 $0xF7A, s2;
	p2 =	seq.s32 @!p0 s5, $0x0  }
0x1f: {  	s9 =	smul.u32 $0xF7A, s1;
	s8 =	simm.s32 @!p0 $0x1BF5;
	p2 =	por !p2, p0  }
0x20: {  	[sflag:s8] =	ssyncset.s32 @!p0 $0xFFFFF086;
	s6 =	sadd.s32 @!p0 s3, s7;
	s7 =	simm.s32 @!p0 $0x108  }
0x21: {  	s3 =	sadd.s32 s3, s9;
	s6 =	sadd.s32 @!p0 $0x88, s6;
	s7 =	simm.s32 @p2 $0x1082  }
0x22: {  	[simem:s7], [sflag:s8] =	dma.local @!p0 [hbm:s6], $0xF7A  }
0x23: {  	s9 =	sor.u32 $0xD0000000, s2;
	s6 =	simm.s32 $0x108;
	_ =	swait.ge @!p0 [sflag:s8], $0x0  }
0x24: {  	s3 =	sadd.s32 $0x88, s3;
	s6 =	simm.s32 @!p1 $0x1082;
	[sflag:s4] =	ssyncset.s32 $0xFFFFF086  }
0x25: {  	[simem:s6], [sflag:s4] =	dma.local [hbm:s3], $0xF7A  }
0x26: {  	[smem:$0x3F96] =	sst s1;
	(tag) =	ssettag s2;
	_ =	strace s9  }
0x27: {  	s1 =	sld [smem:$0x3FA6]  }
0x28: {  	s2 =	sld [smem:$0x3FA7]  }
0x29: {  	s4 =	sld [smem:$0x3FA9]  }
0x2a: {  	p0 =	seq.s32 s5, $0x0;
	s5 =	sld [smem:$0x3FAA]  }
0x2b: {  	s6 =	sld [smem:$0x3FAB]  }
0x2c: {  	s7 =	sld [smem:$0x3FAC]  }
0x2d: {  	s3 =	simm.s32 $0x108;
	s8 =	sld [smem:$0x3FAD]  }
0x2e: {  	s3 =	simm.s32 @!p0 $0x1082;
	s9 =	sld [smem:$0x3FAE]  }
0x2f: {  	lr =	sadd.s32 s0, s3;
	s0 =	sld [smem:$0x3FA5]  }
0x30: {  	s3 =	sld [smem:$0x3FA8]  }
0x31: {  	[smem:$0x3FB1] =	sst s10  }
0x32: {  	s10 =	sld [smem:$0x3FAF];
	_ =	sdelay $0x3  }
0x33: {  	p0 =	seq.s32 s10, $0x1;
	s10 =	sld [smem:$0x3FB1];
	_ =	sdelay $0x3  }
0x34: {  	[smem:$0x3FB1] =	sst s10  }
0x35: {  	s10 =	sld [smem:$0x3FB0];
	_ =	sdelay $0x3  }
0x36: {  	p1 =	seq.s32 s10, $0x1;
	s10 =	sld [smem:$0x3FB1];
	_ =	sdelay $0x3  }
0x37: {  	[smem:$0x3FB1] =	sst s10  }
0x38: {  	s10 =	sld [smem:$0x3FB2]  }
0x39: {  	_ = 	snop;
	(pc) =	sbr.ind lr, $3  }
0x3a: {  	_ = 	snop  }
0x3b: {  	_ = 	snop  }
0x3c: {  	p2 =	seq.s32 s10, $0x1;
	s10 =	sld [smem:$0x3FB1]  }
0x3d: {  	_ =	shalt  }
0x3e: {  	_ =	shalt  }
0x3f: {  	_ =	shalt  }
0x40: {  	_ =	shalt  }
0x41: {  	_ =	shalt  }
0x42: {  	_ =	shalt  }
0x43: {  	_ =	shalt  }
0x44: {  	_ =	shalt  }
0x45: {  	_ =	shalt  }
0x46: {  	_ =	shalt  }
0x47: {  	_ =	shalt  }
0x48: {  	_ =	shalt  }
0x49: {  	_ =	shalt  }
0x4a: {  	_ =	shalt  }
0x4b: {  	_ =	shalt  }
0x4c: {  	_ =	shalt  }
0x4d: {  	_ =	shalt  }
0x4e: {  	_ =	shalt  }
0x4f: {  	_ =	shalt  }
0x50: {  	_ =	shalt  }
0x51: {  	_ =	shalt  }
0x52: {  	_ =	shalt  }
0x53: {  	_ =	shalt  }
0x54: {  	_ =	shalt  }
0x55: {  	_ =	shalt  }
0x56: {  	_ =	shalt  }
0x57: {  	_ =	shalt  }
0x58: {  	_ =	shalt  }
0x59: {  	_ =	shalt  }
0x5a: {  	_ =	shalt  }
0x5b: {  	_ =	shalt  }
0x5c: {  	_ =	shalt  }
0x5d: {  	_ =	shalt  }
0x5e: {  	_ =	shalt  }
0x5f: {  	_ =	shalt  }
0x60: {  	_ =	shalt  }
0x61: {  	_ =	shalt  }
0x62: {  	_ =	shalt  }
0x63: {  	_ =	shalt  }
0x64: {  	_ =	shalt  }
0x65: {  	_ =	shalt  }
0x66: {  	_ =	shalt  }
0x67: {  	_ =	shalt  }
0x68: {  	_ =	shalt  }
0x69: {  	_ =	shalt  }
0x6a: {  	_ =	shalt  }
0x6b: {  	_ =	shalt  }
0x6c: {  	_ =	shalt  }
0x6d: {  	_ =	shalt  }
0x6e: {  	_ =	shalt  }
0x6f: {  	_ =	shalt  }
0x70: {  	_ =	shalt  }
0x71: {  	_ =	shalt  }
0x72: {  	_ =	shalt  }
0x73: {  	_ =	shalt  }
0x74: {  	_ =	shalt  }
0x75: {  	_ =	shalt  }
0x76: {  	_ =	shalt  }
0x77: {  	_ =	shalt  }
0x78: {  	_ =	shalt  }
0x79: {  	_ =	shalt  }
0x7a: {  	_ =	shalt  }
0x7b: {  	_ =	shalt  }
0x7c: {  	_ =	shalt  }
0x7d: {  	_ =	shalt  }
0x7e: {  	_ =	shalt  }
0x7f: {  	_ =	shalt  }
0x80: {  	_ =	shalt  }
0x81: {  	_ =	shalt  }
0x82: {  	_ =	shalt  }
0x83: {  	_ =	shalt  }
0x84: {  	_ =	shalt  }
0x85: {  	_ =	shalt  }
0x86: {  	_ =	shalt  }
0x87: {  	_ =	shalt  }
.Lfunc_end0:
.L_simem_size_0:
called_computation_lowered:
.L_overlay_start_0:
0x88: {  	s2 =	sld [smem:$0x3FD9]  }
0x89: {  	s3 =	sld [smem:$0x3FFE];
	_ =	sdelay $0x1  }
0x8a: {  	s1 =	srdreg.scid  }
0x8b: {  	s0 =	sand.u32 $0x1, s1  }
0x8c: {  	s17 =	sshll.u32 s0, $0xA;
	s2 =	sadd.s32 s3, s2  }
0x8d: {  	s2 =	sadd.s32 s2, s17  }
0x8e: {  	[smem:$0x3FBD] =	sst s2  }
0x8f: {  	_ = 	snop  }
0x90: {  	s2 =	sld [smem:$0x3FD0];
	(tm) =	ssettm $0x1  }
0x91: {  	s18 =	sld [smem:$0x3FFB];
	_ =	sdelay $0x3  }
0x92: {  	_ =	strace s18  }
0x93: {  	s3 =	sld [smem:$0x3FFC];
	_ =	sdelay $0x3  }
0x94: {  	_ =	strace s3  }
0x95: {  	s3 =	sld [smem:$0x3FFD];
	_ =	sdelay $0x3  }
0x96: {  	_ =	strace s3  }
0x97: {  	_ =	strace $0x8FFFFFFF  }
0x98: {  	s19 =	sld [smem:$0x3FDB];
	_ =	sdelay $0x1  }
0x99: {  	s4 =	simm.s32 $_scs_section_size  }
0x9a: {  	s5 =	simm.s32 $_size__tile_overlayer_lowered;
	s6 =	simm.s32 $_tile_overlayer_lowered  }
0x9b: {  	s22 =	simm.s32 $0x1BFF;
	s21 =	sshll.u32 s6, $0x1;
	s3 =	sadd.s32 s4, s19  }
0x9c: {  	s7 =	simm.s32 $0x0;
	s20 =	sshll.u32 s5, $0x1;
	s5 =	sadd.s32 s21, s3  }
0x9d: {  	[timem:s7], [sflag:s22] =	dma.local [hbm:s5], s20  }
0x9e: {  	_ =	swait.ge [sflag:s22], s20  }
0x9f: {  	s4 =	ssub.s32 $0x0, s20;
	[sflag:s22] =	ssyncset.done $0x0  }
0xa0: {  	[sflag:s22] =	ssyncadd.s32 s4;
	_ =	sdelay $0x1  }
0xa1: {  	s23 =	simm.s32 $0x1B8B  }
0xa2: {  	_ =	swait.ge [sflag:s23], $0x1  }
0xa3: {  	[sflag:s23] =	ssyncset.done $0x0  }
0xa4: {  	s25 =	simm.s32 $0x1B8E;
	s24 =	sld [smem:$0x3FFE];
	[sflag:s23] =	ssyncadd.s32 $0xFFFFFFFF  }
0xa5: {  	s26 =	simm.s32 $execute0_lowered;
	[smem:$0x3FD2] =	sst s25  }
0xa6: {  	s5 =	sshll.u32 s26, $0x1;
	_ =	strace $0x80000046;
	[dreg:$0x1] =	wrdreg $0xFFFFFFFF  }
0xa7: {  	s28 =	simm.s32 $_size_execute0_lowered;
	s3 =	sadd.s32 s3, s5;
	[dreg:$0x0] =	wrdreg $0x0  }
0xa8: {  	s5 =	sshll.u32 s28, $0x1;
	[dreg:$0x2] =	wrdreg s3  }
0xa9: {  	[dreg:$0x3] =	wrdreg s5  }
0xaa: {  	[dreg:$0x4] =	wrdreg $0xC0  }
0xab: {  	_ =	task [dreg:s7], $0x5FFFF  }
0xac: {  	[dreg:$0x1] =	wrdreg $0xFFFFFFFF  }
0xad: {  	[dreg:$0x0] =	wrdreg $0x60  }
0xae: {  	[dreg:$0x2] =	wrdreg s24  }
0xaf: {  	[dreg:$0x3] =	wrdreg s2  }
0xb0: {  	[dreg:$0x4] =	wrdreg $0x65000  }
0xb1: {  	[dreg:$0x5] =	wrdreg $0x65100  }
0xb2: {  	[dreg:$0x6] =	wrdreg $0x65200  }
0xb3: {  	[dreg:$0x7] =	wrdreg $0x65300  }
0xb4: {  	[dreg:$0x8] =	wrdreg $0x9  }
0xb5: {  	_ =	task.clear_ibuf [dreg:s7], $0x9FFFF;
	_ =	strace $0x90000046  }
0xb6: {  	s29 =	simm.s32 $0x9;
	_ =	strace $0x80000048  }
0xb7: {  	_ =	swait.ge [sflag:s29], $0x1  }
0xb8: {  	[sflag:s29] =	ssyncadd.s32 $0xFFFFFFFF  }
0xb9: {  	_ =	strace $0x90000048  }
0xba: {  	_ =	sfence  }
0xbb: {  	s30 =	sld [smem:$0x0];
	_ =	sdelay $0x2  }
0xbc: {  	s31 =	sshll.u32 s1, $0xD;
	s1 =	sshrl.u32 s1, $0x2  }
0xbd: {  	s3 =	sand.u32 $0x4000, s31;
	s1 =	sadd.s32 s1, s30  }
0xbe: {  	s0 =	sor.u32 s3, s0;
	s1 =	sshll.u32 s1, $0x11  }
0xbf: {  	s0 =	sor.u32 s1, s0  }
0xc0: {  	s0 =	sadd.s32 $0x8F2B, s0  }
0xc1: {  	[sflag:s0] =	ssyncadd.remote.s32 $0x1  }
0xc2: {  	_ =	sfence.sel $0xFFFF  }
0xc3: {  	[dreg:$0x0] =	wrdreg $0xFFFFFFFF;
	(pc) =	sbr.abs _section_cstart, $3  }
0xc4: {  	[dreg:$0x1] =	wrdreg $0xFFFFFFFF  }
0xc5: {  	_ =	task.clear_ibuf [dreg:s7], $0x2FFFF;
	_ =	strace $0x9FFFFFFF  }
0xc6: {  	(tm) =	ssettm $0x7FFFFFFF  }
0xc7: {  	_ =	shalt  }
tec
execute0_lowered:
.L_overlay_start_1:
0x0: {  	(tag) =	ssettag $0x1  }
0x1: {  	s7 =	rddreg [dreg:$0x0];
	s1 =	srdreg.scid  }
0x2: {  	s8 =	rddreg [dreg:$0x1];
	s1 =	sand.u32 $0x1, s1  }
0x3: {  	s10 =	rddreg [dreg:$0x2];
	p0 =	seq.s32 s1, $0x1  }
.Ltmp0:
0x4: {  	s2 =	rddreg [dreg:$0x3];
	(pc) =	sbr.rel @p0 .LBB2_11-.Ltmp0, $4  }
0x5: {  	s4 =	rddreg [dreg:$0x4]  }
0x6: {  	s3 =	rddreg [dreg:$0x5];
	s5 =	simm.s32 $0x0  }
0x7: {  	[smem:$0x7FF] =	sst s5  }
0x8: {  	s0 =	rddreg [dreg:$0x6];
	_ =	strace $0x80000047;
	s1 =	stileid.u32  }
0x9: {  	s9 =	sadd.s32 $0x32600, s7;
	s6 =	sshll.u32 s1, $0x4  }
0xa: {  	s9 =	sadd.s32 s9, s6  }
0xb: {  	[tilespmem:s5], [sflag:$0x3] =	stream.linear.gather [hbm4b:s9+s5], $0x80, $0x38;
	[tilespmem:$0x6540] =	vst v63  }
0xc: {  	s9 =	simm.s32 $0x3  }
0xd: {  	_ =	swait.ge [sflag:s9], $0x80  }
0xe: {  	[sflag:s9] =	ssyncset.done $0x0  }
0xf: {  	[sflag:s9] =	ssyncadd.s32 $0xFFFFFF80  }
0x10: {  	v1 =	vld [tilespmem:$0x0];
	_ =	sdelay $0x1  }
0x11: {  	s5 =	sshll.u32 s1, $0x7  }
0x12: {  	v2 =	vlaneseq.u32;
	v0 =	vmov s5  }
0x13: {  	v3 =	vor.u32 v2, v0  }
0x14: {  	(xrf1) =	vsort.dscd.msk.f32 $0xffff, v1, v3;
	_ =	sdelay $0xb  }
0x15: {  	v1 =	vmul.u32 $0xFFFFFFFF, v2;
	_ =	sdelay $0x1  }
0x16: {  	v3 =	vadd.s32 $0xF, v1;
	v4, v5, _ =	vpop (xrf1)  }
0x17: {  	v5 =	vperm.xlane v5, v3  }
0x18: {  	v6 =	vld [tilespmem:$0x10];
	v1 =	vor.u32 $0xFFFFFFF0, v2;
	v4 =	vperm.xlane v4, v3  }
0x19: {  	vm0 =	vlt.s32 v5, v1  }
0x1a: {  	vm1 =	veq.f32 v4, $-Inf;
	v7 =	vsel vm0, v5, v1  }
0x1b: {  	s11 =	sor.u32 $0x10, s5;
	v5 =	vsel vm1, v7, v5  }
0x1c: {  	v7 =	vor.u32 s11, v2;
	(xrf1) =	vsort.dscd.msk.f32 $0xffff, v4, v5  }
0x1d: {  	(xrf1) =	vsort.dscd.msk.f32 $0xffff, v6, v7;
	_ =	sdelay $0xc  }
0x1e: {  	v4, v5, _ =	vpop (xrf1)  }
0x1f: {  	v6, v7, _ =	vpop (xrf1)  }
0x20: {  	v6 =	vperm.xlane v6, v3;
	v7 =	vperm.xlane v7, v3;
	_ =	sdelay $0x1  }
0x21: {  	v8 =	vld [tilespmem:$0x20];
	vm8 =	veq.f32 v4, v6;
	vm9 =	vlt.s32 v5, v7  }
0x22: {  	vm2 =	vgt.f32 v4, v6;
	vm0 =	vmand vm8, vm9  }
0x23: {  	vm0 =	vmor vm2, vm0  }
0x24: {  	s22 =	sor.u32 $0x20, s5;
	v4 =	vsel vm0, v4, v6;
	v5 =	vsel vm0, v5, v7  }
0x25: {  	v6 =	vor.u32 s22, v2;
	(xrf1) =	vsort.dscd.msk.f32 $0xffff, v4, v5  }
0x26: {  	(xrf1) =	vsort.dscd.msk.f32 $0xffff, v8, v6;
	_ =	sdelay $0xc  }
0x27: {  	v4, v5, _ =	vpop (xrf1)  }
0x28: {  	v6, v7, _ =	vpop (xrf1)  }
0x29: {  	v6 =	vperm.xlane v6, v3;
	v7 =	vperm.xlane v7, v3;
	_ =	sdelay $0x1  }
0x2a: {  	v59 =	vld [tilespmem:$0x30];
	vm10 =	veq.f32 v4, v6;
	vm11 =	vlt.s32 v5, v7  }
0x2b: {  	vm12 =	vgt.f32 v4, v6;
	vm0 =	vmand vm10, vm11  }
0x2c: {  	vm0 =	vmor vm12, vm0  }
0x2d: {  	s23 =	sor.u32 $0x30, s5;
	v4 =	vsel vm0, v4, v6;
	v5 =	vsel vm0, v5, v7  }
0x2e: {  	v6 =	vor.u32 s23, v2;
	(xrf1) =	vsort.dscd.msk.f32 $0xffff, v4, v5  }
0x2f: {  	(xrf1) =	vsort.dscd.msk.f32 $0xffff, v59, v6;
	_ =	sdelay $0xc  }
0x30: {  	v4, v5, _ =	vpop (xrf1)  }
0x31: {  	v6, v7, _ =	vpop (xrf1)  }
0x32: {  	v6 =	vperm.xlane v6, v3;
	v7 =	vperm.xlane v7, v3;
	_ =	sdelay $0x1  }
0x33: {  	v60 =	vld [tilespmem:$0x40];
	vm13 =	veq.f32 v4, v6;
	vm14 =	vlt.s32 v5, v7  }
0x34: {  	vm15 =	vgt.f32 v4, v6;
	vm0 =	vmand vm13, vm14  }
0x35: {  	vm0 =	vmor vm15, vm0  }
0x36: {  	s24 =	sor.u32 $0x40, s5;
	v4 =	vsel vm0, v4, v6;
	v5 =	vsel vm0, v5, v7  }
0x37: {  	v6 =	vor.u32 s24, v2;
	(xrf1) =	vsort.dscd.msk.f32 $0xffff, v4, v5  }
0x38: {  	(xrf1) =	vsort.dscd.msk.f32 $0xffff, v60, v6;
	_ =	sdelay $0xc  }
0x39: {  	v4, v5, _ =	vpop (xrf1)  }
0x3a: {  	v6, v7, _ =	vpop (xrf1)  }
0x3b: {  	v6 =	vperm.xlane v6, v3;
	v7 =	vperm.xlane v7, v3;
	_ =	sdelay $0x1  }
0x3c: {  	v61 =	vld [tilespmem:$0x50];
	vm4 =	veq.f32 v4, v6;
	vm5 =	vlt.s32 v5, v7  }
0x3d: {  	vm6 =	vgt.f32 v4, v6;
	vm0 =	vmand vm4, vm5  }
0x3e: {  	vm0 =	vmor vm6, vm0  }
0x3f: {  	s25 =	sor.u32 $0x50, s5;
	v4 =	vsel vm0, v4, v6;
	v5 =	vsel vm0, v5, v7  }
0x40: {  	v6 =	vor.u32 s25, v2;
	(xrf1) =	vsort.dscd.msk.f32 $0xffff, v4, v5  }
0x41: {  	(xrf1) =	vsort.dscd.msk.f32 $0xffff, v61, v6;
	_ =	sdelay $0xc  }
0x42: {  	v4, v5, _ =	vpop (xrf1)  }
0x43: {  	v6, v7, _ =	vpop (xrf1)  }
0x44: {  	v6 =	vperm.xlane v6, v3;
	v7 =	vperm.xlane v7, v3;
	_ =	sdelay $0x1  }
0x45: {  	v62 =	vld [tilespmem:$0x60];
	vm7 =	veq.f32 v4, v6;
	vm8 =	vlt.s32 v5, v7  }
0x46: {  	vm9 =	vgt.f32 v4, v6;
	vm0 =	vmand vm7, vm8  }
0x47: {  	vm0 =	vmor vm9, vm0  }
0x48: {  	s26 =	sor.u32 $0x60, s5;
	v4 =	vsel vm0, v4, v6;
	v5 =	vsel vm0, v5, v7  }
0x49: {  	v6 =	vor.u32 s26, v2;
	(xrf1) =	vsort.dscd.msk.f32 $0xffff, v4, v5  }
0x4a: {  	(xrf1) =	vsort.dscd.msk.f32 $0xffff, v62, v6;
	_ =	sdelay $0xc  }
0x4b: {  	v4, v5, _ =	vpop (xrf1)  }
0x4c: {  	v6, v7, _ =	vpop (xrf1)  }
0x4d: {  	v6 =	vperm.xlane v6, v3;
	v7 =	vperm.xlane v7, v3;
	_ =	sdelay $0x1  }
0x4e: {  	v63 =	vld [tilespmem:$0x70];
	vm10 =	veq.f32 v4, v6;
	vm11 =	vlt.s32 v5, v7  }
0x4f: {  	vm12 =	vgt.f32 v4, v6;
	vm0 =	vmand vm10, vm11  }
0x50: {  	vm0 =	vmor vm12, vm0  }
0x51: {  	s28 =	sor.u32 $0x70, s5;
	v4 =	vsel vm0, v4, v6;
	v5 =	vsel vm0, v5, v7  }
0x52: {  	v6 =	vor.u32 s28, v2;
	(xrf1) =	vsort.dscd.msk.f32 $0xffff, v4, v5  }
0x53: {  	(xrf1) =	vsort.dscd.msk.f32 $0xffff, v63, v6;
	_ =	sdelay $0xc  }
0x54: {  	v4, v5, _ =	vpop (xrf1)  }
0x55: {  	v6, v7, _ =	vpop (xrf1)  }
0x56: {  	v6 =	vperm.xlane v6, v3;
	v7 =	vperm.xlane v7, v3;
	_ =	sdelay $0x1  }
0x57: {  	vm13 =	veq.f32 v4, v6;
	vm14 =	vlt.s32 v5, v7  }
0x58: {  	vm15 =	vgt.f32 v4, v6;
	vm0 =	vmand vm13, vm14  }
0x59: {  	vm0 =	vmor vm15, vm0  }
0x5a: {  	v4 =	vsel vm0, v4, v6;
	v5 =	vsel vm0, v5, v7  }
0x5b: {  	(xrf1) =	vsort.dscd.msk.f32 $0xffff, v4, v5;
	_ =	sdelay $0xd  }
0x5c: {  	v4, v5, _ =	vpop (xrf1)  }
0x5d: {  	s12 =	simm.s32 $0x100;
	s29 =	sadd.s32 s6, s10;
	[tilespmem:$0x100] =	vst v4  }
0x5e: {  	[spmem:s29] =	stream.linear.scatter [tilespmem:s12], [sflag:$0x3], $0x10, $0x38;
	[tilespmem:$0x6540] =	vst v63  }
0x5f: {  	_ =	swait.ge [sflag:s9], $0x10  }
0x60: {  	[sflag:s9] =	ssyncset.done $0x0  }
0x61: {  	[sflag:s9] =	ssyncadd.s32 $0xFFFFFFF0  }
0x62: {  	s13 =	simm.s32 $0x180;
	s30 =	sadd.s32 s6, s2;
	[tilespmem:$0x180] =	vst v5  }
0x63: {  	[spmem:s30] =	stream.linear.scatter [tilespmem:s13], [sflag:$0x3], $0x10, $0x38;
	[tilespmem:$0x6540] =	vst v63  }
0x64: {  	_ =	swait.ge [sflag:s9], $0x10  }
0x65: {  	[sflag:s9] =	ssyncset.done $0x0  }
0x66: {  	[sflag:s9] =	ssyncadd.s32 $0xFFFFFFF0  }
0x67: {  	s14 =	simm.s32 $0x200;
	[bflag:$0x0] =	sbarrier.arrive $0xFFFF  }
0x68: {  	[tilespmem:s14], [sflag:$0x3] =	stream.linear.gather [spmem:s10], $0x100, $0x38;
	[tilespmem:$0x6540] =	vst v63  }
0x69: {  	_ =	swait.ge [sflag:s9], $0x100  }
0x6a: {  	p0 =	seq.s32 s1, $0x0;
	[sflag:s9] =	ssyncset.done $0x0  }
.Ltmp1:
0x6b: {  	s15 =	simm.s32 $0x300;
	[sflag:s9] =	ssyncadd.s32 $0xFFFFFF00;
	(pc) =	sbr.rel @p0 .LBB2_7-.Ltmp1, $4  }
0x6c: {  	[tilespmem:s15], [sflag:$0x3] =	stream.linear.gather [spmem:s2], $0x100, $0x38;
	[tilespmem:$0x6540] =	vst v63  }
0x6d: {  	s31 =	smul.u32 $0x300, s1;
	_ =	swait.ge [sflag:s9], $0x100  }
0x6e: {  	s11 =	sadd.s32 s6, s7;
	s12 =	sadd.s32 $0x80, s5;
	[sflag:s9] =	ssyncset.done $0x0  }
0x6f: {  	v4 =	vimm.f32 $-Inf;
	s10 =	sadd.s32 s31, s7;
	s2 =	sand.u32 $0x1, s1;
	[sflag:s9] =	ssyncadd.s32 $0xFFFFFF00  }
0x70: {  	p1 =	sne.s32 s1, $0x1  }
.Ltmp2:
0x71: {  	_ = 	snop;
	(pc) =	sbr.rel @!p1 .LBB2_3-.Ltmp2, $3  }
0x72: {  	_ =	sdelay $0x1  }
0x73: {  	v5 =	vld [tilespmem:s14+$0x0]  }
0x74: {  	v6 =	vld [tilespmem:s15+$0x0];
	s16 =	sadd.s32 $0xFFFFFFFF, s1;
	p0 =	por $0x0, $0x0  }
0x75: {  	_ =	sdelay $0x3  }
0x76: {  	v5 =	vperm.xlane v5, v3;
	v6 =	vperm.xlane v6, v3;
	_ =	sdelay $0x1  }
0x77: {  	vm0 =	veq.f32 v4, v5;
	vm1 =	vlt.s32 v1, v6  }
0x78: {  	vm2 =	vgt.f32 v4, v5;
	vm0 =	vmand vm0, vm1  }
0x79: {  	vm0 =	vmor vm2, vm0  }
0x7a: {  	v7 =	vsel vm0, v4, v5;
	v6 =	vsel vm0, v1, v6  }
0x7b: {  	(xrf1) =	vsort.dscd.msk.f32 $0xffff, v7, v6;
	_ =	sdelay $0x2  }
0x7c: {  	p1 =	sne.s32 s16, $0x1  }
.Ltmp3:
0x7d: {  	_ = 	snop;
	(pc) =	sbr.rel @!p1 .LBB2_6-.Ltmp3, $4  }
0x7e: {  	_ = 	snop  }
0x7f: {  	s14 =	simm.s32 $0x210  }
0x80: {  	s15 =	simm.s32 $0x310;
	v5 =	vld [tilespmem:s14+$0x0]  }
0x81: {  	s16 =	sadd.s32 $0xFFFFFFFF, s16;
	p0 =	por $0x1, $0x1;
	v6 =	vld [tilespmem:s15+$0x0]  }
.LBB2_5:
0x82: {  	p1 =	sne.s32 s16, $0x1;
	_ =	sdelay $0x3  }
0x83: {  	v5 =	vperm.xlane v5, v3;
	v6 =	vperm.xlane v6, v3  }
0x84: {  	v7, v8, _ =	vpop (xrf1)  }
0x85: {  	vm0 =	veq.f32 v7, v5;
	vm1 =	vlt.s32 v8, v6  }
0x86: {  	vm2 =	vgt.f32 v7, v5;
	vm0 =	vmand vm0, vm1  }
0x87: {  	vm0 =	vmor vm2, vm0  }
0x88: {  	v5 =	vsel vm0, v7, v5;
	v6 =	vsel vm0, v8, v6  }
0x89: {  	(xrf1) =	vsort.dscd.msk.f32 $0xffff, v5, v6;
	_ =	sdelay $0x3  }
.Ltmp4:
0x8a: {  	(pc) =	sbr.rel @p1 .LBB2_5-.Ltmp4, $4  }
0x8b: {  	_ = 	snop  }
0x8c: {  	s14 =	sadd.s32 $0x10, s14  }
0x8d: {  	s15 =	sadd.s32 $0x10, s15;
	v5 =	vld [tilespmem:s14+$0x0]  }
0x8e: {  	s16 =	sadd.s32 $0xFFFFFFFF, s16;
	v6 =	vld [tilespmem:s15+$0x0]  }
.LBB2_6:
0x8f: {  	_ =	sdelay $0x4  }
0x90: {  	v5 =	vperm.xlane v5, v3;
	v3 =	vperm.xlane v6, v3;
	v6, v7, _ =	vpop @p0 (xrf1)  }
0x91: {  	v4 =	vpsel p0, v6, v4;
	v1 =	vpsel p0, v7, v1  }
0x92: {  	vm0 =	veq.f32 v4, v5;
	vm1 =	vlt.s32 v1, v3  }
0x93: {  	vm2 =	vgt.f32 v4, v5;
	vm0 =	vmand vm0, vm1  }
0x94: {  	vm0 =	vmor vm2, vm0  }
0x95: {  	v4 =	vsel vm0, v4, v5;
	v1 =	vsel vm0, v1, v3  }
0x96: {  	(xrf1) =	vsort.dscd.msk.f32 $0xffff, v4, v1;
	_ =	sdelay $0x8  }
0x97: {  	p0 =	sne.s32 s2, $0x0  }
.Ltmp5:
0x98: {  	_ = 	snop;
	(pc) =	sbr.rel @p0 .LBB2_8-.Ltmp5, $2  }
0x99: {  	_ =	sdelay $0x2  }
0x9a: {  	v4, v1, _ =	vpop (xrf1)  }
.LBB2_7:
0x9b: {  	vm0 =	vgt.s32 v1, $0x0  }
0x9c: {  	v3 =	vnsel vm0, $0x0, v1  }
0x9d: {  	v5 =	vshrl.u32 v3, $0x3  }
0x9e: {  	v5 =	vmul.u32 $0x30, v5  }
0x9f: {  	v3 =	vand.u32 $0x7, v3  }
0xa0: {  	v6 =	vshrl.u32 v2, $0x3;
	v3 =	vor.u32 v3, v5;
	v5 =	vand.u32 $0x7, v2  }
0xa1: {  	v6 =	vmul.u32 $0x8, v6;
	v5 =	vperm.xlane v3, v5;
	_ =	sdelay $0x1  }
0xa2: {  	v5 =	vadd.s32 v6, v5;
	_ =	sdelay $0x2  }
0xa3: {  	v2 =	vor.u32 $0x8, v2  }
0xa4: {  	s14 =	sadd.s32 $0x2600, s7;
	vm15 =	vmmov $0xffff;
	s15 =	simm.s32 $0x0;
	s16 =	simm.s32 $0x500;
	v2 =	vperm.xlane v3, v2  }
0xa5: {  	[tilespmem:s16], [sflag:$0x1] =	stream.indirect_vreg.gather [hbm4b:s14+s15], $0x80, v5, vm15, $0xb8;
	[tilespmem:$0x6540] =	vst v63  }
0xa6: {  	s29 =	sadd.s32 $0x2700, s7;
	s17 =	simm.s32 $0xD00;
	v2 =	vadd.s32 v6, v2  }
0xa7: {  	[tilespmem:s17], [sflag:$0x1] =	stream.indirect_vreg.gather [hbm4b:s29+s15], $0x80, v5, vm15, $0xb8;
	[tilespmem:$0x6540] =	vst v63  }
0xa8: {  	s30 =	sadd.s32 $0x2800, s7;
	s18 =	simm.s32 $0x1500  }
0xa9: {  	[tilespmem:s18], [sflag:$0x1] =	stream.indirect_vreg.gather [hbm4b:s30+s15], $0x80, v5, vm15, $0xb8;
	[tilespmem:$0x6540] =	vst v63  }
0xaa: {  	s31 =	simm.s32 $0x1D00  }
0xab: {  	[tilespmem:s31], [sflag:$0x1] =	stream.indirect_vreg.gather [hbm4b:s14+s15], $0x80, v2, vm15, $0xb8;
	[tilespmem:$0x6540] =	vst v63  }
0xac: {  	s19 =	simm.s32 $0x2500  }
0xad: {  	[tilespmem:s19], [sflag:$0x1] =	stream.indirect_vreg.gather [hbm4b:s29+s15], $0x80, v2, vm15, $0xb8;
	[tilespmem:$0x6540] =	vst v63  }
0xae: {  	s20 =	simm.s32 $0x2D00  }
0xaf: {  	[tilespmem:s20], [sflag:$0x1] =	stream.indirect_vreg.gather [hbm4b:s30+s15], $0x80, v2, vm15, $0xb8;
	[tilespmem:$0x6540] =	vst v63  }
0xb0: {  	s21 =	simm.s32 $0x3500  }
0xb1: {  	[tilespmem:s21], [sflag:$0x2] =	stream.indirect_vreg.gather [hbm4b:s8+s15], $0x80, v5, vm15, $0xb8;
	[tilespmem:$0x6540] =	vst v63  }
0xb2: {  	s22 =	sadd.s32 $0x100, s8;
	s23 =	simm.s32 $0x3D00  }
0xb3: {  	[tilespmem:s23], [sflag:$0x2] =	stream.indirect_vreg.gather [hbm4b:s22+s15], $0x80, v5, vm15, $0xb8;
	[tilespmem:$0x6540] =	vst v63  }
0xb4: {  	s24 =	sadd.s32 $0x200, s8;
	s25 =	simm.s32 $0x4500  }
0xb5: {  	[tilespmem:s25], [sflag:$0x2] =	stream.indirect_vreg.gather [hbm4b:s24+s15], $0x80, v5, vm15, $0xb8;
	[tilespmem:$0x6540] =	vst v63  }
0xb6: {  	s26 =	simm.s32 $0x4D00  }
0xb7: {  	[tilespmem:s26], [sflag:$0x2] =	stream.indirect_vreg.gather [hbm4b:s8+s15], $0x80, v2, vm15, $0xb8;
	[tilespmem:$0x6540] =	vst v63  }
0xb8: {  	s28 =	sshll.u32 s1, $0x3;
	s29 =	simm.s32 $0x5500  }
0xb9: {  	[tilespmem:s29], [sflag:$0x2] =	stream.indirect_vreg.gather [hbm4b:s22+s15], $0x80, v2, vm15, $0xb8;
	[tilespmem:$0x6540] =	vst v63  }
0xba: {  	s31 =	simm.s32 $0x5D00;
	s30 =	sadd.s32 s28, s7  }
0xbb: {  	[tilespmem:s31], [sflag:$0x2] =	stream.indirect_vreg.gather [hbm4b:s24+s15], $0x80, v2, vm15, $0xb8;
	[tilespmem:$0x6540] =	vst v63  }
0xbc: {  	s7 =	sadd.s32 $0x38A00, s30;
	[tilespmem:$0x180] =	vst v1  }
0xbd: {  	[hbm4b:s7+s15] =	stream.linear.scatter [tilespmem:s13], [sflag:$0x3], $0x80, $0x38;
	[tilespmem:$0x6540] =	vst v63  }
0xbe: {  	_ =	swait.ge [sflag:s9], $0x80  }
0xbf: {  	[sflag:s9] =	ssyncset.done $0x0  }
0xc0: {  	[sflag:s9] =	ssyncadd.s32 $0xFFFFFF80  }
.LBB2_8:
0xc1: {  	v2 =	vimm.s32 $0x800  }
0xc2: {  	[tilespmem:$0x80] =	vst v2  }
0xc3: {  	[tilespmem:$0x90] =	vst v2  }
0xc4: {  	[tilespmem:$0xA0] =	vst v2  }
0xc5: {  	[tilespmem:$0xB0] =	vst v2  }
0xc6: {  	[tilespmem:$0xC0] =	vst v2  }
0xc7: {  	s15 =	simm.s32 $0x0;
	(xrf0) =	vmin.scan.msk.f32 $0xffff, v4;
	[tilespmem:$0xD0] =	vst v2  }
0xc8: {  	[tilespmem:$0xE0] =	vst v2;
	s7 =	sand.u32 $0x1C0, s15  }
0xc9: {  	[tilespmem:$0xF0] =	vst v2;
	s7 =	sshrl.u32 s7, $0x2  }
0xca: {  	v2 =	vld [tilespmem:s7+$0x0];
	_ =	sdelay $0x1  }
0xcb: {  	s29 =	sand.u32 $0xF, s15  }
0xcc: {  	v3 =	vlaneseq.u32;
	v5 =	vmov s29;
	v6, _, _ =	vpop (xrf0)  }
0xcd: {  	vm0 =	veq.s32 v5, v3;
	v5 =	vbroadcast v6, $0xF  }
0xce: {  	v2 =	vnsel vm0, $0x7F800000, v2  }
0xcf: {  	vm1 =	veq.f32 v4, v5;
	v5 =	vxor.u32 $0x80000000, v1;
	(xrf0) =	vmin.scan.msk.f32 $0xffff, v2  }
0xd0: {  	v2 =	vnsel vm1, $0x0, v5  }
0xd1: {  	(xrf0) =	vmax.scan.msk.u32 $0xffff, v2;
	_ =	sdelay $0x3  }
0xd2: {  	(v2sf) =	vpush v6, $0xF;
	v2, _, _ =	vpop (xrf0)  }
0xd3: {  	(v2sf) =	vpush v2, $0xF  }
0xd4: {  	v5, _, _ =	vpop (xrf0)  }
0xd5: {  	(v2sf) =	vpush v5, $0xF;
	_ =	sdelay $0xb  }
0xd6: {  	s30 =	spop (v2sf)  }
0xd7: {  	s8 =	spop (v2sf)  }
0xd8: {  	p1 =	sgt.f32 s30, $-Inf;
	p0 =	sgt.f32 s8, s30  }
0xd9: {  	s31 =	spop (v2sf)  }
0xda: {  	vm0 =	vmxor vm0, vm0;
	s14 =	sxor.u32 $0x80000000, s31;
	p1 =	por !p1, !p0  }
0xdb: {  	vm3 =	vmmov vm0;
	vm2 =	veq.s32 v1, s14;
	p1 =	por !p1, !p1;
	p2 =	sge.s32 s14, s5  }
0xdc: {  	v5 =	vbroadcast v2, $0xF;
	vm3 =	vmneg @p0 vm3;
	vm4 =	vmand vm1, vm2;
	p2 =	por !p2, !p1  }
0xdd: {  	p6 =	por !p0, !p0;
	p2 =	por !p2, !p2;
	vm1 =	vmand vm4, vm3  }
0xde: {  	s16 =	sadd.s32 $0x0, s5;
	vm2 =	vmmov vm0;
	p2 =	por p2, p6;
	v6 =	vsel vm1, v5, v4  }
0xdf: {  	s8 =	sadd.s32 $0x38800, s11;
	p3 =	slt.s32 s14, s5;
	s11 =	ssub.s32 s14, s5;
	v4 =	vsel vm1, s16, v1;
	vm1 =	vmmov $0x1;
	vm2 =	vmneg @p2 vm2  }
0xe0: {  	p1 =	por !p3, !p1;
	s15 =	smov.u32 @p0 s11;
	vm2 =	vmand vm2, vm1  }
0xe1: {  	p1 =	por !p1, !p1;
	vm3 =	vmmov vm0;
	v7 =	vmov s15  }
0xe2: {  	s13 =	sadd.s32 s6, s4;
	s9 =	sadd.s32 s6, s3;
	s6 =	sadd.s32 $0x35800, s10;
	vm3 =	vmneg @p1 vm3  }
0xe3: {  	s7 =	sadd.s32 $0x32800, s10;
	s10 =	simm.s32 $0x80;
	v2 =	vmov s12;
	s12 =	simm.s32 $0x4;
	v5 =	vimm.s32 $0xFFFFFFFF;
	vm3 =	vmand vm4, vm3  }
0xe4: {  	v8 =	vmov s16;
	s14 =	simm.s32 $0x2;
	s11 =	simm.s32 $0x1;
	s15 =	sand.u32 $0x1C0, s12;
	(xrf0) =	vmin.scan.msk.f32 $0xffff, v6;
	v5 =	vsel vm3, s16, v5  }
.LBB2_9:
0xe5: {  	p0 =	sne.s32 s14, $0x7F  }
0xe6: {  	s16 =	sshrl.u32 s15, $0x2;
	[tilespmem:v7+s10+$0x0] =	vst.idx.msk vm2, v8;
	s15 =	smov.u32 s14;
	s14 =	sadd.s32 $0x1, s14  }
0xe7: {  	v7 =	vld [tilespmem:s16+$0x0];
	_ =	sdelay $0x1  }
0xe8: {  	s16 =	sand.u32 $0xF, s11  }
0xe9: {  	v8 =	vmov s16;
	v9, _, _ =	vpop (xrf0)  }
0xea: {  	vm2 =	veq.s32 v8, v3;
	v8 =	vbroadcast v9, $0xF  }
0xeb: {  	v7 =	vnsel vm2, $0x7F800000, v7  }
0xec: {  	vm2 =	veq.f32 v6, v8;
	v8 =	vxor.u32 $0x80000000, v4;
	(xrf0) =	vmin.scan.msk.f32 $0xffff, v7  }
0xed: {  	v7 =	vnsel vm2, $0x0, v8  }
0xee: {  	(xrf0) =	vmax.scan.msk.u32 $0xffff, v7;
	_ =	sdelay $0x3  }
0xef: {  	v7, _, _ =	vpop (xrf0);
	(v2sf) =	vpush v9, $0xF  }
0xf0: {  	(v2sf) =	vpush v7, $0xF  }
0xf1: {  	v8, _, _ =	vpop (xrf0)  }
0xf2: {  	(v2sf) =	vpush v8, $0xF;
	_ =	sdelay $0xb  }
0xf3: {  	s16 =	spop (v2sf)  }
0xf4: {  	s17 =	spop (v2sf)  }
0xf5: {  	p2 =	sgt.f32 s16, $-Inf;
	p1 =	sgt.f32 s17, s16  }
0xf6: {  	s16 =	spop (v2sf)  }
0xf7: {  	s16 =	sxor.u32 $0x80000000, s16  }
0xf8: {  	s19 =	smov.u32 s11;
	s17 =	sadd.s32 s11, s5;
	p2 =	por !p2, !p1;
	vm3 =	veq.s32 v4, s16  }
0xf9: {  	p2 =	por !p2, !p2;
	p3 =	sge.s32 s16, s5;
	s18 =	ssub.s32 s16, s5;
	vm3 =	vmand vm2, vm3;
	vm2 =	vmmov vm0  }
0xfa: {  	v7 =	vbroadcast v7, $0xF;
	p4 =	slt.s32 s16, s5;
	p3 =	por !p3, !p2;
	s19 =	smov.u32 @p1 s18;
	vm2 =	vmneg @p1 vm2  }
0xfb: {  	vm4 =	vmmov vm0;
	p2 =	por !p4, !p2;
	p1 =	por !p1, !p1;
	p3 =	por !p3, !p3;
	vm2 =	vmand vm3, vm2  }
0xfc: {  	s11 =	smov.u32 s15;
	p2 =	por !p2, !p2;
	p1 =	por p3, p1;
	v6 =	vsel vm2, v7, v6;
	v4 =	vsel vm2, s17, v4;
	vm2 =	vmmov vm0  }
0xfd: {  	vm4 =	vmneg @p2 vm4;
	vm2 =	vmneg @p1 vm2  }
0xfe: {  	vm3 =	vmand vm3, vm4;
	vm2 =	vmand vm2, vm1  }
.Ltmp6:
0xff: {  	v7 =	vmov s19;
	v5 =	vsel vm3, s17, v5;
	(pc) =	sbr.rel @p0 .LBB2_9-.Ltmp6, $3  }
0x100: {  	_ =	sdelay $0x1  }
0x101: {  	s12 =	sadd.s32 $0x4, s12;
	(xrf0) =	vmin.scan.msk.f32 $0xffff, v6  }
0x102: {  	s15 =	sand.u32 $0x1C0, s12;
	v8 =	vmov s17  }
0x103: {  	_ =	sdelay $0x4  }
0x104: {  	s12 =	sshrl.u32 s15, $0x2;
	[tilespmem:v7+s10+$0x0] =	vst.idx.msk vm2, v8  }
0x105: {  	v7 =	vld [tilespmem:s12+$0x0];
	_ =	sdelay $0x1  }
0x106: {  	s21 =	sand.u32 $0xF, s11  }
0x107: {  	v38 =	vmov s21;
	v9, _, _ =	vpop (xrf0)  }
0x108: {  	vm13 =	veq.s32 v38, v3;
	v39 =	vbroadcast v9, $0xF  }
0x109: {  	v7 =	vnsel vm13, $0x7F800000, v7  }
0x10a: {  	v40 =	vxor.u32 $0x80000000, v4;
	vm14 =	veq.f32 v6, v39;
	(xrf0) =	vmin.scan.msk.f32 $0xffff, v7  }
0x10b: {  	v3 =	vnsel vm14, $0x0, v40  }
0x10c: {  	(xrf0) =	vmax.scan.msk.u32 $0xffff, v3;
	_ =	sdelay $0x3  }
0x10d: {  	(v2sf) =	vpush v9, $0xF;
	v41, _, _ =	vpop (xrf0)  }
0x10e: {  	(v2sf) =	vpush v41, $0xF  }
0x10f: {  	v42, _, _ =	vpop (xrf0)  }
0x110: {  	(v2sf) =	vpush v42, $0xF;
	_ =	sdelay $0xb  }
0x111: {  	s22 =	spop (v2sf)  }
0x112: {  	s14 =	spop (v2sf)  }
0x113: {  	p0 =	sgt.f32 s22, $-Inf;
	p1 =	sgt.f32 s14, s22  }
0x114: {  	s23 =	spop (v2sf)  }
0x115: {  	s12 =	sxor.u32 $0x80000000, s23;
	p0 =	por !p0, !p1  }
0x116: {  	p0 =	por !p0, !p0;
	p2 =	sge.s32 s12, s5  }
0x117: {  	p2 =	por !p2, !p0  }
0x118: {  	p3 =	por !p1, !p1;
	p2 =	por !p2, !p2  }
0x119: {  	vm3 =	vmmov vm0;
	p2 =	por p2, p3  }
0x11a: {  	s15 =	ssub.s32 s12, s5;
	vm3 =	vmneg @p2 vm3  }
0x11b: {  	s24 =	sadd.s32 s11, s5;
	s11 =	smov.u32 @p1 s15;
	vm1 =	vmand vm3, vm1  }
0x11c: {  	v43 =	vmov s11;
	_ =	sdelay $0x3  }
0x11d: {  	v44 =	vmov s24;
	p6 =	slt.s32 s12, s5  }
0x11e: {  	p0 =	por !p6, !p0;
	[tilespmem:v43+s10+$0x0] =	vst.idx.msk vm1, v44  }
0x11f: {  	s25 =	simm.s32 $0x180;
	s26 =	simm.s32 $0x3;
	p0 =	por !p0, !p0;
	[tilespmem:$0x180] =	vst v1  }
0x120: {  	vm15 =	veq.s32 v4, s12;
	[spmem:s13] =	stream.linear.scatter [tilespmem:s25], [sflag:$0x3], $0x10, $0x38;
	[tilespmem:$0x6540] =	vst v63  }
0x121: {  	vm0 =	vmneg @p0 vm0;
	vm1 =	vmand vm14, vm15;
	_ =	swait.ge [sflag:s26], $0x10  }
0x122: {  	vm0 =	vmand vm1, vm0;
	[sflag:s26] =	ssyncset.done $0x0  }
0x123: {  	v45 =	vsel vm0, s24, v5;
	[sflag:s26] =	ssyncadd.s32 $0xFFFFFFF0  }
0x124: {  	[tilespmem:$0x180] =	vst v45  }
0x125: {  	[spmem:s9] =	stream.linear.scatter [tilespmem:s25], [sflag:$0x3], $0x10, $0x38;
	[tilespmem:$0x6540] =	vst v63  }
0x126: {  	_ =	swait.ge [sflag:s26], $0x10  }
0x127: {  	[sflag:s26] =	ssyncset.done $0x0  }
0x128: {  	[sflag:s26] =	ssyncadd.s32 $0xFFFFFFF0  }
0x129: {  	s28 =	simm.s32 $0x300;
	[bflag:$0x0] =	sbarrier.arrive $0xFFFF  }
0x12a: {  	[tilespmem:s28], [sflag:$0x3] =	stream.linear.gather [spmem:s4], $0x100, $0x38;
	[tilespmem:$0x6540] =	vst v63  }
0x12b: {  	_ =	swait.ge [sflag:s26], $0x100  }
0x12c: {  	[sflag:s26] =	ssyncset.done $0x0  }
0x12d: {  	s29 =	simm.s32 $0x400;
	[sflag:s26] =	ssyncadd.s32 $0xFFFFFF00  }
0x12e: {  	[tilespmem:s29], [sflag:$0x3] =	stream.linear.gather [spmem:s3], $0x100, $0x38;
	[tilespmem:$0x6540] =	vst v63  }
0x12f: {  	_ =	swait.ge [sflag:s26], $0x100  }
0x130: {  	[sflag:s26] =	ssyncset.done $0x0  }
0x131: {  	[sflag:s26] =	ssyncadd.s32 $0xFFFFFF00  }
0x132: {  	v46 =	vld [tilespmem:$0x300]  }
0x133: {  	v47 =	vld [tilespmem:$0x400];
	_ =	sdelay $0x4  }
0x134: {  	vm4 =	vgt.s32 v47, $0xFFFFFFFF;
	vm5 =	vge.s32 v46, v0  }
0x135: {  	vm6 =	vlt.s32 v46, v2;
	v48 =	vsub.s32 v46, v0;
	vm0 =	vmand vm5, vm4  }
0x136: {  	v1 =	vand.u32 $0x7F, v46;
	v4 =	vand.u32 $0xFFFFFF80, v48;
	vm0 =	vmand vm6, vm0  }
0x137: {  	v1 =	vor.u32 v1, v4;
	_ =	sdelay $0x3  }
0x138: {  	s30 =	simm.s32 $0x80  }
0x139: {  	[tilespmem:v1+s30+$0x0] =	vst.idx.msk vm0, v47  }
0x13a: {  	v1 =	vld [tilespmem:$0x310]  }
0x13b: {  	v3 =	vld [tilespmem:$0x410];
	_ =	sdelay $0x4  }
0x13c: {  	vm7 =	vgt.s32 v3, $0xFFFFFFFF;
	vm8 =	vge.s32 v1, v0  }
0x13d: {  	vm9 =	vlt.s32 v1, v2;
	v49 =	vsub.s32 v1, v0;
	vm0 =	vmand vm8, vm7  }
0x13e: {  	v1 =	vand.u32 $0x7F, v1;
	v4 =	vand.u32 $0xFFFFFF80, v49;
	vm0 =	vmand vm9, vm0  }
0x13f: {  	v1 =	vor.u32 v1, v4;
	_ =	sdelay $0x4  }
0x140: {  	[tilespmem:v1+s30+$0x0] =	vst.idx.msk vm0, v3  }
0x141: {  	v1 =	vld [tilespmem:$0x320]  }
0x142: {  	v3 =	vld [tilespmem:$0x420];
	_ =	sdelay $0x4  }
0x143: {  	vm10 =	vgt.s32 v3, $0xFFFFFFFF;
	vm11 =	vge.s32 v1, v0  }
0x144: {  	vm12 =	vlt.s32 v1, v2;
	v50 =	vsub.s32 v1, v0;
	vm0 =	vmand vm11, vm10  }
0x145: {  	v1 =	vand.u32 $0x7F, v1;
	v4 =	vand.u32 $0xFFFFFF80, v50;
	vm0 =	vmand vm12, vm0  }
0x146: {  	v1 =	vor.u32 v1, v4;
	_ =	sdelay $0x4  }
0x147: {  	[tilespmem:v1+s30+$0x0] =	vst.idx.msk vm0, v3  }
0x148: {  	v1 =	vld [tilespmem:$0x330]  }
0x149: {  	v3 =	vld [tilespmem:$0x430];
	_ =	sdelay $0x4  }
0x14a: {  	vm13 =	vgt.s32 v3, $0xFFFFFFFF;
	vm14 =	vge.s32 v1, v0  }
0x14b: {  	vm15 =	vlt.s32 v1, v2;
	v51 =	vsub.s32 v1, v0;
	vm0 =	vmand vm14, vm13  }
0x14c: {  	v1 =	vand.u32 $0x7F, v1;
	v4 =	vand.u32 $0xFFFFFF80, v51;
	vm0 =	vmand vm15, vm0  }
0x14d: {  	v1 =	vor.u32 v1, v4;
	_ =	sdelay $0x4  }
0x14e: {  	[tilespmem:v1+s30+$0x0] =	vst.idx.msk vm0, v3  }
0x14f: {  	v1 =	vld [tilespmem:$0x340]  }
0x150: {  	v3 =	vld [tilespmem:$0x440];
	_ =	sdelay $0x4  }
0x151: {  	vm4 =	vgt.s32 v3, $0xFFFFFFFF;
	vm5 =	vge.s32 v1, v0  }
0x152: {  	vm6 =	vlt.s32 v1, v2;
	v52 =	vsub.s32 v1, v0;
	vm0 =	vmand vm5, vm4  }
0x153: {  	v1 =	vand.u32 $0x7F, v1;
	v4 =	vand.u32 $0xFFFFFF80, v52;
	vm0 =	vmand vm6, vm0  }
0x154: {  	v1 =	vor.u32 v1, v4;
	_ =	sdelay $0x4  }
0x155: {  	[tilespmem:v1+s30+$0x0] =	vst.idx.msk vm0, v3  }
0x156: {  	v1 =	vld [tilespmem:$0x350]  }
0x157: {  	v3 =	vld [tilespmem:$0x450];
	_ =	sdelay $0x4  }
0x158: {  	vm7 =	vgt.s32 v3, $0xFFFFFFFF;
	vm8 =	vge.s32 v1, v0  }
0x159: {  	vm9 =	vlt.s32 v1, v2;
	v53 =	vsub.s32 v1, v0;
	vm0 =	vmand vm8, vm7  }
0x15a: {  	v1 =	vand.u32 $0x7F, v1;
	v4 =	vand.u32 $0xFFFFFF80, v53;
	vm0 =	vmand vm9, vm0  }
0x15b: {  	v1 =	vor.u32 v1, v4;
	_ =	sdelay $0x4  }
0x15c: {  	[tilespmem:v1+s30+$0x0] =	vst.idx.msk vm0, v3  }
0x15d: {  	v1 =	vld [tilespmem:$0x360]  }
0x15e: {  	v3 =	vld [tilespmem:$0x460];
	_ =	sdelay $0x4  }
0x15f: {  	vm10 =	vgt.s32 v3, $0xFFFFFFFF;
	vm11 =	vge.s32 v1, v0  }
0x160: {  	vm12 =	vlt.s32 v1, v2;
	v54 =	vsub.s32 v1, v0;
	vm0 =	vmand vm11, vm10  }
0x161: {  	v1 =	vand.u32 $0x7F, v1;
	v4 =	vand.u32 $0xFFFFFF80, v54;
	vm0 =	vmand vm12, vm0  }
0x162: {  	v1 =	vor.u32 v1, v4;
	_ =	sdelay $0x4  }
0x163: {  	[tilespmem:v1+s30+$0x0] =	vst.idx.msk vm0, v3  }
0x164: {  	v1 =	vld [tilespmem:$0x370]  }
0x165: {  	v3 =	vld [tilespmem:$0x470];
	_ =	sdelay $0x4  }
0x166: {  	vm13 =	vgt.s32 v3, $0xFFFFFFFF;
	vm14 =	vge.s32 v1, v0  }
0x167: {  	vm15 =	vlt.s32 v1, v2;
	v55 =	vsub.s32 v1, v0;
	vm0 =	vmand vm14, vm13  }
0x168: {  	v1 =	vand.u32 $0x7F, v1;
	v4 =	vand.u32 $0xFFFFFF80, v55;
	vm0 =	vmand vm15, vm0  }
0x169: {  	v1 =	vor.u32 v1, v4;
	_ =	sdelay $0x4  }
0x16a: {  	[tilespmem:v1+s30+$0x0] =	vst.idx.msk vm0, v3  }
0x16b: {  	v1 =	vld [tilespmem:$0x380]  }
0x16c: {  	v3 =	vld [tilespmem:$0x480];
	_ =	sdelay $0x4  }
0x16d: {  	vm4 =	vgt.s32 v3, $0xFFFFFFFF;
	vm5 =	vge.s32 v1, v0  }
0x16e: {  	vm6 =	vlt.s32 v1, v2;
	v56 =	vsub.s32 v1, v0;
	vm0 =	vmand vm5, vm4  }
0x16f: {  	v1 =	vand.u32 $0x7F, v1;
	v4 =	vand.u32 $0xFFFFFF80, v56;
	vm0 =	vmand vm6, vm0  }
0x170: {  	v1 =	vor.u32 v1, v4;
	_ =	sdelay $0x4  }
0x171: {  	[tilespmem:v1+s30+$0x0] =	vst.idx.msk vm0, v3  }
0x172: {  	v1 =	vld [tilespmem:$0x390]  }
0x173: {  	v3 =	vld [tilespmem:$0x490];
	_ =	sdelay $0x4  }
0x174: {  	vm7 =	vgt.s32 v3, $0xFFFFFFFF;
	vm8 =	vge.s32 v1, v0  }
0x175: {  	vm9 =	vlt.s32 v1, v2;
	v57 =	vsub.s32 v1, v0;
	vm0 =	vmand vm8, vm7  }
0x176: {  	v1 =	vand.u32 $0x7F, v1;
	v4 =	vand.u32 $0xFFFFFF80, v57;
	vm0 =	vmand vm9, vm0  }
0x177: {  	v1 =	vor.u32 v1, v4;
	_ =	sdelay $0x4  }
0x178: {  	[tilespmem:v1+s30+$0x0] =	vst.idx.msk vm0, v3  }
0x179: {  	v1 =	vld [tilespmem:$0x3A0]  }
0x17a: {  	v3 =	vld [tilespmem:$0x4A0];
	_ =	sdelay $0x4  }
0x17b: {  	vm10 =	vgt.s32 v3, $0xFFFFFFFF;
	vm11 =	vge.s32 v1, v0  }
0x17c: {  	vm12 =	vlt.s32 v1, v2;
	v58 =	vsub.s32 v1, v0;
	vm0 =	vmand vm11, vm10  }
0x17d: {  	v1 =	vand.u32 $0x7F, v1;
	v4 =	vand.u32 $0xFFFFFF80, v58;
	vm0 =	vmand vm12, vm0  }
0x17e: {  	v1 =	vor.u32 v1, v4;
	_ =	sdelay $0x4  }
0x17f: {  	[tilespmem:v1+s30+$0x0] =	vst.idx.msk vm0, v3  }
0x180: {  	v1 =	vld [tilespmem:$0x3B0]  }
0x181: {  	v3 =	vld [tilespmem:$0x4B0];
	_ =	sdelay $0x4  }
0x182: {  	vm13 =	vgt.s32 v3, $0xFFFFFFFF;
	vm14 =	vge.s32 v1, v0  }
0x183: {  	vm15 =	vlt.s32 v1, v2;
	v59 =	vsub.s32 v1, v0;
	vm0 =	vmand vm14, vm13  }
0x184: {  	v1 =	vand.u32 $0x7F, v1;
	v4 =	vand.u32 $0xFFFFFF80, v59;
	vm0 =	vmand vm15, vm0  }
0x185: {  	v1 =	vor.u32 v1, v4;
	_ =	sdelay $0x4  }
0x186: {  	[tilespmem:v1+s30+$0x0] =	vst.idx.msk vm0, v3  }
0x187: {  	v1 =	vld [tilespmem:$0x3C0]  }
0x188: {  	v3 =	vld [tilespmem:$0x4C0];
	_ =	sdelay $0x4  }
0x189: {  	vm4 =	vgt.s32 v3, $0xFFFFFFFF;
	vm5 =	vge.s32 v1, v0  }
0x18a: {  	vm6 =	vlt.s32 v1, v2;
	v60 =	vsub.s32 v1, v0;
	vm0 =	vmand vm5, vm4  }
0x18b: {  	v1 =	vand.u32 $0x7F, v1;
	v4 =	vand.u32 $0xFFFFFF80, v60;
	vm0 =	vmand vm6, vm0  }
0x18c: {  	v1 =	vor.u32 v1, v4;
	_ =	sdelay $0x4  }
0x18d: {  	[tilespmem:v1+s30+$0x0] =	vst.idx.msk vm0, v3  }
0x18e: {  	v1 =	vld [tilespmem:$0x3D0]  }
0x18f: {  	v3 =	vld [tilespmem:$0x4D0];
	_ =	sdelay $0x4  }
0x190: {  	vm7 =	vgt.s32 v3, $0xFFFFFFFF;
	vm8 =	vge.s32 v1, v0  }
0x191: {  	vm9 =	vlt.s32 v1, v2;
	v61 =	vsub.s32 v1, v0;
	vm0 =	vmand vm8, vm7  }
0x192: {  	v1 =	vand.u32 $0x7F, v1;
	v4 =	vand.u32 $0xFFFFFF80, v61;
	vm0 =	vmand vm9, vm0  }
0x193: {  	v1 =	vor.u32 v1, v4;
	_ =	sdelay $0x4  }
0x194: {  	[tilespmem:v1+s30+$0x0] =	vst.idx.msk vm0, v3  }
0x195: {  	v1 =	vld [tilespmem:$0x3E0]  }
0x196: {  	v3 =	vld [tilespmem:$0x4E0];
	_ =	sdelay $0x4  }
0x197: {  	vm10 =	vgt.s32 v3, $0xFFFFFFFF;
	vm11 =	vge.s32 v1, v0  }
0x198: {  	vm12 =	vlt.s32 v1, v2;
	v62 =	vsub.s32 v1, v0;
	vm0 =	vmand vm11, vm10  }
0x199: {  	v1 =	vand.u32 $0x7F, v1;
	v4 =	vand.u32 $0xFFFFFF80, v62;
	vm0 =	vmand vm12, vm0  }
0x19a: {  	v1 =	vor.u32 v1, v4;
	_ =	sdelay $0x4  }
0x19b: {  	[tilespmem:v1+s30+$0x0] =	vst.idx.msk vm0, v3  }
0x19c: {  	v1 =	vld [tilespmem:$0x3F0]  }
0x19d: {  	v3 =	vld [tilespmem:$0x4F0];
	_ =	sdelay $0x4  }
0x19e: {  	vm13 =	vgt.s32 v3, $0xFFFFFFFF;
	vm14 =	vge.s32 v1, v0  }
0x19f: {  	vm15 =	vlt.s32 v1, v2;
	v63 =	vsub.s32 v1, v0;
	vm0 =	vmand vm14, vm13  }
0x1a0: {  	v1 =	vand.u32 $0x7F, v1;
	v0 =	vand.u32 $0xFFFFFF80, v63;
	vm0 =	vmand vm15, vm0  }
0x1a1: {  	v0 =	vor.u32 v1, v0;
	_ =	sdelay $0x4  }
0x1a2: {  	s31 =	simm.s32 $0x0;
	[tilespmem:v0+s30+$0x0] =	vst.idx.msk vm0, v3  }
0x1a3: {  	[hbm4b:s8+s31] =	stream.linear.scatter [tilespmem:s30], [sflag:$0x3], $0x80, $0x38;
	[tilespmem:$0x6540] =	vst v63  }
0x1a4: {  	_ =	swait.ge [sflag:s26], $0x80  }
0x1a5: {  	p0 =	sne.s32 s2, $0x0;
	[sflag:s26] =	ssyncset.done $0x0  }
0x1a6: {  	s2 =	simm.s32 @!p0 $0x1;
	[sflag:s26] =	ssyncadd.s32 $0xFFFFFF80  }
0x1a7: {  	_ =	swait.ge @!p0 [sflag:s2], $0x3000  }
0x1a8: {  	[sflag:s2] =	ssyncset.done @!p0 $0x0  }
0x1a9: {  	s3 =	simm.s32 @!p0 $0x500;
	[sflag:s2] =	ssyncadd.s32 @!p0 $0xFFFFD000;
	s2 =	simm.s32 @!p0 $0x0  }
0x1aa: {  	[hbm4b:s7+s2] =	stream.linear.scatter @!p0 [tilespmem:s3], [sflag:$0x3], $0x3000, $0x38;
	[tilespmem:$0x6540] =	vst v63  }
0x1ab: {  	s3 =	simm.s32 @!p0 $0x3  }
0x1ac: {  	_ =	swait.ge @!p0 [sflag:s3], $0x3000  }
0x1ad: {  	[sflag:s3] =	ssyncset.done @!p0 $0x0  }
0x1ae: {  	s4 =	simm.s32 @!p0 $0x2;
	[sflag:s3] =	ssyncadd.s32 @!p0 $0xFFFFD000  }
0x1af: {  	_ =	swait.ge @!p0 [sflag:s4], $0x3000  }
0x1b0: {  	[sflag:s4] =	ssyncset.done @!p0 $0x0  }
0x1b1: {  	[sflag:s4] =	ssyncadd.s32 @!p0 $0xFFFFD000;
	s4 =	simm.s32 @!p0 $0x3500  }
0x1b2: {  	[hbm4b:s6+s2] =	stream.linear.scatter @!p0 [tilespmem:s4], [sflag:$0x3], $0x3000, $0x38;
	[tilespmem:$0x6540] =	vst v63  }
0x1b3: {  	_ =	swait.ge @!p0 [sflag:s3], $0x3000  }
0x1b4: {  	[sflag:s3] =	ssyncset.done @!p0 $0x0  }
0x1b5: {  	[sflag:s3] =	ssyncadd.s32 @!p0 $0xFFFFD000  }
.LBB2_11:
0x1b6: {  	_ =	sfence.sel $0x180000  }
0x1b7: {  	[bflag:$0x0] =	sbarrier.arrive $0xFFFF  }
0x1b8: {  	p0 =	sne.s32 s1, $0x0;
	_ =	strace $0x90000047  }
0x1b9: {  	s0 =	sadd.s32 @!p0 $0x100000, s0;
	[bflag:$0x2] =	sbarrier.arrive $0xFFFF  }
0x1ba: {  	[sflag:s0] =	ssyncadd.tile.s32 @!p0 $0x1;
	_ =	shalt  }
.LBB2_3:
.Ltmp7:
0x1bb: {  	(pc) =	sbr.rel .LBB2_6-.Ltmp7, $2  }
0x1bc: {  	_ =	sdelay $0x2  }
0x1bd: {  	_ = 	snop  }
.Lfunc_end2:
_tile_overlayer_lowered:
.L_overlay_start_2:
0x1be: {  	(tag) =	ssettag $0x2  }
0x1bf: {  	s0 =	rddreg [dreg:$0x0];
	s2 =	stileid.u32  }
0x1c0: {  	s1 =	rddreg [dreg:$0x1];
	p0 =	sne.s32 s2, $0x0  }
0x1c1: {  	s3 =	rddreg [dreg:$0x2];
	[bflag:$0x3] =	sbarrier.arrive $0xFFFF;
	s2 =	simm.s32 @!p0 $0x1C03  }
0x1c2: {  	[timem:s3], [sflag:s2] =	dma.local @!p0 [hbm:s0], s1  }
0x1c3: {  	s0 =	simm.s32 @!p0 $0x3  }
0x1c4: {  	_ =	swait.ge @!p0 [sflag:s0], s1  }
0x1c5: {  	s1 =	ssub.s32 @!p0 $0x0, s1;
	[sflag:s0] =	ssyncset.done @!p0 $0x0  }
0x1c6: {  	[sflag:s0] =	ssyncadd.s32 @!p0 s1  }
0x1c7: {  	[bflag:$0x3] =	sbarrier.arrive $0xFFFF  }
0x1c8: {  	_ =	shalt  }

</sc_bundles>
